<compile_context>
chip_gen: v7x
topology: tpu7x:2x2x1
jax: 0.10.2.dev20260603
libtpu: 0.0.44.dev20260713+nightly
codegen_flags: <defaults>
</compile_context>

<pallas_src>
import functools

import jax
import jax.numpy as jnp
from jax import lax
from jax.experimental import pallas as pl
from jax.experimental.pallas import tpu as pltpu
from jax.experimental.pallas import tpu_sc as plsc


def _make_sc_kernel(B, fh, fw, fd, nv):
    P = B * nv
    NC, NS = 2, 16
    NW = NC * NS
    C = P // NW
    K = 48
    R = C // K
    assert R % 2 == 0
    mesh = plsc.VectorSubcoreMesh(core_axis_name="c", subcore_axis_name="s")

    def idx_scr():
        return [pltpu.VMEM((K,), jnp.int32) for _ in range(4)]

    def w_scr():
        return [pltpu.VMEM((K + 16,), jnp.float32) for _ in range(4)]

    def row_scr():
        return [pltpu.VMEM((K, fd), jnp.float32) for _ in range(4)]

    @functools.partial(
        pl.kernel,
        mesh=mesh,
        out_type=jax.ShapeDtypeStruct((P, fd), jnp.float32),
        scratch_types=[
            pltpu.VMEM((C,), jnp.float32),
            pltpu.VMEM((C,), jnp.float32),
            *idx_scr(), *idx_scr(),
            *w_scr(), *w_scr(),
            *row_scr(), *row_scr(),
            pltpu.SemaphoreType.DMA,
            pltpu.SemaphoreType.DMA,
            pltpu.SemaphoreType.DMA,
            pltpu.SemaphoreType.DMA,
        ],
    )
    def k(table, pxh, pyh, out, pxv, pyv, *scr):
        idx = (scr[0:4], scr[4:8])
        w = (scr[8:12], scr[12:16])
        rows = (scr[16:20], scr[20:24])
        sems = (scr[24], scr[25])
        osems = (scr[26], scr[27])
        wid = lax.axis_index("s") * NC + lax.axis_index("c")
        base = wid * C
        row0 = (base // nv) * nv
        pltpu.sync_copy(pxh.at[pl.ds(base, C)], pxv)
        pltpu.sync_copy(pyh.at[pl.ds(base, C)], pyv)

        def idx_compute(r, b):
            off = r * K
            for g in range(K // 16):
                s = g * 16
                px = pxv[pl.ds(off + s, 16)]
                py = pyv[pl.ds(off + s, 16)]
                imx = jnp.minimum(jnp.maximum(px * float(fw - 1), 0.0),
                                  float(fw - 1))
                imy = jnp.minimum(jnp.maximum(py * float(fh - 1), 0.0),
                                  float(fh - 1))
                x0 = imx.astype(jnp.int32)
                y0 = imy.astype(jnp.int32)
                x1 = jnp.minimum(x0 + 1, fw - 1)
                y1 = jnp.minimum(y0 + 1, fh - 1)
                x0f = x0.astype(jnp.float32)
                x1f = x1.astype(jnp.float32)
                y0f = y0.astype(jnp.float32)
                y1f = y1.astype(jnp.float32)
                r0 = row0 + y0 * fw
                r1 = row0 + y1 * fw
                idx[b][0][pl.ds(s, 16)] = r0 + x0
                idx[b][1][pl.ds(s, 16)] = r1 + x0
                idx[b][2][pl.ds(s, 16)] = r0 + x1
                idx[b][3][pl.ds(s, 16)] = r1 + x1
                dx1 = x1f - imx
                dx0 = imx - x0f
                dy1 = y1f - imy
                dy0 = imy - y0f
                w[b][0][pl.ds(s, 16)] = dx1 * dy1
                w[b][1][pl.ds(s, 16)] = dx1 * dy0
                w[b][2][pl.ds(s, 16)] = dx0 * dy1
                w[b][3][pl.ds(s, 16)] = dx0 * dy0

        def fire(b):
            for j in range(4):
                pltpu.async_copy(table.at[idx[b][j]], rows[b][j], sems[b])

        def drain(b):
            for j in range(4):
                pltpu.make_async_copy(table.at[idx[b][j]], rows[b][j],
                                      sems[b]).wait()

        def blend_and_out(r, b):
            ra, rb, rc, rd = rows[b]
            wa, wb, wc, wd = w[b]

            def blend(p, carry):
                a = wa[pl.ds(p, 16)][0]
                bb = wb[pl.ds(p, 16)][0]
                cc = wc[pl.ds(p, 16)][0]
                dd = wd[pl.ds(p, 16)][0]
                for j in range(fd // 16):
                    sl = pl.ds(j * 16, 16)
                    ra[p, sl] = (a * ra[p, sl] + bb * rb[p, sl]
                                 + cc * rc[p, sl] + dd * rd[p, sl])
                return carry

            lax.fori_loop(0, K, blend, 0, unroll=1)
            pltpu.async_copy(ra, out.at[pl.ds(base + r * K, K)], osems[b])

        idx_compute(0, 0)
        fire(0)

        def outer(rr, carry):
            for b in range(2):
                r = 2 * rr + b
                nb = 1 - b

                @pl.when(r + 1 < R)
                def _():
                    idx_compute(r + 1, nb)

                    @pl.when(r >= 1)
                    def _():
                        pltpu.make_async_copy(
                            rows[nb][0],
                            out.at[pl.ds(base + (r - 1) * K, K)],
                            osems[nb]).wait()

                    fire(nb)

                drain(b)
                blend_and_out(r, b)
            return carry

        lax.fori_loop(0, R // 2, outer, 0)
        for b in range(2):
            pltpu.make_async_copy(rows[b][0],
                                  out.at[pl.ds(base + (R - 2 + b) * K, K)],
                                  osems[b]).wait()

    return k


def kernel(x, proj_xy):
    B, fh, fw, fd = x.shape
    nv = proj_xy.shape[-1]
    table = x.reshape(B * fh * fw, fd)
    px = proj_xy[:, 0, :].reshape(B * nv)
    py = proj_xy[:, 1, :].reshape(B * nv)
    out = _make_sc_kernel(B, fh, fw, fd, nv)(table, px, py)
    return out.reshape(B, 1, fh, fw, fd)

# --- scband reference (transcript-rebuilt; emitter-appended) ---
"""Pipeline reference for scband-spatial-transformer-2-dto2-d-real-64106681860170 (READ-ONLY COPY).

The authoritative reference and input builder live on the scoring server;
editing this copy changes nothing except your own understanding.
"""

import jax, jax.numpy as jnp
import numpy as np

# Ground-plane grid: W=160 (gp_x), H=120 (gp_y), nV = H*W = 19200 sample points per view.
# The original layer computes per-view image coordinates (im_x, im_y) from camera calibration
# files (numpy constants at graph-build time) and bilinearly samples the feature map at those
# coordinates. Here the projected coordinates are supplied as a normalized float input
# proj_xy[B, 2, nV] in [0,1), scaled to pixel range inside reference (they are constants
# w.r.t. the network in the original, baked in via tf.constant).

def setup_inputs(seed: int = 0) -> dict:
    key = jax.random.key(seed)
    k1, k2 = jax.random.split(key)
    x = jax.random.normal(k1, (8, 120, 160, 256), dtype=jnp.float32)
    proj_xy = jax.random.uniform(k2, (8, 2, 19200), dtype=jnp.float32)
    return {"x": x, "proj_xy": proj_xy}


def reference(x, proj_xy):
    B, fh, fw, fdim = x.shape
    nV = proj_xy.shape[-1]
    patch_num = 1
    gp_y, gp_x = 120, 160  # output_size
    # scale normalized coords to pixel space, then clip (mirrors tf.clip_by_value)
    im_x = jnp.clip(proj_xy[:, 0, :] * (fw - 1), 0.0, float(fw - 1))
    im_y = jnp.clip(proj_xy[:, 1, :] * (fh - 1), 0.0, float(fh - 1))
    im_x0 = jnp.floor(im_x).astype(jnp.int32)
    im_x1 = jnp.clip(im_x0 + 1, 0, fw - 1)
    im_y0 = jnp.floor(im_y).astype(jnp.int32)
    im_y1 = jnp.clip(im_y0 + 1, 0, fh - 1)
    im_x0_f = im_x0.astype(jnp.float32)
    im_x1_f = im_x1.astype(jnp.float32)
    im_y0_f = im_y0.astype(jnp.float32)
    im_y1_f = im_y1.astype(jnp.float32)
    # gather_nd equivalent: flatten spatial dims, gather per-batch (im_ind handled by batch axis)
    flat = x.reshape(B, fh * fw, fdim)
    def _gather(yy, xx):
        idx = yy * fw + xx  # [B, nV]
        return jnp.take_along_axis(flat, idx[:, :, None], axis=1)  # [B, nV, fdim]
    Ia = _gather(im_y0, im_x0)
    Ib = _gather(im_y1, im_x0)
    Ic = _gather(im_y0, im_x1)
    Id = _gather(im_y1, im_x1)
    wa = ((im_x1_f - im_x) * (im_y1_f - im_y))[:, :, None]
    wb = ((im_x1_f - im_x) * (im_y - im_y0_f))[:, :, None]
    wc = ((im_x - im_x0_f) * (im_y1_f - im_y))[:, :, None]
    wd = ((im_x - im_x0_f) * (im_y - im_y0_f))[:, :, None]
    Ibilin = wa * Ia + wb * Ib + wc * Ic + wd * Id  # [B, nV, fdim]
    out = Ibilin.reshape(B // patch_num, patch_num, gp_y, gp_x, fdim)
    return out

if __name__ == "__main__":
    import jax
    _d = setup_inputs()
    print(jax.jit(kernel)(*tuple(_d.values())))

</pallas_src>

<mosaic_0001>
#map = affine_map<(d0, d1) -> (0, 0)>
#map1 = affine_map<(d0, d1) -> (0)>
module attributes {stable_mosaic.version = 14 : i64} {
  func.func @k(%arg0: i32, %arg1: i32, %arg2: memref<153600x256xf32, #tpu.memory_space<hbm>>, %arg3: memref<153600xf32, #tpu.memory_space<hbm>>, %arg4: memref<153600xf32, #tpu.memory_space<hbm>>, %arg5: memref<153600x256xf32, #tpu.memory_space<hbm>>, %arg6: memref<4800xf32, #tpu.memory_space<vmem>>, %arg7: memref<4800xf32, #tpu.memory_space<vmem>>, %arg8: memref<48xi32, #tpu.memory_space<vmem>>, %arg9: memref<48xi32, #tpu.memory_space<vmem>>, %arg10: memref<48xi32, #tpu.memory_space<vmem>>, %arg11: memref<48xi32, #tpu.memory_space<vmem>>, %arg12: memref<48xi32, #tpu.memory_space<vmem>>, %arg13: memref<48xi32, #tpu.memory_space<vmem>>, %arg14: memref<48xi32, #tpu.memory_space<vmem>>, %arg15: memref<48xi32, #tpu.memory_space<vmem>>, %arg16: memref<64xf32, #tpu.memory_space<vmem>>, %arg17: memref<64xf32, #tpu.memory_space<vmem>>, %arg18: memref<64xf32, #tpu.memory_space<vmem>>, %arg19: memref<64xf32, #tpu.memory_space<vmem>>, %arg20: memref<64xf32, #tpu.memory_space<vmem>>, %arg21: memref<64xf32, #tpu.memory_space<vmem>>, %arg22: memref<64xf32, #tpu.memory_space<vmem>>, %arg23: memref<64xf32, #tpu.memory_space<vmem>>, %arg24: memref<48x256xf32, #tpu.memory_space<vmem>>, %arg25: memref<48x256xf32, #tpu.memory_space<vmem>>, %arg26: memref<48x256xf32, #tpu.memory_space<vmem>>, %arg27: memref<48x256xf32, #tpu.memory_space<vmem>>, %arg28: memref<48x256xf32, #tpu.memory_space<vmem>>, %arg29: memref<48x256xf32, #tpu.memory_space<vmem>>, %arg30: memref<48x256xf32, #tpu.memory_space<vmem>>, %arg31: memref<48x256xf32, #tpu.memory_space<vmem>>, %arg32: memref<!tpu.dma_semaphore, #tpu.memory_space<semaphore_mem>>, %arg33: memref<!tpu.dma_semaphore, #tpu.memory_space<semaphore_mem>>, %arg34: memref<!tpu.dma_semaphore, #tpu.memory_space<semaphore_mem>>, %arg35: memref<!tpu.dma_semaphore, #tpu.memory_space<semaphore_mem>>) attributes {dimension_semantics = [#tpu.dimension_semantics<core_parallel>, #tpu.dimension_semantics<subcore_parallel>], iteration_bounds = array<i64: 2, 16>, scalar_prefetch = 0 : i64, scratch_operands = 30 : i64, tpu.core_type = #tpu.core_type<sc_vector_subcore>, window_params = [{transform_indices = #map}, {transform_indices = #map1}, {transform_indices = #map1}, {transform_indices = #map}]} {
    %mul3A = arith.constant 2 : i32
    %mul3A_0 = arith.muli %arg1, %mul3A : i32
    %add3A = arith.addi %mul3A_0, %arg0 : i32
    %mul3A_1 = arith.constant 4800 : i32
    %mul3A_2 = arith.muli %add3A, %mul3A_1 : i32
    %jit3A = arith.constant 19200 : i32
    %div3A = arith.divsi %mul3A_2, %jit3A : i32
    %sign3A = arith.constant 0 : i32
    %sign3A_3 = arith.cmpi sgt, %mul3A_2, %sign3A : i32
    %sign3A_4 = arith.extui %sign3A_3 : i1 to i32
    %sign3A_5 = arith.constant 0 : i32
    %sign3A_6 = arith.cmpi slt, %mul3A_2, %sign3A_5 : i32
    %sign3A_7 = arith.extui %sign3A_6 : i1 to i32
    %sign3A_8 = arith.subi %sign3A_4, %sign3A_7 : i32
    %sign3A_9 = arith.constant 0 : i32
    %sign3A_10 = arith.cmpi sgt, %jit3A, %sign3A_9 : i32
    %sign3A_11 = arith.extui %sign3A_10 : i1 to i32
    %sign3A_12 = arith.constant 0 : i32
    %sign3A_13 = arith.cmpi slt, %jit3A, %sign3A_12 : i32
    %sign3A_14 = arith.extui %sign3A_13 : i1 to i32
    %sign3A_15 = arith.subi %sign3A_11, %sign3A_14 : i32
    %ne3A = arith.cmpi ne, %sign3A_8, %sign3A_15 : i32
    %rem3A = arith.remsi %mul3A_2, %jit3A : i32
    %ne3A_16 = arith.constant 0 : i32
    %ne3A_17 = arith.cmpi ne, %rem3A, %ne3A_16 : i32
    %and3A = arith.andi %ne3A, %ne3A_17 : i1
    %sub3A = arith.constant 1 : i32
    %sub3A_18 = arith.subi %div3A, %sub3A : i32
    %select_n3A = arith.select %and3A, %sub3A_18, %div3A : i32
    %mul3A_19 = arith.constant 19200 : i32
    %mul3A_20 = arith.muli %select_n3A, %mul3A_19 : i32
    "tpu.region"() ({
      %run_scoped3A = tpu.sem_alloc : memref<!tpu.dma_semaphore, #tpu.memory_space<semaphore_mem>>
      %dma_start3A_331 = tpu.memref_slice %arg3[%mul3A_2] : memref<153600xf32, #tpu.memory_space<hbm>> -> memref<4800xf32, #tpu.memory_space<hbm>>
      %dma_start3A_332 = tpu.memref_slice %arg3[%mul3A_2] : memref<153600xf32, #tpu.memory_space<hbm>> -> memref<4800xf32, #tpu.memory_space<hbm>>
      tpu.enqueue_dma source(%dma_start3A_332 : memref<4800xf32, #tpu.memory_space<hbm>>) target(%arg6 : memref<4800xf32, #tpu.memory_space<vmem>>) target_semaphore(%run_scoped3A : memref<!tpu.dma_semaphore, #tpu.memory_space<semaphore_mem>>)
      %dma_wait3A_333 = tpu.memref_slice %arg3[%mul3A_2] : memref<153600xf32, #tpu.memory_space<hbm>> -> memref<4800xf32, #tpu.memory_space<hbm>>
      %dma_wait3A_334 = tpu.memref_slice %arg3[%mul3A_2] : memref<153600xf32, #tpu.memory_space<hbm>> -> memref<4800xf32, #tpu.memory_space<hbm>>
      tpu.wait_dma2 semaphore(%run_scoped3A : memref<!tpu.dma_semaphore, #tpu.memory_space<semaphore_mem>>) src(%dma_wait3A_334 : memref<4800xf32, #tpu.memory_space<hbm>>) dst(%arg6 : memref<4800xf32, #tpu.memory_space<vmem>>)
      tpu.yield
    }) : () -> ()
    "tpu.region"() ({
      %run_scoped3A = tpu.sem_alloc : memref<!tpu.dma_semaphore, #tpu.memory_space<semaphore_mem>>
      %dma_start3A_331 = tpu.memref_slice %arg4[%mul3A_2] : memref<153600xf32, #tpu.memory_space<hbm>> -> memref<4800xf32, #tpu.memory_space<hbm>>
      %dma_start3A_332 = tpu.memref_slice %arg4[%mul3A_2] : memref<153600xf32, #tpu.memory_space<hbm>> -> memref<4800xf32, #tpu.memory_space<hbm>>
      tpu.enqueue_dma source(%dma_start3A_332 : memref<4800xf32, #tpu.memory_space<hbm>>) target(%arg7 : memref<4800xf32, #tpu.memory_space<vmem>>) target_semaphore(%run_scoped3A : memref<!tpu.dma_semaphore, #tpu.memory_space<semaphore_mem>>)
      %dma_wait3A_333 = tpu.memref_slice %arg4[%mul3A_2] : memref<153600xf32, #tpu.memory_space<hbm>> -> memref<4800xf32, #tpu.memory_space<hbm>>
      %dma_wait3A_334 = tpu.memref_slice %arg4[%mul3A_2] : memref<153600xf32, #tpu.memory_space<hbm>> -> memref<4800xf32, #tpu.memory_space<hbm>>
      tpu.wait_dma2 semaphore(%run_scoped3A : memref<!tpu.dma_semaphore, #tpu.memory_space<semaphore_mem>>) src(%dma_wait3A_334 : memref<4800xf32, #tpu.memory_space<hbm>>) dst(%arg7 : memref<4800xf32, #tpu.memory_space<vmem>>)
      tpu.yield
    }) : () -> ()
    %get3A = arith.constant 0 : index
    %get3A_21 = tpu.vector_load %arg6[%get3A] {strides = array<i32>} : memref<4800xf32, #tpu.memory_space<vmem>>, vector<16xf32>,
    %get3A_22 = vector.shape_cast %get3A_21 : vector<16xf32> to vector<16xf32>
    %get3A_23 = arith.constant 0 : index
    %get3A_24 = tpu.vector_load %arg7[%get3A_23] {strides = array<i32>} : memref<4800xf32, #tpu.memory_space<vmem>>, vector<16xf32>,
    %get3A_25 = vector.shape_cast %get3A_24 : vector<16xf32> to vector<16xf32>
    %mul3A_26 = arith.constant 1.590000e+02 : f32
    %mul3A_27 = vector.broadcast %mul3A_26 : f32 to vector<16xf32>
    %mul3A_28 = arith.mulf %get3A_22, %mul3A_27 : vector<16xf32>
    %max3A = arith.constant 0.000000e+00 : f32
    %max3A_29 = vector.broadcast %max3A : f32 to vector<16xf32>
    %max3A_30 = arith.maximumf %mul3A_28, %max3A_29 : vector<16xf32>
    %min3A = arith.constant 1.590000e+02 : f32
    %min3A_31 = vector.broadcast %min3A : f32 to vector<16xf32>
    %min3A_32 = arith.minimumf %max3A_30, %min3A_31 : vector<16xf32>
    %mul3A_33 = arith.constant 1.190000e+02 : f32
    %mul3A_34 = vector.broadcast %mul3A_33 : f32 to vector<16xf32>
    %mul3A_35 = arith.mulf %get3A_25, %mul3A_34 : vector<16xf32>
    %max3A_36 = arith.constant 0.000000e+00 : f32
    %max3A_37 = vector.broadcast %max3A_36 : f32 to vector<16xf32>
    %max3A_38 = arith.maximumf %mul3A_35, %max3A_37 : vector<16xf32>
    %min3A_39 = arith.constant 1.190000e+02 : f32
    %min3A_40 = vector.broadcast %min3A_39 : f32 to vector<16xf32>
    %min3A_41 = arith.minimumf %max3A_38, %min3A_40 : vector<16xf32>
    %convert_element_type3A = arith.fptosi %min3A_32 : vector<16xf32> to vector<16xi32>
    %convert_element_type3A_42 = arith.fptosi %min3A_41 : vector<16xf32> to vector<16xi32>
    %add3A_43 = arith.constant 1 : i32
    %add3A_44 = vector.broadcast %add3A_43 : i32 to vector<16xi32>
    %add3A_45 = arith.addi %convert_element_type3A, %add3A_44 : vector<16xi32>
    %min3A_46 = arith.constant 159 : i32
    %min3A_47 = vector.broadcast %min3A_46 : i32 to vector<16xi32>
    %min3A_48 = arith.minsi %add3A_45, %min3A_47 : vector<16xi32>
    %add3A_49 = arith.constant 1 : i32
    %add3A_50 = vector.broadcast %add3A_49 : i32 to vector<16xi32>
    %add3A_51 = arith.addi %convert_element_type3A_42, %add3A_50 : vector<16xi32>
    %min3A_52 = arith.constant 119 : i32
    %min3A_53 = vector.broadcast %min3A_52 : i32 to vector<16xi32>
    %min3A_54 = arith.minsi %add3A_51, %min3A_53 : vector<16xi32>
    %convert_element_type3A_55 = arith.sitofp %convert_element_type3A : vector<16xi32> to vector<16xf32>
    %convert_element_type3A_56 = arith.sitofp %min3A_48 : vector<16xi32> to vector<16xf32>
    %convert_element_type3A_57 = arith.sitofp %convert_element_type3A_42 : vector<16xi32> to vector<16xf32>
    %convert_element_type3A_58 = arith.sitofp %min3A_54 : vector<16xi32> to vector<16xf32>
    %mul3A_59 = arith.constant 160 : i32
    %mul3A_60 = vector.broadcast %mul3A_59 : i32 to vector<16xi32>
    %mul3A_61 = arith.muli %convert_element_type3A_42, %mul3A_60 : vector<16xi32>
    %add3A_62 = vector.broadcast %mul3A_20 : i32 to vector<16xi32>
    %add3A_63 = arith.addi %add3A_62, %mul3A_61 : vector<16xi32>
    %mul3A_64 = arith.constant 160 : i32
    %mul3A_65 = vector.broadcast %mul3A_64 : i32 to vector<16xi32>
    %mul3A_66 = arith.muli %min3A_54, %mul3A_65 : vector<16xi32>
    %add3A_67 = vector.broadcast %mul3A_20 : i32 to vector<16xi32>
    %add3A_68 = arith.addi %add3A_67, %mul3A_66 : vector<16xi32>
    %add3A_69 = arith.addi %add3A_63, %convert_element_type3A : vector<16xi32>
    %swap3A = arith.constant 0 : index
    %swap3A_70 = tpu.vector_load %arg8[%swap3A] {strides = array<i32>} : memref<48xi32, #tpu.memory_space<vmem>>, vector<16xi32>,
    %swap3A_71 = vector.shape_cast %swap3A_70 : vector<16xi32> to vector<16xi32>
    %swap3A_72 = vector.shape_cast %add3A_69 : vector<16xi32> to vector<16xi32>
    tpu.vector_store %arg8[%swap3A], %swap3A_72 {strides = array<i32>} : memref<48xi32, #tpu.memory_space<vmem>>, vector<16xi32>,
    %add3A_73 = arith.addi %add3A_68, %convert_element_type3A : vector<16xi32>
    %swap3A_74 = arith.constant 0 : index
    %swap3A_75 = tpu.vector_load %arg9[%swap3A_74] {strides = array<i32>} : memref<48xi32, #tpu.memory_space<vmem>>, vector<16xi32>,
    %swap3A_76 = vector.shape_cast %swap3A_75 : vector<16xi32> to vector<16xi32>
    %swap3A_77 = vector.shape_cast %add3A_73 : vector<16xi32> to vector<16xi32>
    tpu.vector_store %arg9[%swap3A_74], %swap3A_77 {strides = array<i32>} : memref<48xi32, #tpu.memory_space<vmem>>, vector<16xi32>,
    %add3A_78 = arith.addi %add3A_63, %min3A_48 : vector<16xi32>
    %swap3A_79 = arith.constant 0 : index
    %swap3A_80 = tpu.vector_load %arg10[%swap3A_79] {strides = array<i32>} : memref<48xi32, #tpu.memory_space<vmem>>, vector<16xi32>,
    %swap3A_81 = vector.shape_cast %swap3A_80 : vector<16xi32> to vector<16xi32>
    %swap3A_82 = vector.shape_cast %add3A_78 : vector<16xi32> to vector<16xi32>
    tpu.vector_store %arg10[%swap3A_79], %swap3A_82 {strides = array<i32>} : memref<48xi32, #tpu.memory_space<vmem>>, vector<16xi32>,
    %add3A_83 = arith.addi %add3A_68, %min3A_48 : vector<16xi32>
    %swap3A_84 = arith.constant 0 : index
    %swap3A_85 = tpu.vector_load %arg11[%swap3A_84] {strides = array<i32>} : memref<48xi32, #tpu.memory_space<vmem>>, vector<16xi32>,
    %swap3A_86 = vector.shape_cast %swap3A_85 : vector<16xi32> to vector<16xi32>
    %swap3A_87 = vector.shape_cast %add3A_83 : vector<16xi32> to vector<16xi32>
    tpu.vector_store %arg11[%swap3A_84], %swap3A_87 {strides = array<i32>} : memref<48xi32, #tpu.memory_space<vmem>>, vector<16xi32>,
    %sub3A_88 = arith.subf %convert_element_type3A_56, %min3A_32 : vector<16xf32>
    %sub3A_89 = arith.subf %min3A_32, %convert_element_type3A_55 : vector<16xf32>
    %sub3A_90 = arith.subf %convert_element_type3A_58, %min3A_41 : vector<16xf32>
    %sub3A_91 = arith.subf %min3A_41, %convert_element_type3A_57 : vector<16xf32>
    %mul3A_92 = arith.mulf %sub3A_88, %sub3A_90 : vector<16xf32>
    %swap3A_93 = arith.constant 0 : index
    %swap3A_94 = tpu.vector_load %arg16[%swap3A_93] {strides = array<i32>} : memref<64xf32, #tpu.memory_space<vmem>>, vector<16xf32>,
    %swap3A_95 = vector.shape_cast %swap3A_94 : vector<16xf32> to vector<16xf32>
    %swap3A_96 = vector.shape_cast %mul3A_92 : vector<16xf32> to vector<16xf32>
    tpu.vector_store %arg16[%swap3A_93], %swap3A_96 {strides = array<i32>} : memref<64xf32, #tpu.memory_space<vmem>>, vector<16xf32>,
    %mul3A_97 = arith.mulf %sub3A_88, %sub3A_91 : vector<16xf32>
    %swap3A_98 = arith.constant 0 : index
    %swap3A_99 = tpu.vector_load %arg17[%swap3A_98] {strides = array<i32>} : memref<64xf32, #tpu.memory_space<vmem>>, vector<16xf32>,
    %swap3A_100 = vector.shape_cast %swap3A_99 : vector<16xf32> to vector<16xf32>
    %swap3A_101 = vector.shape_cast %mul3A_97 : vector<16xf32> to vector<16xf32>
    tpu.vector_store %arg17[%swap3A_98], %swap3A_101 {strides = array<i32>} : memref<64xf32, #tpu.memory_space<vmem>>, vector<16xf32>,
    %mul3A_102 = arith.mulf %sub3A_89, %sub3A_90 : vector<16xf32>
    %swap3A_103 = arith.constant 0 : index
    %swap3A_104 = tpu.vector_load %arg18[%swap3A_103] {strides = array<i32>} : memref<64xf32, #tpu.memory_space<vmem>>, vector<16xf32>,
    %swap3A_105 = vector.shape_cast %swap3A_104 : vector<16xf32> to vector<16xf32>
    %swap3A_106 = vector.shape_cast %mul3A_102 : vector<16xf32> to vector<16xf32>
    tpu.vector_store %arg18[%swap3A_103], %swap3A_106 {strides = array<i32>} : memref<64xf32, #tpu.memory_space<vmem>>, vector<16xf32>,
    %mul3A_107 = arith.mulf %sub3A_89, %sub3A_91 : vector<16xf32>
    %swap3A_108 = arith.constant 0 : index
    %swap3A_109 = tpu.vector_load %arg19[%swap3A_108] {strides = array<i32>} : memref<64xf32, #tpu.memory_space<vmem>>, vector<16xf32>,
    %swap3A_110 = vector.shape_cast %swap3A_109 : vector<16xf32> to vector<16xf32>
    %swap3A_111 = vector.shape_cast %mul3A_107 : vector<16xf32> to vector<16xf32>
    tpu.vector_store %arg19[%swap3A_108], %swap3A_111 {strides = array<i32>} : memref<64xf32, #tpu.memory_space<vmem>>, vector<16xf32>,
    %get3A_112 = arith.constant 16 : index
    %get3A_113 = tpu.vector_load %arg6[%get3A_112] {strides = array<i32>} : memref<4800xf32, #tpu.memory_space<vmem>>, vector<16xf32>,
    %get3A_114 = vector.shape_cast %get3A_113 : vector<16xf32> to vector<16xf32>
    %get3A_115 = arith.constant 16 : index
    %get3A_116 = tpu.vector_load %arg7[%get3A_115] {strides = array<i32>} : memref<4800xf32, #tpu.memory_space<vmem>>, vector<16xf32>,
    %get3A_117 = vector.shape_cast %get3A_116 : vector<16xf32> to vector<16xf32>
    %mul3A_118 = arith.constant 1.590000e+02 : f32
    %mul3A_119 = vector.broadcast %mul3A_118 : f32 to vector<16xf32>
    %mul3A_120 = arith.mulf %get3A_114, %mul3A_119 : vector<16xf32>
    %max3A_121 = arith.constant 0.000000e+00 : f32
    %max3A_122 = vector.broadcast %max3A_121 : f32 to vector<16xf32>
    %max3A_123 = arith.maximumf %mul3A_120, %max3A_122 : vector<16xf32>
    %min3A_124 = arith.constant 1.590000e+02 : f32
    %min3A_125 = vector.broadcast %min3A_124 : f32 to vector<16xf32>
    %min3A_126 = arith.minimumf %max3A_123, %min3A_125 : vector<16xf32>
    %mul3A_127 = arith.constant 1.190000e+02 : f32
    %mul3A_128 = vector.broadcast %mul3A_127 : f32 to vector<16xf32>
    %mul3A_129 = arith.mulf %get3A_117, %mul3A_128 : vector<16xf32>
    %max3A_130 = arith.constant 0.000000e+00 : f32
    %max3A_131 = vector.broadcast %max3A_130 : f32 to vector<16xf32>
    %max3A_132 = arith.maximumf %mul3A_129, %max3A_131 : vector<16xf32>
    %min3A_133 = arith.constant 1.190000e+02 : f32
    %min3A_134 = vector.broadcast %min3A_133 : f32 to vector<16xf32>
    %min3A_135 = arith.minimumf %max3A_132, %min3A_134 : vector<16xf32>
    %convert_element_type3A_136 = arith.fptosi %min3A_126 : vector<16xf32> to vector<16xi32>
    %convert_element_type3A_137 = arith.fptosi %min3A_135 : vector<16xf32> to vector<16xi32>
    %add3A_138 = arith.constant 1 : i32
    %add3A_139 = vector.broadcast %add3A_138 : i32 to vector<16xi32>
    %add3A_140 = arith.addi %convert_element_type3A_136, %add3A_139 : vector<16xi32>
    %min3A_141 = arith.constant 159 : i32
    %min3A_142 = vector.broadcast %min3A_141 : i32 to vector<16xi32>
    %min3A_143 = arith.minsi %add3A_140, %min3A_142 : vector<16xi32>
    %add3A_144 = arith.constant 1 : i32
    %add3A_145 = vector.broadcast %add3A_144 : i32 to vector<16xi32>
    %add3A_146 = arith.addi %convert_element_type3A_137, %add3A_145 : vector<16xi32>
    %min3A_147 = arith.constant 119 : i32
    %min3A_148 = vector.broadcast %min3A_147 : i32 to vector<16xi32>
    %min3A_149 = arith.minsi %add3A_146, %min3A_148 : vector<16xi32>
    %convert_element_type3A_150 = arith.sitofp %convert_element_type3A_136 : vector<16xi32> to vector<16xf32>
    %convert_element_type3A_151 = arith.sitofp %min3A_143 : vector<16xi32> to vector<16xf32>
    %convert_element_type3A_152 = arith.sitofp %convert_element_type3A_137 : vector<16xi32> to vector<16xf32>
    %convert_element_type3A_153 = arith.sitofp %min3A_149 : vector<16xi32> to vector<16xf32>
    %mul3A_154 = arith.constant 160 : i32
    %mul3A_155 = vector.broadcast %mul3A_154 : i32 to vector<16xi32>
    %mul3A_156 = arith.muli %convert_element_type3A_137, %mul3A_155 : vector<16xi32>
    %add3A_157 = vector.broadcast %mul3A_20 : i32 to vector<16xi32>
    %add3A_158 = arith.addi %add3A_157, %mul3A_156 : vector<16xi32>
    %mul3A_159 = arith.constant 160 : i32
    %mul3A_160 = vector.broadcast %mul3A_159 : i32 to vector<16xi32>
    %mul3A_161 = arith.muli %min3A_149, %mul3A_160 : vector<16xi32>
    %add3A_162 = vector.broadcast %mul3A_20 : i32 to vector<16xi32>
    %add3A_163 = arith.addi %add3A_162, %mul3A_161 : vector<16xi32>
    %add3A_164 = arith.addi %add3A_158, %convert_element_type3A_136 : vector<16xi32>
    %swap3A_165 = arith.constant 16 : index
    %swap3A_166 = tpu.vector_load %arg8[%swap3A_165] {strides = array<i32>} : memref<48xi32, #tpu.memory_space<vmem>>, vector<16xi32>,
    %swap3A_167 = vector.shape_cast %swap3A_166 : vector<16xi32> to vector<16xi32>
    %swap3A_168 = vector.shape_cast %add3A_164 : vector<16xi32> to vector<16xi32>
    tpu.vector_store %arg8[%swap3A_165], %swap3A_168 {strides = array<i32>} : memref<48xi32, #tpu.memory_space<vmem>>, vector<16xi32>,
    %add3A_169 = arith.addi %add3A_163, %convert_element_type3A_136 : vector<16xi32>
    %swap3A_170 = arith.constant 16 : index
    %swap3A_171 = tpu.vector_load %arg9[%swap3A_170] {strides = array<i32>} : memref<48xi32, #tpu.memory_space<vmem>>, vector<16xi32>,
    %swap3A_172 = vector.shape_cast %swap3A_171 : vector<16xi32> to vector<16xi32>
    %swap3A_173 = vector.shape_cast %add3A_169 : vector<16xi32> to vector<16xi32>
    tpu.vector_store %arg9[%swap3A_170], %swap3A_173 {strides = array<i32>} : memref<48xi32, #tpu.memory_space<vmem>>, vector<16xi32>,
    %add3A_174 = arith.addi %add3A_158, %min3A_143 : vector<16xi32>
    %swap3A_175 = arith.constant 16 : index
    %swap3A_176 = tpu.vector_load %arg10[%swap3A_175] {strides = array<i32>} : memref<48xi32, #tpu.memory_space<vmem>>, vector<16xi32>,
    %swap3A_177 = vector.shape_cast %swap3A_176 : vector<16xi32> to vector<16xi32>
    %swap3A_178 = vector.shape_cast %add3A_174 : vector<16xi32> to vector<16xi32>
    tpu.vector_store %arg10[%swap3A_175], %swap3A_178 {strides = array<i32>} : memref<48xi32, #tpu.memory_space<vmem>>, vector<16xi32>,
    %add3A_179 = arith.addi %add3A_163, %min3A_143 : vector<16xi32>
    %swap3A_180 = arith.constant 16 : index
    %swap3A_181 = tpu.vector_load %arg11[%swap3A_180] {strides = array<i32>} : memref<48xi32, #tpu.memory_space<vmem>>, vector<16xi32>,
    %swap3A_182 = vector.shape_cast %swap3A_181 : vector<16xi32> to vector<16xi32>
    %swap3A_183 = vector.shape_cast %add3A_179 : vector<16xi32> to vector<16xi32>
    tpu.vector_store %arg11[%swap3A_180], %swap3A_183 {strides = array<i32>} : memref<48xi32, #tpu.memory_space<vmem>>, vector<16xi32>,
    %sub3A_184 = arith.subf %convert_element_type3A_151, %min3A_126 : vector<16xf32>
    %sub3A_185 = arith.subf %min3A_126, %convert_element_type3A_150 : vector<16xf32>
    %sub3A_186 = arith.subf %convert_element_type3A_153, %min3A_135 : vector<16xf32>
    %sub3A_187 = arith.subf %min3A_135, %convert_element_type3A_152 : vector<16xf32>
    %mul3A_188 = arith.mulf %sub3A_184, %sub3A_186 : vector<16xf32>
    %swap3A_189 = arith.constant 16 : index
    %swap3A_190 = tpu.vector_load %arg16[%swap3A_189] {strides = array<i32>} : memref<64xf32, #tpu.memory_space<vmem>>, vector<16xf32>,
    %swap3A_191 = vector.shape_cast %swap3A_190 : vector<16xf32> to vector<16xf32>
    %swap3A_192 = vector.shape_cast %mul3A_188 : vector<16xf32> to vector<16xf32>
    tpu.vector_store %arg16[%swap3A_189], %swap3A_192 {strides = array<i32>} : memref<64xf32, #tpu.memory_space<vmem>>, vector<16xf32>,
    %mul3A_193 = arith.mulf %sub3A_184, %sub3A_187 : vector<16xf32>
    %swap3A_194 = arith.constant 16 : index
    %swap3A_195 = tpu.vector_load %arg17[%swap3A_194] {strides = array<i32>} : memref<64xf32, #tpu.memory_space<vmem>>, vector<16xf32>,
    %swap3A_196 = vector.shape_cast %swap3A_195 : vector<16xf32> to vector<16xf32>
    %swap3A_197 = vector.shape_cast %mul3A_193 : vector<16xf32> to vector<16xf32>
    tpu.vector_store %arg17[%swap3A_194], %swap3A_197 {strides = array<i32>} : memref<64xf32, #tpu.memory_space<vmem>>, vector<16xf32>,
    %mul3A_198 = arith.mulf %sub3A_185, %sub3A_186 : vector<16xf32>
    %swap3A_199 = arith.constant 16 : index
    %swap3A_200 = tpu.vector_load %arg18[%swap3A_199] {strides = array<i32>} : memref<64xf32, #tpu.memory_space<vmem>>, vector<16xf32>,
    %swap3A_201 = vector.shape_cast %swap3A_200 : vector<16xf32> to vector<16xf32>
    %swap3A_202 = vector.shape_cast %mul3A_198 : vector<16xf32> to vector<16xf32>
    tpu.vector_store %arg18[%swap3A_199], %swap3A_202 {strides = array<i32>} : memref<64xf32, #tpu.memory_space<vmem>>, vector<16xf32>,
    %mul3A_203 = arith.mulf %sub3A_185, %sub3A_187 : vector<16xf32>
    %swap3A_204 = arith.constant 16 : index
    %swap3A_205 = tpu.vector_load %arg19[%swap3A_204] {strides = array<i32>} : memref<64xf32, #tpu.memory_space<vmem>>, vector<16xf32>,
    %swap3A_206 = vector.shape_cast %swap3A_205 : vector<16xf32> to vector<16xf32>
    %swap3A_207 = vector.shape_cast %mul3A_203 : vector<16xf32> to vector<16xf32>
    tpu.vector_store %arg19[%swap3A_204], %swap3A_207 {strides = array<i32>} : memref<64xf32, #tpu.memory_space<vmem>>, vector<16xf32>,
    %get3A_208 = arith.constant 32 : index
    %get3A_209 = tpu.vector_load %arg6[%get3A_208] {strides = array<i32>} : memref<4800xf32, #tpu.memory_space<vmem>>, vector<16xf32>,
    %get3A_210 = vector.shape_cast %get3A_209 : vector<16xf32> to vector<16xf32>
    %get3A_211 = arith.constant 32 : index
    %get3A_212 = tpu.vector_load %arg7[%get3A_211] {strides = array<i32>} : memref<4800xf32, #tpu.memory_space<vmem>>, vector<16xf32>,
    %get3A_213 = vector.shape_cast %get3A_212 : vector<16xf32> to vector<16xf32>
    %mul3A_214 = arith.constant 1.590000e+02 : f32
    %mul3A_215 = vector.broadcast %mul3A_214 : f32 to vector<16xf32>
    %mul3A_216 = arith.mulf %get3A_210, %mul3A_215 : vector<16xf32>
    %max3A_217 = arith.constant 0.000000e+00 : f32
    %max3A_218 = vector.broadcast %max3A_217 : f32 to vector<16xf32>
    %max3A_219 = arith.maximumf %mul3A_216, %max3A_218 : vector<16xf32>
    %min3A_220 = arith.constant 1.590000e+02 : f32
    %min3A_221 = vector.broadcast %min3A_220 : f32 to vector<16xf32>
    %min3A_222 = arith.minimumf %max3A_219, %min3A_221 : vector<16xf32>
    %mul3A_223 = arith.constant 1.190000e+02 : f32
    %mul3A_224 = vector.broadcast %mul3A_223 : f32 to vector<16xf32>
    %mul3A_225 = arith.mulf %get3A_213, %mul3A_224 : vector<16xf32>
    %max3A_226 = arith.constant 0.000000e+00 : f32
    %max3A_227 = vector.broadcast %max3A_226 : f32 to vector<16xf32>
    %max3A_228 = arith.maximumf %mul3A_225, %max3A_227 : vector<16xf32>
    %min3A_229 = arith.constant 1.190000e+02 : f32
    %min3A_230 = vector.broadcast %min3A_229 : f32 to vector<16xf32>
    %min3A_231 = arith.minimumf %max3A_228, %min3A_230 : vector<16xf32>
    %convert_element_type3A_232 = arith.fptosi %min3A_222 : vector<16xf32> to vector<16xi32>
    %convert_element_type3A_233 = arith.fptosi %min3A_231 : vector<16xf32> to vector<16xi32>
    %add3A_234 = arith.constant 1 : i32
    %add3A_235 = vector.broadcast %add3A_234 : i32 to vector<16xi32>
    %add3A_236 = arith.addi %convert_element_type3A_232, %add3A_235 : vector<16xi32>
    %min3A_237 = arith.constant 159 : i32
    %min3A_238 = vector.broadcast %min3A_237 : i32 to vector<16xi32>
    %min3A_239 = arith.minsi %add3A_236, %min3A_238 : vector<16xi32>
    %add3A_240 = arith.constant 1 : i32
    %add3A_241 = vector.broadcast %add3A_240 : i32 to vector<16xi32>
    %add3A_242 = arith.addi %convert_element_type3A_233, %add3A_241 : vector<16xi32>
    %min3A_243 = arith.constant 119 : i32
    %min3A_244 = vector.broadcast %min3A_243 : i32 to vector<16xi32>
    %min3A_245 = arith.minsi %add3A_242, %min3A_244 : vector<16xi32>
    %convert_element_type3A_246 = arith.sitofp %convert_element_type3A_232 : vector<16xi32> to vector<16xf32>
    %convert_element_type3A_247 = arith.sitofp %min3A_239 : vector<16xi32> to vector<16xf32>
    %convert_element_type3A_248 = arith.sitofp %convert_element_type3A_233 : vector<16xi32> to vector<16xf32>
    %convert_element_type3A_249 = arith.sitofp %min3A_245 : vector<16xi32> to vector<16xf32>
    %mul3A_250 = arith.constant 160 : i32
    %mul3A_251 = vector.broadcast %mul3A_250 : i32 to vector<16xi32>
    %mul3A_252 = arith.muli %convert_element_type3A_233, %mul3A_251 : vector<16xi32>
    %add3A_253 = vector.broadcast %mul3A_20 : i32 to vector<16xi32>
    %add3A_254 = arith.addi %add3A_253, %mul3A_252 : vector<16xi32>
    %mul3A_255 = arith.constant 160 : i32
    %mul3A_256 = vector.broadcast %mul3A_255 : i32 to vector<16xi32>
    %mul3A_257 = arith.muli %min3A_245, %mul3A_256 : vector<16xi32>
    %add3A_258 = vector.broadcast %mul3A_20 : i32 to vector<16xi32>
    %add3A_259 = arith.addi %add3A_258, %mul3A_257 : vector<16xi32>
    %add3A_260 = arith.addi %add3A_254, %convert_element_type3A_232 : vector<16xi32>
    %swap3A_261 = arith.constant 32 : index
    %swap3A_262 = tpu.vector_load %arg8[%swap3A_261] {strides = array<i32>} : memref<48xi32, #tpu.memory_space<vmem>>, vector<16xi32>,
    %swap3A_263 = vector.shape_cast %swap3A_262 : vector<16xi32> to vector<16xi32>
    %swap3A_264 = vector.shape_cast %add3A_260 : vector<16xi32> to vector<16xi32>
    tpu.vector_store %arg8[%swap3A_261], %swap3A_264 {strides = array<i32>} : memref<48xi32, #tpu.memory_space<vmem>>, vector<16xi32>,
    %add3A_265 = arith.addi %add3A_259, %convert_element_type3A_232 : vector<16xi32>
    %swap3A_266 = arith.constant 32 : index
    %swap3A_267 = tpu.vector_load %arg9[%swap3A_266] {strides = array<i32>} : memref<48xi32, #tpu.memory_space<vmem>>, vector<16xi32>,
    %swap3A_268 = vector.shape_cast %swap3A_267 : vector<16xi32> to vector<16xi32>
    %swap3A_269 = vector.shape_cast %add3A_265 : vector<16xi32> to vector<16xi32>
    tpu.vector_store %arg9[%swap3A_266], %swap3A_269 {strides = array<i32>} : memref<48xi32, #tpu.memory_space<vmem>>, vector<16xi32>,
    %add3A_270 = arith.addi %add3A_254, %min3A_239 : vector<16xi32>
    %swap3A_271 = arith.constant 32 : index
    %swap3A_272 = tpu.vector_load %arg10[%swap3A_271] {strides = array<i32>} : memref<48xi32, #tpu.memory_space<vmem>>, vector<16xi32>,
    %swap3A_273 = vector.shape_cast %swap3A_272 : vector<16xi32> to vector<16xi32>
    %swap3A_274 = vector.shape_cast %add3A_270 : vector<16xi32> to vector<16xi32>
    tpu.vector_store %arg10[%swap3A_271], %swap3A_274 {strides = array<i32>} : memref<48xi32, #tpu.memory_space<vmem>>, vector<16xi32>,
    %add3A_275 = arith.addi %add3A_259, %min3A_239 : vector<16xi32>
    %swap3A_276 = arith.constant 32 : index
    %swap3A_277 = tpu.vector_load %arg11[%swap3A_276] {strides = array<i32>} : memref<48xi32, #tpu.memory_space<vmem>>, vector<16xi32>,
    %swap3A_278 = vector.shape_cast %swap3A_277 : vector<16xi32> to vector<16xi32>
    %swap3A_279 = vector.shape_cast %add3A_275 : vector<16xi32> to vector<16xi32>
    tpu.vector_store %arg11[%swap3A_276], %swap3A_279 {strides = array<i32>} : memref<48xi32, #tpu.memory_space<vmem>>, vector<16xi32>,
    %sub3A_280 = arith.subf %convert_element_type3A_247, %min3A_222 : vector<16xf32>
    %sub3A_281 = arith.subf %min3A_222, %convert_element_type3A_246 : vector<16xf32>
    %sub3A_282 = arith.subf %convert_element_type3A_249, %min3A_231 : vector<16xf32>
    %sub3A_283 = arith.subf %min3A_231, %convert_element_type3A_248 : vector<16xf32>
    %mul3A_284 = arith.mulf %sub3A_280, %sub3A_282 : vector<16xf32>
    %swap3A_285 = arith.constant 32 : index
    %swap3A_286 = tpu.vector_load %arg16[%swap3A_285] {strides = array<i32>} : memref<64xf32, #tpu.memory_space<vmem>>, vector<16xf32>,
    %swap3A_287 = vector.shape_cast %swap3A_286 : vector<16xf32> to vector<16xf32>
    %swap3A_288 = vector.shape_cast %mul3A_284 : vector<16xf32> to vector<16xf32>
    tpu.vector_store %arg16[%swap3A_285], %swap3A_288 {strides = array<i32>} : memref<64xf32, #tpu.memory_space<vmem>>, vector<16xf32>,
    %mul3A_289 = arith.mulf %sub3A_280, %sub3A_283 : vector<16xf32>
    %swap3A_290 = arith.constant 32 : index
    %swap3A_291 = tpu.vector_load %arg17[%swap3A_290] {strides = array<i32>} : memref<64xf32, #tpu.memory_space<vmem>>, vector<16xf32>,
    %swap3A_292 = vector.shape_cast %swap3A_291 : vector<16xf32> to vector<16xf32>
    %swap3A_293 = vector.shape_cast %mul3A_289 : vector<16xf32> to vector<16xf32>
    tpu.vector_store %arg17[%swap3A_290], %swap3A_293 {strides = array<i32>} : memref<64xf32, #tpu.memory_space<vmem>>, vector<16xf32>,
    %mul3A_294 = arith.mulf %sub3A_281, %sub3A_282 : vector<16xf32>
    %swap3A_295 = arith.constant 32 : index
    %swap3A_296 = tpu.vector_load %arg18[%swap3A_295] {strides = array<i32>} : memref<64xf32, #tpu.memory_space<vmem>>, vector<16xf32>,
    %swap3A_297 = vector.shape_cast %swap3A_296 : vector<16xf32> to vector<16xf32>
    %swap3A_298 = vector.shape_cast %mul3A_294 : vector<16xf32> to vector<16xf32>
    tpu.vector_store %arg18[%swap3A_295], %swap3A_298 {strides = array<i32>} : memref<64xf32, #tpu.memory_space<vmem>>, vector<16xf32>,
    %mul3A_299 = arith.mulf %sub3A_281, %sub3A_283 : vector<16xf32>
    %swap3A_300 = arith.constant 32 : index
    %swap3A_301 = tpu.vector_load %arg19[%swap3A_300] {strides = array<i32>} : memref<64xf32, #tpu.memory_space<vmem>>, vector<16xf32>,
    %swap3A_302 = vector.shape_cast %swap3A_301 : vector<16xf32> to vector<16xf32>
    %swap3A_303 = vector.shape_cast %mul3A_299 : vector<16xf32> to vector<16xf32>
    tpu.vector_store %arg19[%swap3A_300], %swap3A_303 {strides = array<i32>} : memref<64xf32, #tpu.memory_space<vmem>>, vector<16xf32>,
    %dma_start3A = arith.constant 0 : i32
    %dma_start3A_304 = arith.constant 0 : i32
    %dma_start3A_305 = tpu.memref_slice %arg2[%dma_start3A, %dma_start3A_304] : memref<153600x256xf32, #tpu.memory_space<hbm>> -> memref<153600x256xf32, #tpu.memory_space<hbm>>
    tpu.enqueue_indirect_dma source(%dma_start3A_305 : memref<153600x256xf32, #tpu.memory_space<hbm>>) target(%arg24 : memref<48x256xf32, #tpu.memory_space<vmem>>) offsets(%arg8 : memref<48xi32, #tpu.memory_space<vmem>>) semaphore(%arg32 : memref<!tpu.dma_semaphore, #tpu.memory_space<semaphore_mem>>)
    %dma_start3A_306 = arith.constant 0 : i32
    %dma_start3A_307 = arith.constant 0 : i32
    %dma_start3A_308 = tpu.memref_slice %arg2[%dma_start3A_306, %dma_start3A_307] : memref<153600x256xf32, #tpu.memory_space<hbm>> -> memref<153600x256xf32, #tpu.memory_space<hbm>>
    tpu.enqueue_indirect_dma source(%dma_start3A_308 : memref<153600x256xf32, #tpu.memory_space<hbm>>) target(%arg25 : memref<48x256xf32, #tpu.memory_space<vmem>>) offsets(%arg9 : memref<48xi32, #tpu.memory_space<vmem>>) semaphore(%arg32 : memref<!tpu.dma_semaphore, #tpu.memory_space<semaphore_mem>>)
    %dma_start3A_309 = arith.constant 0 : i32
    %dma_start3A_310 = arith.constant 0 : i32
    %dma_start3A_311 = tpu.memref_slice %arg2[%dma_start3A_309, %dma_start3A_310] : memref<153600x256xf32, #tpu.memory_space<hbm>> -> memref<153600x256xf32, #tpu.memory_space<hbm>>
    tpu.enqueue_indirect_dma source(%dma_start3A_311 : memref<153600x256xf32, #tpu.memory_space<hbm>>) target(%arg26 : memref<48x256xf32, #tpu.memory_space<vmem>>) offsets(%arg10 : memref<48xi32, #tpu.memory_space<vmem>>) semaphore(%arg32 : memref<!tpu.dma_semaphore, #tpu.memory_space<semaphore_mem>>)
    %dma_start3A_312 = arith.constant 0 : i32
    %dma_start3A_313 = arith.constant 0 : i32
    %dma_start3A_314 = tpu.memref_slice %arg2[%dma_start3A_312, %dma_start3A_313] : memref<153600x256xf32, #tpu.memory_space<hbm>> -> memref<153600x256xf32, #tpu.memory_space<hbm>>
    tpu.enqueue_indirect_dma source(%dma_start3A_314 : memref<153600x256xf32, #tpu.memory_space<hbm>>) target(%arg27 : memref<48x256xf32, #tpu.memory_space<vmem>>) offsets(%arg11 : memref<48xi32, #tpu.memory_space<vmem>>) semaphore(%arg32 : memref<!tpu.dma_semaphore, #tpu.memory_space<semaphore_mem>>)
    %scan3A = arith.constant 0 : i32
    %scan3A_315 = arith.constant 0 : i32
    %scan3A_316 = arith.constant 50 : i32
    %scan3A_317 = arith.addi %scan3A_315, %scan3A_316 : i32
    %scan3A_318 = arith.constant 1 : i32
    scf.for %scan3A_331 = %scan3A_315 to %scan3A_317 step %scan3A_318  : i32 {
      %mul3A_332 = arith.constant 2 : i32
      %mul3A_333 = arith.muli %mul3A_332, %scan3A_331 : i32
      %add3A_334 = arith.constant 0 : i32
      %add3A_335 = arith.addi %mul3A_333, %add3A_334 : i32
      %add3A_336 = arith.constant 1 : i32
      %add3A_337 = arith.addi %add3A_335, %add3A_336 : i32
      %lt3A = arith.constant 100 : i32
      %lt3A_338 = arith.cmpi slt, %add3A_337, %lt3A : i32
      %convert_element_type3A_339 = arith.extui %lt3A_338 : i1 to i32
      %cond3A = arith.constant 0 : i32
      %cond3A_340 = arith.cmpi ne, %convert_element_type3A_339, %cond3A : i32
      scf.if %cond3A_340 {
        %add3A_402 = arith.constant 1 : i32
        %add3A_403 = arith.addi %add3A_335, %add3A_402 : i32
        %mul3A_404 = arith.constant 48 : i32
        %mul3A_405 = arith.muli %add3A_403, %mul3A_404 : i32
        %add3A_406 = arith.constant 0 : i32
        %add3A_407 = arith.addi %mul3A_405, %add3A_406 : i32
        %get3A_408 = arith.index_cast %add3A_407 : i32 to index
        %get3A_409 = tpu.vector_load %arg6[%get3A_408] {strides = array<i32>} : memref<4800xf32, #tpu.memory_space<vmem>>, vector<16xf32>,
        %get3A_410 = vector.shape_cast %get3A_409 : vector<16xf32> to vector<16xf32>
        %add3A_411 = arith.constant 0 : i32
        %add3A_412 = arith.addi %mul3A_405, %add3A_411 : i32
        %get3A_413 = arith.index_cast %add3A_412 : i32 to index
        %get3A_414 = tpu.vector_load %arg7[%get3A_413] {strides = array<i32>} : memref<4800xf32, #tpu.memory_space<vmem>>, vector<16xf32>,
        %get3A_415 = vector.shape_cast %get3A_414 : vector<16xf32> to vector<16xf32>
        %mul3A_416 = arith.constant 1.590000e+02 : f32
        %mul3A_417 = vector.broadcast %mul3A_416 : f32 to vector<16xf32>
        %mul3A_418 = arith.mulf %get3A_410, %mul3A_417 : vector<16xf32>
        %max3A_419 = arith.constant 0.000000e+00 : f32
        %max3A_420 = vector.broadcast %max3A_419 : f32 to vector<16xf32>
        %max3A_421 = arith.maximumf %mul3A_418, %max3A_420 : vector<16xf32>
        %min3A_422 = arith.constant 1.590000e+02 : f32
        %min3A_423 = vector.broadcast %min3A_422 : f32 to vector<16xf32>
        %min3A_424 = arith.minimumf %max3A_421, %min3A_423 : vector<16xf32>
        %mul3A_425 = arith.constant 1.190000e+02 : f32
        %mul3A_426 = vector.broadcast %mul3A_425 : f32 to vector<16xf32>
        %mul3A_427 = arith.mulf %get3A_415, %mul3A_426 : vector<16xf32>
        %max3A_428 = arith.constant 0.000000e+00 : f32
        %max3A_429 = vector.broadcast %max3A_428 : f32 to vector<16xf32>
        %max3A_430 = arith.maximumf %mul3A_427, %max3A_429 : vector<16xf32>
        %min3A_431 = arith.constant 1.190000e+02 : f32
        %min3A_432 = vector.broadcast %min3A_431 : f32 to vector<16xf32>
        %min3A_433 = arith.minimumf %max3A_430, %min3A_432 : vector<16xf32>
        %convert_element_type3A_434 = arith.fptosi %min3A_424 : vector<16xf32> to vector<16xi32>
        %convert_element_type3A_435 = arith.fptosi %min3A_433 : vector<16xf32> to vector<16xi32>
        %add3A_436 = arith.constant 1 : i32
        %add3A_437 = vector.broadcast %add3A_436 : i32 to vector<16xi32>
        %add3A_438 = arith.addi %convert_element_type3A_434, %add3A_437 : vector<16xi32>
        %min3A_439 = arith.constant 159 : i32
        %min3A_440 = vector.broadcast %min3A_439 : i32 to vector<16xi32>
        %min3A_441 = arith.minsi %add3A_438, %min3A_440 : vector<16xi32>
        %add3A_442 = arith.constant 1 : i32
        %add3A_443 = vector.broadcast %add3A_442 : i32 to vector<16xi32>
        %add3A_444 = arith.addi %convert_element_type3A_435, %add3A_443 : vector<16xi32>
        %min3A_445 = arith.constant 119 : i32
        %min3A_446 = vector.broadcast %min3A_445 : i32 to vector<16xi32>
        %min3A_447 = arith.minsi %add3A_444, %min3A_446 : vector<16xi32>
        %convert_element_type3A_448 = arith.sitofp %convert_element_type3A_434 : vector<16xi32> to vector<16xf32>
        %convert_element_type3A_449 = arith.sitofp %min3A_441 : vector<16xi32> to vector<16xf32>
        %convert_element_type3A_450 = arith.sitofp %convert_element_type3A_435 : vector<16xi32> to vector<16xf32>
        %convert_element_type3A_451 = arith.sitofp %min3A_447 : vector<16xi32> to vector<16xf32>
        %mul3A_452 = arith.constant 160 : i32
        %mul3A_453 = vector.broadcast %mul3A_452 : i32 to vector<16xi32>
        %mul3A_454 = arith.muli %convert_element_type3A_435, %mul3A_453 : vector<16xi32>
        %add3A_455 = vector.broadcast %mul3A_20 : i32 to vector<16xi32>
        %add3A_456 = arith.addi %add3A_455, %mul3A_454 : vector<16xi32>
        %mul3A_457 = arith.constant 160 : i32
        %mul3A_458 = vector.broadcast %mul3A_457 : i32 to vector<16xi32>
        %mul3A_459 = arith.muli %min3A_447, %mul3A_458 : vector<16xi32>
        %add3A_460 = vector.broadcast %mul3A_20 : i32 to vector<16xi32>
        %add3A_461 = arith.addi %add3A_460, %mul3A_459 : vector<16xi32>
        %add3A_462 = arith.addi %add3A_456, %convert_element_type3A_434 : vector<16xi32>
        %swap3A_463 = arith.constant 0 : index
        %swap3A_464 = tpu.vector_load %arg12[%swap3A_463] {strides = array<i32>} : memref<48xi32, #tpu.memory_space<vmem>>, vector<16xi32>,
        %swap3A_465 = vector.shape_cast %swap3A_464 : vector<16xi32> to vector<16xi32>
        %swap3A_466 = vector.shape_cast %add3A_462 : vector<16xi32> to vector<16xi32>
        tpu.vector_store %arg12[%swap3A_463], %swap3A_466 {strides = array<i32>} : memref<48xi32, #tpu.memory_space<vmem>>, vector<16xi32>,
        %add3A_467 = arith.addi %add3A_461, %convert_element_type3A_434 : vector<16xi32>
        %swap3A_468 = arith.constant 0 : index
        %swap3A_469 = tpu.vector_load %arg13[%swap3A_468] {strides = array<i32>} : memref<48xi32, #tpu.memory_space<vmem>>, vector<16xi32>,
        %swap3A_470 = vector.shape_cast %swap3A_469 : vector<16xi32> to vector<16xi32>
        %swap3A_471 = vector.shape_cast %add3A_467 : vector<16xi32> to vector<16xi32>
        tpu.vector_store %arg13[%swap3A_468], %swap3A_471 {strides = array<i32>} : memref<48xi32, #tpu.memory_space<vmem>>, vector<16xi32>,
        %add3A_472 = arith.addi %add3A_456, %min3A_441 : vector<16xi32>
        %swap3A_473 = arith.constant 0 : index
        %swap3A_474 = tpu.vector_load %arg14[%swap3A_473] {strides = array<i32>} : memref<48xi32, #tpu.memory_space<vmem>>, vector<16xi32>,
        %swap3A_475 = vector.shape_cast %swap3A_474 : vector<16xi32> to vector<16xi32>
        %swap3A_476 = vector.shape_cast %add3A_472 : vector<16xi32> to vector<16xi32>
        tpu.vector_store %arg14[%swap3A_473], %swap3A_476 {strides = array<i32>} : memref<48xi32, #tpu.memory_space<vmem>>, vector<16xi32>,
        %add3A_477 = arith.addi %add3A_461, %min3A_441 : vector<16xi32>
        %swap3A_478 = arith.constant 0 : index
        %swap3A_479 = tpu.vector_load %arg15[%swap3A_478] {strides = array<i32>} : memref<48xi32, #tpu.memory_space<vmem>>, vector<16xi32>,
        %swap3A_480 = vector.shape_cast %swap3A_479 : vector<16xi32> to vector<16xi32>
        %swap3A_481 = vector.shape_cast %add3A_477 : vector<16xi32> to vector<16xi32>
        tpu.vector_store %arg15[%swap3A_478], %swap3A_481 {strides = array<i32>} : memref<48xi32, #tpu.memory_space<vmem>>, vector<16xi32>,
        %sub3A_482 = arith.subf %convert_element_type3A_449, %min3A_424 : vector<16xf32>
        %sub3A_483 = arith.subf %min3A_424, %convert_element_type3A_448 : vector<16xf32>
        %sub3A_484 = arith.subf %convert_element_type3A_451, %min3A_433 : vector<16xf32>
        %sub3A_485 = arith.subf %min3A_433, %convert_element_type3A_450 : vector<16xf32>
        %mul3A_486 = arith.mulf %sub3A_482, %sub3A_484 : vector<16xf32>
        %swap3A_487 = arith.constant 0 : index
        %swap3A_488 = tpu.vector_load %arg20[%swap3A_487] {strides = array<i32>} : memref<64xf32, #tpu.memory_space<vmem>>, vector<16xf32>,
        %swap3A_489 = vector.shape_cast %swap3A_488 : vector<16xf32> to vector<16xf32>
        %swap3A_490 = vector.shape_cast %mul3A_486 : vector<16xf32> to vector<16xf32>
        tpu.vector_store %arg20[%swap3A_487], %swap3A_490 {strides = array<i32>} : memref<64xf32, #tpu.memory_space<vmem>>, vector<16xf32>,
        %mul3A_491 = arith.mulf %sub3A_482, %sub3A_485 : vector<16xf32>
        %swap3A_492 = arith.constant 0 : index
        %swap3A_493 = tpu.vector_load %arg21[%swap3A_492] {strides = array<i32>} : memref<64xf32, #tpu.memory_space<vmem>>, vector<16xf32>,
        %swap3A_494 = vector.shape_cast %swap3A_493 : vector<16xf32> to vector<16xf32>
        %swap3A_495 = vector.shape_cast %mul3A_491 : vector<16xf32> to vector<16xf32>
        tpu.vector_store %arg21[%swap3A_492], %swap3A_495 {strides = array<i32>} : memref<64xf32, #tpu.memory_space<vmem>>, vector<16xf32>,
        %mul3A_496 = arith.mulf %sub3A_483, %sub3A_484 : vector<16xf32>
        %swap3A_497 = arith.constant 0 : index
        %swap3A_498 = tpu.vector_load %arg22[%swap3A_497] {strides = array<i32>} : memref<64xf32, #tpu.memory_space<vmem>>, vector<16xf32>,
        %swap3A_499 = vector.shape_cast %swap3A_498 : vector<16xf32> to vector<16xf32>
        %swap3A_500 = vector.shape_cast %mul3A_496 : vector<16xf32> to vector<16xf32>
        tpu.vector_store %arg22[%swap3A_497], %swap3A_500 {strides = array<i32>} : memref<64xf32, #tpu.memory_space<vmem>>, vector<16xf32>,
        %mul3A_501 = arith.mulf %sub3A_483, %sub3A_485 : vector<16xf32>
        %swap3A_502 = arith.constant 0 : index
        %swap3A_503 = tpu.vector_load %arg23[%swap3A_502] {strides = array<i32>} : memref<64xf32, #tpu.memory_space<vmem>>, vector<16xf32>,
        %swap3A_504 = vector.shape_cast %swap3A_503 : vector<16xf32> to vector<16xf32>
        %swap3A_505 = vector.shape_cast %mul3A_501 : vector<16xf32> to vector<16xf32>
        tpu.vector_store %arg23[%swap3A_502], %swap3A_505 {strides = array<i32>} : memref<64xf32, #tpu.memory_space<vmem>>, vector<16xf32>,
        %add3A_506 = arith.constant 16 : i32
        %add3A_507 = arith.addi %mul3A_405, %add3A_506 : i32
        %get3A_508 = arith.index_cast %add3A_507 : i32 to index
        %get3A_509 = tpu.vector_load %arg6[%get3A_508] {strides = array<i32>} : memref<4800xf32, #tpu.memory_space<vmem>>, vector<16xf32>,
        %get3A_510 = vector.shape_cast %get3A_509 : vector<16xf32> to vector<16xf32>
        %add3A_511 = arith.constant 16 : i32
        %add3A_512 = arith.addi %mul3A_405, %add3A_511 : i32
        %get3A_513 = arith.index_cast %add3A_512 : i32 to index
        %get3A_514 = tpu.vector_load %arg7[%get3A_513] {strides = array<i32>} : memref<4800xf32, #tpu.memory_space<vmem>>, vector<16xf32>,
        %get3A_515 = vector.shape_cast %get3A_514 : vector<16xf32> to vector<16xf32>
        %mul3A_516 = arith.constant 1.590000e+02 : f32
        %mul3A_517 = vector.broadcast %mul3A_516 : f32 to vector<16xf32>
        %mul3A_518 = arith.mulf %get3A_510, %mul3A_517 : vector<16xf32>
        %max3A_519 = arith.constant 0.000000e+00 : f32
        %max3A_520 = vector.broadcast %max3A_519 : f32 to vector<16xf32>
        %max3A_521 = arith.maximumf %mul3A_518, %max3A_520 : vector<16xf32>
        %min3A_522 = arith.constant 1.590000e+02 : f32
        %min3A_523 = vector.broadcast %min3A_522 : f32 to vector<16xf32>
        %min3A_524 = arith.minimumf %max3A_521, %min3A_523 : vector<16xf32>
        %mul3A_525 = arith.constant 1.190000e+02 : f32
        %mul3A_526 = vector.broadcast %mul3A_525 : f32 to vector<16xf32>
        %mul3A_527 = arith.mulf %get3A_515, %mul3A_526 : vector<16xf32>
        %max3A_528 = arith.constant 0.000000e+00 : f32
        %max3A_529 = vector.broadcast %max3A_528 : f32 to vector<16xf32>
        %max3A_530 = arith.maximumf %mul3A_527, %max3A_529 : vector<16xf32>
        %min3A_531 = arith.constant 1.190000e+02 : f32
        %min3A_532 = vector.broadcast %min3A_531 : f32 to vector<16xf32>
        %min3A_533 = arith.minimumf %max3A_530, %min3A_532 : vector<16xf32>
        %convert_element_type3A_534 = arith.fptosi %min3A_524 : vector<16xf32> to vector<16xi32>
        %convert_element_type3A_535 = arith.fptosi %min3A_533 : vector<16xf32> to vector<16xi32>
        %add3A_536 = arith.constant 1 : i32
        %add3A_537 = vector.broadcast %add3A_536 : i32 to vector<16xi32>
        %add3A_538 = arith.addi %convert_element_type3A_534, %add3A_537 : vector<16xi32>
        %min3A_539 = arith.constant 159 : i32
        %min3A_540 = vector.broadcast %min3A_539 : i32 to vector<16xi32>
        %min3A_541 = arith.minsi %add3A_538, %min3A_540 : vector<16xi32>
        %add3A_542 = arith.constant 1 : i32
        %add3A_543 = vector.broadcast %add3A_542 : i32 to vector<16xi32>
        %add3A_544 = arith.addi %convert_element_type3A_535, %add3A_543 : vector<16xi32>
        %min3A_545 = arith.constant 119 : i32
        %min3A_546 = vector.broadcast %min3A_545 : i32 to vector<16xi32>
        %min3A_547 = arith.minsi %add3A_544, %min3A_546 : vector<16xi32>
        %convert_element_type3A_548 = arith.sitofp %convert_element_type3A_534 : vector<16xi32> to vector<16xf32>
        %convert_element_type3A_549 = arith.sitofp %min3A_541 : vector<16xi32> to vector<16xf32>
        %convert_element_type3A_550 = arith.sitofp %convert_element_type3A_535 : vector<16xi32> to vector<16xf32>
        %convert_element_type3A_551 = arith.sitofp %min3A_547 : vector<16xi32> to vector<16xf32>
        %mul3A_552 = arith.constant 160 : i32
        %mul3A_553 = vector.broadcast %mul3A_552 : i32 to vector<16xi32>
        %mul3A_554 = arith.muli %convert_element_type3A_535, %mul3A_553 : vector<16xi32>
        %add3A_555 = vector.broadcast %mul3A_20 : i32 to vector<16xi32>
        %add3A_556 = arith.addi %add3A_555, %mul3A_554 : vector<16xi32>
        %mul3A_557 = arith.constant 160 : i32
        %mul3A_558 = vector.broadcast %mul3A_557 : i32 to vector<16xi32>
        %mul3A_559 = arith.muli %min3A_547, %mul3A_558 : vector<16xi32>
        %add3A_560 = vector.broadcast %mul3A_20 : i32 to vector<16xi32>
        %add3A_561 = arith.addi %add3A_560, %mul3A_559 : vector<16xi32>
        %add3A_562 = arith.addi %add3A_556, %convert_element_type3A_534 : vector<16xi32>
        %swap3A_563 = arith.constant 16 : index
        %swap3A_564 = tpu.vector_load %arg12[%swap3A_563] {strides = array<i32>} : memref<48xi32, #tpu.memory_space<vmem>>, vector<16xi32>,
        %swap3A_565 = vector.shape_cast %swap3A_564 : vector<16xi32> to vector<16xi32>
        %swap3A_566 = vector.shape_cast %add3A_562 : vector<16xi32> to vector<16xi32>
        tpu.vector_store %arg12[%swap3A_563], %swap3A_566 {strides = array<i32>} : memref<48xi32, #tpu.memory_space<vmem>>, vector<16xi32>,
        %add3A_567 = arith.addi %add3A_561, %convert_element_type3A_534 : vector<16xi32>
        %swap3A_568 = arith.constant 16 : index
        %swap3A_569 = tpu.vector_load %arg13[%swap3A_568] {strides = array<i32>} : memref<48xi32, #tpu.memory_space<vmem>>, vector<16xi32>,
        %swap3A_570 = vector.shape_cast %swap3A_569 : vector<16xi32> to vector<16xi32>
        %swap3A_571 = vector.shape_cast %add3A_567 : vector<16xi32> to vector<16xi32>
        tpu.vector_store %arg13[%swap3A_568], %swap3A_571 {strides = array<i32>} : memref<48xi32, #tpu.memory_space<vmem>>, vector<16xi32>,
        %add3A_572 = arith.addi %add3A_556, %min3A_541 : vector<16xi32>
        %swap3A_573 = arith.constant 16 : index
        %swap3A_574 = tpu.vector_load %arg14[%swap3A_573] {strides = array<i32>} : memref<48xi32, #tpu.memory_space<vmem>>, vector<16xi32>,
        %swap3A_575 = vector.shape_cast %swap3A_574 : vector<16xi32> to vector<16xi32>
        %swap3A_576 = vector.shape_cast %add3A_572 : vector<16xi32> to vector<16xi32>
        tpu.vector_store %arg14[%swap3A_573], %swap3A_576 {strides = array<i32>} : memref<48xi32, #tpu.memory_space<vmem>>, vector<16xi32>,
        %add3A_577 = arith.addi %add3A_561, %min3A_541 : vector<16xi32>
        %swap3A_578 = arith.constant 16 : index
        %swap3A_579 = tpu.vector_load %arg15[%swap3A_578] {strides = array<i32>} : memref<48xi32, #tpu.memory_space<vmem>>, vector<16xi32>,
        %swap3A_580 = vector.shape_cast %swap3A_579 : vector<16xi32> to vector<16xi32>
        %swap3A_581 = vector.shape_cast %add3A_577 : vector<16xi32> to vector<16xi32>
        tpu.vector_store %arg15[%swap3A_578], %swap3A_581 {strides = array<i32>} : memref<48xi32, #tpu.memory_space<vmem>>, vector<16xi32>,
        %sub3A_582 = arith.subf %convert_element_type3A_549, %min3A_524 : vector<16xf32>
        %sub3A_583 = arith.subf %min3A_524, %convert_element_type3A_548 : vector<16xf32>
        %sub3A_584 = arith.subf %convert_element_type3A_551, %min3A_533 : vector<16xf32>
        %sub3A_585 = arith.subf %min3A_533, %convert_element_type3A_550 : vector<16xf32>
        %mul3A_586 = arith.mulf %sub3A_582, %sub3A_584 : vector<16xf32>
        %swap3A_587 = arith.constant 16 : index
        %swap3A_588 = tpu.vector_load %arg20[%swap3A_587] {strides = array<i32>} : memref<64xf32, #tpu.memory_space<vmem>>, vector<16xf32>,
        %swap3A_589 = vector.shape_cast %swap3A_588 : vector<16xf32> to vector<16xf32>
        %swap3A_590 = vector.shape_cast %mul3A_586 : vector<16xf32> to vector<16xf32>
        tpu.vector_store %arg20[%swap3A_587], %swap3A_590 {strides = array<i32>} : memref<64xf32, #tpu.memory_space<vmem>>, vector<16xf32>,
        %mul3A_591 = arith.mulf %sub3A_582, %sub3A_585 : vector<16xf32>
        %swap3A_592 = arith.constant 16 : index
        %swap3A_593 = tpu.vector_load %arg21[%swap3A_592] {strides = array<i32>} : memref<64xf32, #tpu.memory_space<vmem>>, vector<16xf32>,
        %swap3A_594 = vector.shape_cast %swap3A_593 : vector<16xf32> to vector<16xf32>
        %swap3A_595 = vector.shape_cast %mul3A_591 : vector<16xf32> to vector<16xf32>
        tpu.vector_store %arg21[%swap3A_592], %swap3A_595 {strides = array<i32>} : memref<64xf32, #tpu.memory_space<vmem>>, vector<16xf32>,
        %mul3A_596 = arith.mulf %sub3A_583, %sub3A_584 : vector<16xf32>
        %swap3A_597 = arith.constant 16 : index
        %swap3A_598 = tpu.vector_load %arg22[%swap3A_597] {strides = array<i32>} : memref<64xf32, #tpu.memory_space<vmem>>, vector<16xf32>,
        %swap3A_599 = vector.shape_cast %swap3A_598 : vector<16xf32> to vector<16xf32>
        %swap3A_600 = vector.shape_cast %mul3A_596 : vector<16xf32> to vector<16xf32>
        tpu.vector_store %arg22[%swap3A_597], %swap3A_600 {strides = array<i32>} : memref<64xf32, #tpu.memory_space<vmem>>, vector<16xf32>,
        %mul3A_601 = arith.mulf %sub3A_583, %sub3A_585 : vector<16xf32>
        %swap3A_602 = arith.constant 16 : index
        %swap3A_603 = tpu.vector_load %arg23[%swap3A_602] {strides = array<i32>} : memref<64xf32, #tpu.memory_space<vmem>>, vector<16xf32>,
        %swap3A_604 = vector.shape_cast %swap3A_603 : vector<16xf32> to vector<16xf32>
        %swap3A_605 = vector.shape_cast %mul3A_601 : vector<16xf32> to vector<16xf32>
        tpu.vector_store %arg23[%swap3A_602], %swap3A_605 {strides = array<i32>} : memref<64xf32, #tpu.memory_space<vmem>>, vector<16xf32>,
        %add3A_606 = arith.constant 32 : i32
        %add3A_607 = arith.addi %mul3A_405, %add3A_606 : i32
        %get3A_608 = arith.index_cast %add3A_607 : i32 to index
        %get3A_609 = tpu.vector_load %arg6[%get3A_608] {strides = array<i32>} : memref<4800xf32, #tpu.memory_space<vmem>>, vector<16xf32>,
        %get3A_610 = vector.shape_cast %get3A_609 : vector<16xf32> to vector<16xf32>
        %add3A_611 = arith.constant 32 : i32
        %add3A_612 = arith.addi %mul3A_405, %add3A_611 : i32
        %get3A_613 = arith.index_cast %add3A_612 : i32 to index
        %get3A_614 = tpu.vector_load %arg7[%get3A_613] {strides = array<i32>} : memref<4800xf32, #tpu.memory_space<vmem>>, vector<16xf32>,
        %get3A_615 = vector.shape_cast %get3A_614 : vector<16xf32> to vector<16xf32>
        %mul3A_616 = arith.constant 1.590000e+02 : f32
        %mul3A_617 = vector.broadcast %mul3A_616 : f32 to vector<16xf32>
        %mul3A_618 = arith.mulf %get3A_610, %mul3A_617 : vector<16xf32>
        %max3A_619 = arith.constant 0.000000e+00 : f32
        %max3A_620 = vector.broadcast %max3A_619 : f32 to vector<16xf32>
        %max3A_621 = arith.maximumf %mul3A_618, %max3A_620 : vector<16xf32>
        %min3A_622 = arith.constant 1.590000e+02 : f32
        %min3A_623 = vector.broadcast %min3A_622 : f32 to vector<16xf32>
        %min3A_624 = arith.minimumf %max3A_621, %min3A_623 : vector<16xf32>
        %mul3A_625 = arith.constant 1.190000e+02 : f32
        %mul3A_626 = vector.broadcast %mul3A_625 : f32 to vector<16xf32>
        %mul3A_627 = arith.mulf %get3A_615, %mul3A_626 : vector<16xf32>
        %max3A_628 = arith.constant 0.000000e+00 : f32
        %max3A_629 = vector.broadcast %max3A_628 : f32 to vector<16xf32>
        %max3A_630 = arith.maximumf %mul3A_627, %max3A_629 : vector<16xf32>
        %min3A_631 = arith.constant 1.190000e+02 : f32
        %min3A_632 = vector.broadcast %min3A_631 : f32 to vector<16xf32>
        %min3A_633 = arith.minimumf %max3A_630, %min3A_632 : vector<16xf32>
        %convert_element_type3A_634 = arith.fptosi %min3A_624 : vector<16xf32> to vector<16xi32>
        %convert_element_type3A_635 = arith.fptosi %min3A_633 : vector<16xf32> to vector<16xi32>
        %add3A_636 = arith.constant 1 : i32
        %add3A_637 = vector.broadcast %add3A_636 : i32 to vector<16xi32>
        %add3A_638 = arith.addi %convert_element_type3A_634, %add3A_637 : vector<16xi32>
        %min3A_639 = arith.constant 159 : i32
        %min3A_640 = vector.broadcast %min3A_639 : i32 to vector<16xi32>
        %min3A_641 = arith.minsi %add3A_638, %min3A_640 : vector<16xi32>
        %add3A_642 = arith.constant 1 : i32
        %add3A_643 = vector.broadcast %add3A_642 : i32 to vector<16xi32>
        %add3A_644 = arith.addi %convert_element_type3A_635, %add3A_643 : vector<16xi32>
        %min3A_645 = arith.constant 119 : i32
        %min3A_646 = vector.broadcast %min3A_645 : i32 to vector<16xi32>
        %min3A_647 = arith.minsi %add3A_644, %min3A_646 : vector<16xi32>
        %convert_element_type3A_648 = arith.sitofp %convert_element_type3A_634 : vector<16xi32> to vector<16xf32>
        %convert_element_type3A_649 = arith.sitofp %min3A_641 : vector<16xi32> to vector<16xf32>
        %convert_element_type3A_650 = arith.sitofp %convert_element_type3A_635 : vector<16xi32> to vector<16xf32>
        %convert_element_type3A_651 = arith.sitofp %min3A_647 : vector<16xi32> to vector<16xf32>
        %mul3A_652 = arith.constant 160 : i32
        %mul3A_653 = vector.broadcast %mul3A_652 : i32 to vector<16xi32>
        %mul3A_654 = arith.muli %convert_element_type3A_635, %mul3A_653 : vector<16xi32>
        %add3A_655 = vector.broadcast %mul3A_20 : i32 to vector<16xi32>
        %add3A_656 = arith.addi %add3A_655, %mul3A_654 : vector<16xi32>
        %mul3A_657 = arith.constant 160 : i32
        %mul3A_658 = vector.broadcast %mul3A_657 : i32 to vector<16xi32>
        %mul3A_659 = arith.muli %min3A_647, %mul3A_658 : vector<16xi32>
        %add3A_660 = vector.broadcast %mul3A_20 : i32 to vector<16xi32>
        %add3A_661 = arith.addi %add3A_660, %mul3A_659 : vector<16xi32>
        %add3A_662 = arith.addi %add3A_656, %convert_element_type3A_634 : vector<16xi32>
        %swap3A_663 = arith.constant 32 : index
        %swap3A_664 = tpu.vector_load %arg12[%swap3A_663] {strides = array<i32>} : memref<48xi32, #tpu.memory_space<vmem>>, vector<16xi32>,
        %swap3A_665 = vector.shape_cast %swap3A_664 : vector<16xi32> to vector<16xi32>
        %swap3A_666 = vector.shape_cast %add3A_662 : vector<16xi32> to vector<16xi32>
        tpu.vector_store %arg12[%swap3A_663], %swap3A_666 {strides = array<i32>} : memref<48xi32, #tpu.memory_space<vmem>>, vector<16xi32>,
        %add3A_667 = arith.addi %add3A_661, %convert_element_type3A_634 : vector<16xi32>
        %swap3A_668 = arith.constant 32 : index
        %swap3A_669 = tpu.vector_load %arg13[%swap3A_668] {strides = array<i32>} : memref<48xi32, #tpu.memory_space<vmem>>, vector<16xi32>,
        %swap3A_670 = vector.shape_cast %swap3A_669 : vector<16xi32> to vector<16xi32>
        %swap3A_671 = vector.shape_cast %add3A_667 : vector<16xi32> to vector<16xi32>
        tpu.vector_store %arg13[%swap3A_668], %swap3A_671 {strides = array<i32>} : memref<48xi32, #tpu.memory_space<vmem>>, vector<16xi32>,
        %add3A_672 = arith.addi %add3A_656, %min3A_641 : vector<16xi32>
        %swap3A_673 = arith.constant 32 : index
        %swap3A_674 = tpu.vector_load %arg14[%swap3A_673] {strides = array<i32>} : memref<48xi32, #tpu.memory_space<vmem>>, vector<16xi32>,
        %swap3A_675 = vector.shape_cast %swap3A_674 : vector<16xi32> to vector<16xi32>
        %swap3A_676 = vector.shape_cast %add3A_672 : vector<16xi32> to vector<16xi32>
        tpu.vector_store %arg14[%swap3A_673], %swap3A_676 {strides = array<i32>} : memref<48xi32, #tpu.memory_space<vmem>>, vector<16xi32>,
        %add3A_677 = arith.addi %add3A_661, %min3A_641 : vector<16xi32>
        %swap3A_678 = arith.constant 32 : index
        %swap3A_679 = tpu.vector_load %arg15[%swap3A_678] {strides = array<i32>} : memref<48xi32, #tpu.memory_space<vmem>>, vector<16xi32>,
        %swap3A_680 = vector.shape_cast %swap3A_679 : vector<16xi32> to vector<16xi32>
        %swap3A_681 = vector.shape_cast %add3A_677 : vector<16xi32> to vector<16xi32>
        tpu.vector_store %arg15[%swap3A_678], %swap3A_681 {strides = array<i32>} : memref<48xi32, #tpu.memory_space<vmem>>, vector<16xi32>,
        %sub3A_682 = arith.subf %convert_element_type3A_649, %min3A_624 : vector<16xf32>
        %sub3A_683 = arith.subf %min3A_624, %convert_element_type3A_648 : vector<16xf32>
        %sub3A_684 = arith.subf %convert_element_type3A_651, %min3A_633 : vector<16xf32>
        %sub3A_685 = arith.subf %min3A_633, %convert_element_type3A_650 : vector<16xf32>
        %mul3A_686 = arith.mulf %sub3A_682, %sub3A_684 : vector<16xf32>
        %swap3A_687 = arith.constant 32 : index
        %swap3A_688 = tpu.vector_load %arg20[%swap3A_687] {strides = array<i32>} : memref<64xf32, #tpu.memory_space<vmem>>, vector<16xf32>,
        %swap3A_689 = vector.shape_cast %swap3A_688 : vector<16xf32> to vector<16xf32>
        %swap3A_690 = vector.shape_cast %mul3A_686 : vector<16xf32> to vector<16xf32>
        tpu.vector_store %arg20[%swap3A_687], %swap3A_690 {strides = array<i32>} : memref<64xf32, #tpu.memory_space<vmem>>, vector<16xf32>,
        %mul3A_691 = arith.mulf %sub3A_682, %sub3A_685 : vector<16xf32>
        %swap3A_692 = arith.constant 32 : index
        %swap3A_693 = tpu.vector_load %arg21[%swap3A_692] {strides = array<i32>} : memref<64xf32, #tpu.memory_space<vmem>>, vector<16xf32>,
        %swap3A_694 = vector.shape_cast %swap3A_693 : vector<16xf32> to vector<16xf32>
        %swap3A_695 = vector.shape_cast %mul3A_691 : vector<16xf32> to vector<16xf32>
        tpu.vector_store %arg21[%swap3A_692], %swap3A_695 {strides = array<i32>} : memref<64xf32, #tpu.memory_space<vmem>>, vector<16xf32>,
        %mul3A_696 = arith.mulf %sub3A_683, %sub3A_684 : vector<16xf32>
        %swap3A_697 = arith.constant 32 : index
        %swap3A_698 = tpu.vector_load %arg22[%swap3A_697] {strides = array<i32>} : memref<64xf32, #tpu.memory_space<vmem>>, vector<16xf32>,
        %swap3A_699 = vector.shape_cast %swap3A_698 : vector<16xf32> to vector<16xf32>
        %swap3A_700 = vector.shape_cast %mul3A_696 : vector<16xf32> to vector<16xf32>
        tpu.vector_store %arg22[%swap3A_697], %swap3A_700 {strides = array<i32>} : memref<64xf32, #tpu.memory_space<vmem>>, vector<16xf32>,
        %mul3A_701 = arith.mulf %sub3A_683, %sub3A_685 : vector<16xf32>
        %swap3A_702 = arith.constant 32 : index
        %swap3A_703 = tpu.vector_load %arg23[%swap3A_702] {strides = array<i32>} : memref<64xf32, #tpu.memory_space<vmem>>, vector<16xf32>,
        %swap3A_704 = vector.shape_cast %swap3A_703 : vector<16xf32> to vector<16xf32>
        %swap3A_705 = vector.shape_cast %mul3A_701 : vector<16xf32> to vector<16xf32>
        tpu.vector_store %arg23[%swap3A_702], %swap3A_705 {strides = array<i32>} : memref<64xf32, #tpu.memory_space<vmem>>, vector<16xf32>,
        %ge3A = arith.constant 1 : i32
        %ge3A_706 = arith.cmpi sge, %add3A_335, %ge3A : i32
        %convert_element_type3A_707 = arith.extui %ge3A_706 : i1 to i32
        %cond3A_708 = arith.constant 0 : i32
        %cond3A_709 = arith.cmpi ne, %convert_element_type3A_707, %cond3A_708 : i32
        scf.if %cond3A_709 {
          %sub3A_722 = arith.constant 1 : i32
          %sub3A_723 = arith.subi %add3A_335, %sub3A_722 : i32
          %mul3A_724 = arith.constant 48 : i32
          %mul3A_725 = arith.muli %sub3A_723, %mul3A_724 : i32
          %add3A_726 = arith.addi %mul3A_2, %mul3A_725 : i32
          %dma_wait3A_727 = arith.constant 0 : i32
          %dma_wait3A_728 = tpu.memref_slice %arg5[%add3A_726, %dma_wait3A_727] : memref<153600x256xf32, #tpu.memory_space<hbm>> -> memref<48x256xf32, #tpu.memory_space<hbm>>
          %dma_wait3A_729 = arith.constant 0 : i32
          %dma_wait3A_730 = tpu.memref_slice %arg5[%add3A_726, %dma_wait3A_729] : memref<153600x256xf32, #tpu.memory_space<hbm>> -> memref<48x256xf32, #tpu.memory_space<hbm>>
          tpu.wait_dma2 semaphore(%arg35 : memref<!tpu.dma_semaphore, #tpu.memory_space<semaphore_mem>>) src(%arg28 : memref<48x256xf32, #tpu.memory_space<vmem>>) dst(%dma_wait3A_730 : memref<48x256xf32, #tpu.memory_space<hbm>>)
        } else {
        }
        %dma_start3A_710 = arith.constant 0 : i32
        %dma_start3A_711 = arith.constant 0 : i32
        %dma_start3A_712 = tpu.memref_slice %arg2[%dma_start3A_710, %dma_start3A_711] : memref<153600x256xf32, #tpu.memory_space<hbm>> -> memref<153600x256xf32, #tpu.memory_space<hbm>>
        tpu.enqueue_indirect_dma source(%dma_start3A_712 : memref<153600x256xf32, #tpu.memory_space<hbm>>) target(%arg28 : memref<48x256xf32, #tpu.memory_space<vmem>>) offsets(%arg12 : memref<48xi32, #tpu.memory_space<vmem>>) semaphore(%arg33 : memref<!tpu.dma_semaphore, #tpu.memory_space<semaphore_mem>>)
        %dma_start3A_713 = arith.constant 0 : i32
        %dma_start3A_714 = arith.constant 0 : i32
        %dma_start3A_715 = tpu.memref_slice %arg2[%dma_start3A_713, %dma_start3A_714] : memref<153600x256xf32, #tpu.memory_space<hbm>> -> memref<153600x256xf32, #tpu.memory_space<hbm>>
        tpu.enqueue_indirect_dma source(%dma_start3A_715 : memref<153600x256xf32, #tpu.memory_space<hbm>>) target(%arg29 : memref<48x256xf32, #tpu.memory_space<vmem>>) offsets(%arg13 : memref<48xi32, #tpu.memory_space<vmem>>) semaphore(%arg33 : memref<!tpu.dma_semaphore, #tpu.memory_space<semaphore_mem>>)
        %dma_start3A_716 = arith.constant 0 : i32
        %dma_start3A_717 = arith.constant 0 : i32
        %dma_start3A_718 = tpu.memref_slice %arg2[%dma_start3A_716, %dma_start3A_717] : memref<153600x256xf32, #tpu.memory_space<hbm>> -> memref<153600x256xf32, #tpu.memory_space<hbm>>
        tpu.enqueue_indirect_dma source(%dma_start3A_718 : memref<153600x256xf32, #tpu.memory_space<hbm>>) target(%arg30 : memref<48x256xf32, #tpu.memory_space<vmem>>) offsets(%arg14 : memref<48xi32, #tpu.memory_space<vmem>>) semaphore(%arg33 : memref<!tpu.dma_semaphore, #tpu.memory_space<semaphore_mem>>)
        %dma_start3A_719 = arith.constant 0 : i32
        %dma_start3A_720 = arith.constant 0 : i32
        %dma_start3A_721 = tpu.memref_slice %arg2[%dma_start3A_719, %dma_start3A_720] : memref<153600x256xf32, #tpu.memory_space<hbm>> -> memref<153600x256xf32, #tpu.memory_space<hbm>>
        tpu.enqueue_indirect_dma source(%dma_start3A_721 : memref<153600x256xf32, #tpu.memory_space<hbm>>) target(%arg31 : memref<48x256xf32, #tpu.memory_space<vmem>>) offsets(%arg15 : memref<48xi32, #tpu.memory_space<vmem>>) semaphore(%arg33 : memref<!tpu.dma_semaphore, #tpu.memory_space<semaphore_mem>>)
      } else {
      }
      %dma_wait3A_341 = arith.constant 0 : i32
      %dma_wait3A_342 = arith.constant 0 : i32
      %dma_wait3A_343 = tpu.memref_slice %arg2[%dma_wait3A_341, %dma_wait3A_342] : memref<153600x256xf32, #tpu.memory_space<hbm>> -> memref<153600x256xf32, #tpu.memory_space<hbm>>
      tpu.wait_indirect_dma semaphore(%arg32 : memref<!tpu.dma_semaphore, #tpu.memory_space<semaphore_mem>>) src(%dma_wait3A_343 : memref<153600x256xf32, #tpu.memory_space<hbm>>) dst(%arg24 : memref<48x256xf32, #tpu.memory_space<vmem>>)
      %dma_wait3A_344 = arith.constant 0 : i32
      %dma_wait3A_345 = arith.constant 0 : i32
      %dma_wait3A_346 = tpu.memref_slice %arg2[%dma_wait3A_344, %dma_wait3A_345] : memref<153600x256xf32, #tpu.memory_space<hbm>> -> memref<153600x256xf32, #tpu.memory_space<hbm>>
      tpu.wait_indirect_dma semaphore(%arg32 : memref<!tpu.dma_semaphore, #tpu.memory_space<semaphore_mem>>) src(%dma_wait3A_346 : memref<153600x256xf32, #tpu.memory_space<hbm>>) dst(%arg25 : memref<48x256xf32, #tpu.memory_space<vmem>>)
      %dma_wait3A_347 = arith.constant 0 : i32
      %dma_wait3A_348 = arith.constant 0 : i32
      %dma_wait3A_349 = tpu.memref_slice %arg2[%dma_wait3A_347, %dma_wait3A_348] : memref<153600x256xf32, #tpu.memory_space<hbm>> -> memref<153600x256xf32, #tpu.memory_space<hbm>>
      tpu.wait_indirect_dma semaphore(%arg32 : memref<!tpu.dma_semaphore, #tpu.memory_space<semaphore_mem>>) src(%dma_wait3A_349 : memref<153600x256xf32, #tpu.memory_space<hbm>>) dst(%arg26 : memref<48x256xf32, #tpu.memory_space<vmem>>)
      %dma_wait3A_350 = arith.constant 0 : i32
      %dma_wait3A_351 = arith.constant 0 : i32
      %dma_wait3A_352 = tpu.memref_slice %arg2[%dma_wait3A_350, %dma_wait3A_351] : memref<153600x256xf32, #tpu.memory_space<hbm>> -> memref<153600x256xf32, #tpu.memory_space<hbm>>
      tpu.wait_indirect_dma semaphore(%arg32 : memref<!tpu.dma_semaphore, #tpu.memory_space<semaphore_mem>>) src(%dma_wait3A_352 : memref<153600x256xf32, #tpu.memory_space<hbm>>) dst(%arg27 : memref<48x256xf32, #tpu.memory_space<vmem>>)
      %scan3A_353 = arith.constant 0 : i32
      %scan3A_354 = arith.constant 0 : i32
      %scan3A_355 = arith.constant 48 : i32
      %scan3A_356 = arith.addi %scan3A_354, %scan3A_355 : i32
      %scan3A_357 = arith.constant 1 : i32
      scf.for %scan3A_402 = %scan3A_354 to %scan3A_356 step %scan3A_357  : i32 {
        %get3A_403 = arith.index_cast %scan3A_402 : i32 to index
        %get3A_404 = tpu.vector_load %arg16[%get3A_403] {strides = array<i32>} : memref<64xf32, #tpu.memory_space<vmem>>, vector<16xf32>,
        %get3A_405 = vector.shape_cast %get3A_404 : vector<16xf32> to vector<16xf32>
        %slice3A = vector.extract_strided_slice %get3A_405 {offsets = [0], sizes = [1], strides = [1]} : vector<16xf32> to vector<1xf32>
        %squeeze3A = vector.extract %slice3A[0] : f32 from vector<1xf32>
        %get3A_406 = arith.index_cast %scan3A_402 : i32 to index
        %get3A_407 = tpu.vector_load %arg17[%get3A_406] {strides = array<i32>} : memref<64xf32, #tpu.memory_space<vmem>>, vector<16xf32>,
        %get3A_408 = vector.shape_cast %get3A_407 : vector<16xf32> to vector<16xf32>
        %slice3A_409 = vector.extract_strided_slice %get3A_408 {offsets = [0], sizes = [1], strides = [1]} : vector<16xf32> to vector<1xf32>
        %squeeze3A_410 = vector.extract %slice3A_409[0] : f32 from vector<1xf32>
        %get3A_411 = arith.index_cast %scan3A_402 : i32 to index
        %get3A_412 = tpu.vector_load %arg18[%get3A_411] {strides = array<i32>} : memref<64xf32, #tpu.memory_space<vmem>>, vector<16xf32>,
        %get3A_413 = vector.shape_cast %get3A_412 : vector<16xf32> to vector<16xf32>
        %slice3A_414 = vector.extract_strided_slice %get3A_413 {offsets = [0], sizes = [1], strides = [1]} : vector<16xf32> to vector<1xf32>
        %squeeze3A_415 = vector.extract %slice3A_414[0] : f32 from vector<1xf32>
        %get3A_416 = arith.index_cast %scan3A_402 : i32 to index
        %get3A_417 = tpu.vector_load %arg19[%get3A_416] {strides = array<i32>} : memref<64xf32, #tpu.memory_space<vmem>>, vector<16xf32>,
        %get3A_418 = vector.shape_cast %get3A_417 : vector<16xf32> to vector<16xf32>
        %slice3A_419 = vector.extract_strided_slice %get3A_418 {offsets = [0], sizes = [1], strides = [1]} : vector<16xf32> to vector<1xf32>
        %squeeze3A_420 = vector.extract %slice3A_419[0] : f32 from vector<1xf32>
        %get3A_421 = arith.index_cast %scan3A_402 : i32 to index
        %get3A_422 = arith.constant 0 : index
        %get3A_423 = tpu.vector_load %arg24[%get3A_421, %get3A_422] {strides = array<i32>} : memref<48x256xf32, #tpu.memory_space<vmem>>, vector<1x16xf32>,
        %get3A_424 = vector.shape_cast %get3A_423 : vector<1x16xf32> to vector<16xf32>
        %mul3A_425 = vector.broadcast %squeeze3A : f32 to vector<16xf32>
        %mul3A_426 = arith.mulf %mul3A_425, %get3A_424 : vector<16xf32>
        %get3A_427 = arith.index_cast %scan3A_402 : i32 to index
        %get3A_428 = arith.constant 0 : index
        %get3A_429 = tpu.vector_load %arg25[%get3A_427, %get3A_428] {strides = array<i32>} : memref<48x256xf32, #tpu.memory_space<vmem>>, vector<1x16xf32>,
        %get3A_430 = vector.shape_cast %get3A_429 : vector<1x16xf32> to vector<16xf32>
        %mul3A_431 = vector.broadcast %squeeze3A_410 : f32 to vector<16xf32>
        %mul3A_432 = arith.mulf %mul3A_431, %get3A_430 : vector<16xf32>
        %add3A_433 = arith.addf %mul3A_426, %mul3A_432 : vector<16xf32>
        %get3A_434 = arith.index_cast %scan3A_402 : i32 to index
        %get3A_435 = arith.constant 0 : index
        %get3A_436 = tpu.vector_load %arg26[%get3A_434, %get3A_435] {strides = array<i32>} : memref<48x256xf32, #tpu.memory_space<vmem>>, vector<1x16xf32>,
        %get3A_437 = vector.shape_cast %get3A_436 : vector<1x16xf32> to vector<16xf32>
        %mul3A_438 = vector.broadcast %squeeze3A_415 : f32 to vector<16xf32>
        %mul3A_439 = arith.mulf %mul3A_438, %get3A_437 : vector<16xf32>
        %add3A_440 = arith.addf %add3A_433, %mul3A_439 : vector<16xf32>
        %get3A_441 = arith.index_cast %scan3A_402 : i32 to index
        %get3A_442 = arith.constant 0 : index
        %get3A_443 = tpu.vector_load %arg27[%get3A_441, %get3A_442] {strides = array<i32>} : memref<48x256xf32, #tpu.memory_space<vmem>>, vector<1x16xf32>,
        %get3A_444 = vector.shape_cast %get3A_443 : vector<1x16xf32> to vector<16xf32>
        %mul3A_445 = vector.broadcast %squeeze3A_420 : f32 to vector<16xf32>
        %mul3A_446 = arith.mulf %mul3A_445, %get3A_444 : vector<16xf32>
        %add3A_447 = arith.addf %add3A_440, %mul3A_446 : vector<16xf32>
        %swap3A_448 = arith.index_cast %scan3A_402 : i32 to index
        %swap3A_449 = arith.constant 0 : index
        %swap3A_450 = tpu.vector_load %arg24[%swap3A_448, %swap3A_449] {strides = array<i32>} : memref<48x256xf32, #tpu.memory_space<vmem>>, vector<1x16xf32>,
        %swap3A_451 = vector.shape_cast %swap3A_450 : vector<1x16xf32> to vector<16xf32>
        %swap3A_452 = vector.shape_cast %add3A_447 : vector<16xf32> to vector<1x16xf32>
        tpu.vector_store %arg24[%swap3A_448, %swap3A_449], %swap3A_452 {strides = array<i32>} : memref<48x256xf32, #tpu.memory_space<vmem>>, vector<1x16xf32>,
        %get3A_453 = arith.index_cast %scan3A_402 : i32 to index
        %get3A_454 = arith.constant 16 : index
        %get3A_455 = tpu.vector_load %arg24[%get3A_453, %get3A_454] {strides = array<i32>} : memref<48x256xf32, #tpu.memory_space<vmem>>, vector<1x16xf32>,
        %get3A_456 = vector.shape_cast %get3A_455 : vector<1x16xf32> to vector<16xf32>
        %mul3A_457 = vector.broadcast %squeeze3A : f32 to vector<16xf32>
        %mul3A_458 = arith.mulf %mul3A_457, %get3A_456 : vector<16xf32>
        %get3A_459 = arith.index_cast %scan3A_402 : i32 to index
        %get3A_460 = arith.constant 16 : index
        %get3A_461 = tpu.vector_load %arg25[%get3A_459, %get3A_460] {strides = array<i32>} : memref<48x256xf32, #tpu.memory_space<vmem>>, vector<1x16xf32>,
        %get3A_462 = vector.shape_cast %get3A_461 : vector<1x16xf32> to vector<16xf32>
        %mul3A_463 = vector.broadcast %squeeze3A_410 : f32 to vector<16xf32>
        %mul3A_464 = arith.mulf %mul3A_463, %get3A_462 : vector<16xf32>
        %add3A_465 = arith.addf %mul3A_458, %mul3A_464 : vector<16xf32>
        %get3A_466 = arith.index_cast %scan3A_402 : i32 to index
        %get3A_467 = arith.constant 16 : index
        %get3A_468 = tpu.vector_load %arg26[%get3A_466, %get3A_467] {strides = array<i32>} : memref<48x256xf32, #tpu.memory_space<vmem>>, vector<1x16xf32>,
        %get3A_469 = vector.shape_cast %get3A_468 : vector<1x16xf32> to vector<16xf32>
        %mul3A_470 = vector.broadcast %squeeze3A_415 : f32 to vector<16xf32>
        %mul3A_471 = arith.mulf %mul3A_470, %get3A_469 : vector<16xf32>
        %add3A_472 = arith.addf %add3A_465, %mul3A_471 : vector<16xf32>
        %get3A_473 = arith.index_cast %scan3A_402 : i32 to index
        %get3A_474 = arith.constant 16 : index
        %get3A_475 = tpu.vector_load %arg27[%get3A_473, %get3A_474] {strides = array<i32>} : memref<48x256xf32, #tpu.memory_space<vmem>>, vector<1x16xf32>,
        %get3A_476 = vector.shape_cast %get3A_475 : vector<1x16xf32> to vector<16xf32>
        %mul3A_477 = vector.broadcast %squeeze3A_420 : f32 to vector<16xf32>
        %mul3A_478 = arith.mulf %mul3A_477, %get3A_476 : vector<16xf32>
        %add3A_479 = arith.addf %add3A_472, %mul3A_478 : vector<16xf32>
        %swap3A_480 = arith.index_cast %scan3A_402 : i32 to index
        %swap3A_481 = arith.constant 16 : index
        %swap3A_482 = tpu.vector_load %arg24[%swap3A_480, %swap3A_481] {strides = array<i32>} : memref<48x256xf32, #tpu.memory_space<vmem>>, vector<1x16xf32>,
        %swap3A_483 = vector.shape_cast %swap3A_482 : vector<1x16xf32> to vector<16xf32>
        %swap3A_484 = vector.shape_cast %add3A_479 : vector<16xf32> to vector<1x16xf32>
        tpu.vector_store %arg24[%swap3A_480, %swap3A_481], %swap3A_484 {strides = array<i32>} : memref<48x256xf32, #tpu.memory_space<vmem>>, vector<1x16xf32>,
        %get3A_485 = arith.index_cast %scan3A_402 : i32 to index
        %get3A_486 = arith.constant 32 : index
        %get3A_487 = tpu.vector_load %arg24[%get3A_485, %get3A_486] {strides = array<i32>} : memref<48x256xf32, #tpu.memory_space<vmem>>, vector<1x16xf32>,
        %get3A_488 = vector.shape_cast %get3A_487 : vector<1x16xf32> to vector<16xf32>
        %mul3A_489 = vector.broadcast %squeeze3A : f32 to vector<16xf32>
        %mul3A_490 = arith.mulf %mul3A_489, %get3A_488 : vector<16xf32>
        %get3A_491 = arith.index_cast %scan3A_402 : i32 to index
        %get3A_492 = arith.constant 32 : index
        %get3A_493 = tpu.vector_load %arg25[%get3A_491, %get3A_492] {strides = array<i32>} : memref<48x256xf32, #tpu.memory_space<vmem>>, vector<1x16xf32>,
        %get3A_494 = vector.shape_cast %get3A_493 : vector<1x16xf32> to vector<16xf32>
        %mul3A_495 = vector.broadcast %squeeze3A_410 : f32 to vector<16xf32>
        %mul3A_496 = arith.mulf %mul3A_495, %get3A_494 : vector<16xf32>
        %add3A_497 = arith.addf %mul3A_490, %mul3A_496 : vector<16xf32>
        %get3A_498 = arith.index_cast %scan3A_402 : i32 to index
        %get3A_499 = arith.constant 32 : index
        %get3A_500 = tpu.vector_load %arg26[%get3A_498, %get3A_499] {strides = array<i32>} : memref<48x256xf32, #tpu.memory_space<vmem>>, vector<1x16xf32>,
        %get3A_501 = vector.shape_cast %get3A_500 : vector<1x16xf32> to vector<16xf32>
        %mul3A_502 = vector.broadcast %squeeze3A_415 : f32 to vector<16xf32>
        %mul3A_503 = arith.mulf %mul3A_502, %get3A_501 : vector<16xf32>
        %add3A_504 = arith.addf %add3A_497, %mul3A_503 : vector<16xf32>
        %get3A_505 = arith.index_cast %scan3A_402 : i32 to index
        %get3A_506 = arith.constant 32 : index
        %get3A_507 = tpu.vector_load %arg27[%get3A_505, %get3A_506] {strides = array<i32>} : memref<48x256xf32, #tpu.memory_space<vmem>>, vector<1x16xf32>,
        %get3A_508 = vector.shape_cast %get3A_507 : vector<1x16xf32> to vector<16xf32>
        %mul3A_509 = vector.broadcast %squeeze3A_420 : f32 to vector<16xf32>
        %mul3A_510 = arith.mulf %mul3A_509, %get3A_508 : vector<16xf32>
        %add3A_511 = arith.addf %add3A_504, %mul3A_510 : vector<16xf32>
        %swap3A_512 = arith.index_cast %scan3A_402 : i32 to index
        %swap3A_513 = arith.constant 32 : index
        %swap3A_514 = tpu.vector_load %arg24[%swap3A_512, %swap3A_513] {strides = array<i32>} : memref<48x256xf32, #tpu.memory_space<vmem>>, vector<1x16xf32>,
        %swap3A_515 = vector.shape_cast %swap3A_514 : vector<1x16xf32> to vector<16xf32>
        %swap3A_516 = vector.shape_cast %add3A_511 : vector<16xf32> to vector<1x16xf32>
        tpu.vector_store %arg24[%swap3A_512, %swap3A_513], %swap3A_516 {strides = array<i32>} : memref<48x256xf32, #tpu.memory_space<vmem>>, vector<1x16xf32>,
        %get3A_517 = arith.index_cast %scan3A_402 : i32 to index
        %get3A_518 = arith.constant 48 : index
        %get3A_519 = tpu.vector_load %arg24[%get3A_517, %get3A_518] {strides = array<i32>} : memref<48x256xf32, #tpu.memory_space<vmem>>, vector<1x16xf32>,
        %get3A_520 = vector.shape_cast %get3A_519 : vector<1x16xf32> to vector<16xf32>
        %mul3A_521 = vector.broadcast %squeeze3A : f32 to vector<16xf32>
        %mul3A_522 = arith.mulf %mul3A_521, %get3A_520 : vector<16xf32>
        %get3A_523 = arith.index_cast %scan3A_402 : i32 to index
        %get3A_524 = arith.constant 48 : index
        %get3A_525 = tpu.vector_load %arg25[%get3A_523, %get3A_524] {strides = array<i32>} : memref<48x256xf32, #tpu.memory_space<vmem>>, vector<1x16xf32>,
        %get3A_526 = vector.shape_cast %get3A_525 : vector<1x16xf32> to vector<16xf32>
        %mul3A_527 = vector.broadcast %squeeze3A_410 : f32 to vector<16xf32>
        %mul3A_528 = arith.mulf %mul3A_527, %get3A_526 : vector<16xf32>
        %add3A_529 = arith.addf %mul3A_522, %mul3A_528 : vector<16xf32>
        %get3A_530 = arith.index_cast %scan3A_402 : i32 to index
        %get3A_531 = arith.constant 48 : index
        %get3A_532 = tpu.vector_load %arg26[%get3A_530, %get3A_531] {strides = array<i32>} : memref<48x256xf32, #tpu.memory_space<vmem>>, vector<1x16xf32>,
        %get3A_533 = vector.shape_cast %get3A_532 : vector<1x16xf32> to vector<16xf32>
        %mul3A_534 = vector.broadcast %squeeze3A_415 : f32 to vector<16xf32>
        %mul3A_535 = arith.mulf %mul3A_534, %get3A_533 : vector<16xf32>
        %add3A_536 = arith.addf %add3A_529, %mul3A_535 : vector<16xf32>
        %get3A_537 = arith.index_cast %scan3A_402 : i32 to index
        %get3A_538 = arith.constant 48 : index
        %get3A_539 = tpu.vector_load %arg27[%get3A_537, %get3A_538] {strides = array<i32>} : memref<48x256xf32, #tpu.memory_space<vmem>>, vector<1x16xf32>,
        %get3A_540 = vector.shape_cast %get3A_539 : vector<1x16xf32> to vector<16xf32>
        %mul3A_541 = vector.broadcast %squeeze3A_420 : f32 to vector<16xf32>
        %mul3A_542 = arith.mulf %mul3A_541, %get3A_540 : vector<16xf32>
        %add3A_543 = arith.addf %add3A_536, %mul3A_542 : vector<16xf32>
        %swap3A_544 = arith.index_cast %scan3A_402 : i32 to index
        %swap3A_545 = arith.constant 48 : index
        %swap3A_546 = tpu.vector_load %arg24[%swap3A_544, %swap3A_545] {strides = array<i32>} : memref<48x256xf32, #tpu.memory_space<vmem>>, vector<1x16xf32>,
        %swap3A_547 = vector.shape_cast %swap3A_546 : vector<1x16xf32> to vector<16xf32>
        %swap3A_548 = vector.shape_cast %add3A_543 : vector<16xf32> to vector<1x16xf32>
        tpu.vector_store %arg24[%swap3A_544, %swap3A_545], %swap3A_548 {strides = array<i32>} : memref<48x256xf32, #tpu.memory_space<vmem>>, vector<1x16xf32>,
        %get3A_549 = arith.index_cast %scan3A_402 : i32 to index
        %get3A_550 = arith.constant 64 : index
        %get3A_551 = tpu.vector_load %arg24[%get3A_549, %get3A_550] {strides = array<i32>} : memref<48x256xf32, #tpu.memory_space<vmem>>, vector<1x16xf32>,
        %get3A_552 = vector.shape_cast %get3A_551 : vector<1x16xf32> to vector<16xf32>
        %mul3A_553 = vector.broadcast %squeeze3A : f32 to vector<16xf32>
        %mul3A_554 = arith.mulf %mul3A_553, %get3A_552 : vector<16xf32>
        %get3A_555 = arith.index_cast %scan3A_402 : i32 to index
        %get3A_556 = arith.constant 64 : index
        %get3A_557 = tpu.vector_load %arg25[%get3A_555, %get3A_556] {strides = array<i32>} : memref<48x256xf32, #tpu.memory_space<vmem>>, vector<1x16xf32>,
        %get3A_558 = vector.shape_cast %get3A_557 : vector<1x16xf32> to vector<16xf32>
        %mul3A_559 = vector.broadcast %squeeze3A_410 : f32 to vector<16xf32>
        %mul3A_560 = arith.mulf %mul3A_559, %get3A_558 : vector<16xf32>
        %add3A_561 = arith.addf %mul3A_554, %mul3A_560 : vector<16xf32>
        %get3A_562 = arith.index_cast %scan3A_402 : i32 to index
        %get3A_563 = arith.constant 64 : index
        %get3A_564 = tpu.vector_load %arg26[%get3A_562, %get3A_563] {strides = array<i32>} : memref<48x256xf32, #tpu.memory_space<vmem>>, vector<1x16xf32>,
        %get3A_565 = vector.shape_cast %get3A_564 : vector<1x16xf32> to vector<16xf32>
        %mul3A_566 = vector.broadcast %squeeze3A_415 : f32 to vector<16xf32>
        %mul3A_567 = arith.mulf %mul3A_566, %get3A_565 : vector<16xf32>
        %add3A_568 = arith.addf %add3A_561, %mul3A_567 : vector<16xf32>
        %get3A_569 = arith.index_cast %scan3A_402 : i32 to index
        %get3A_570 = arith.constant 64 : index
        %get3A_571 = tpu.vector_load %arg27[%get3A_569, %get3A_570] {strides = array<i32>} : memref<48x256xf32, #tpu.memory_space<vmem>>, vector<1x16xf32>,
        %get3A_572 = vector.shape_cast %get3A_571 : vector<1x16xf32> to vector<16xf32>
        %mul3A_573 = vector.broadcast %squeeze3A_420 : f32 to vector<16xf32>
        %mul3A_574 = arith.mulf %mul3A_573, %get3A_572 : vector<16xf32>
        %add3A_575 = arith.addf %add3A_568, %mul3A_574 : vector<16xf32>
        %swap3A_576 = arith.index_cast %scan3A_402 : i32 to index
        %swap3A_577 = arith.constant 64 : index
        %swap3A_578 = tpu.vector_load %arg24[%swap3A_576, %swap3A_577] {strides = array<i32>} : memref<48x256xf32, #tpu.memory_space<vmem>>, vector<1x16xf32>,
        %swap3A_579 = vector.shape_cast %swap3A_578 : vector<1x16xf32> to vector<16xf32>
        %swap3A_580 = vector.shape_cast %add3A_575 : vector<16xf32> to vector<1x16xf32>
        tpu.vector_store %arg24[%swap3A_576, %swap3A_577], %swap3A_580 {strides = array<i32>} : memref<48x256xf32, #tpu.memory_space<vmem>>, vector<1x16xf32>,
        %get3A_581 = arith.index_cast %scan3A_402 : i32 to index
        %get3A_582 = arith.constant 80 : index
        %get3A_583 = tpu.vector_load %arg24[%get3A_581, %get3A_582] {strides = array<i32>} : memref<48x256xf32, #tpu.memory_space<vmem>>, vector<1x16xf32>,
        %get3A_584 = vector.shape_cast %get3A_583 : vector<1x16xf32> to vector<16xf32>
        %mul3A_585 = vector.broadcast %squeeze3A : f32 to vector<16xf32>
        %mul3A_586 = arith.mulf %mul3A_585, %get3A_584 : vector<16xf32>
        %get3A_587 = arith.index_cast %scan3A_402 : i32 to index
        %get3A_588 = arith.constant 80 : index
        %get3A_589 = tpu.vector_load %arg25[%get3A_587, %get3A_588] {strides = array<i32>} : memref<48x256xf32, #tpu.memory_space<vmem>>, vector<1x16xf32>,
        %get3A_590 = vector.shape_cast %get3A_589 : vector<1x16xf32> to vector<16xf32>
        %mul3A_591 = vector.broadcast %squeeze3A_410 : f32 to vector<16xf32>
        %mul3A_592 = arith.mulf %mul3A_591, %get3A_590 : vector<16xf32>
        %add3A_593 = arith.addf %mul3A_586, %mul3A_592 : vector<16xf32>
        %get3A_594 = arith.index_cast %scan3A_402 : i32 to index
        %get3A_595 = arith.constant 80 : index
        %get3A_596 = tpu.vector_load %arg26[%get3A_594, %get3A_595] {strides = array<i32>} : memref<48x256xf32, #tpu.memory_space<vmem>>, vector<1x16xf32>,
        %get3A_597 = vector.shape_cast %get3A_596 : vector<1x16xf32> to vector<16xf32>
        %mul3A_598 = vector.broadcast %squeeze3A_415 : f32 to vector<16xf32>
        %mul3A_599 = arith.mulf %mul3A_598, %get3A_597 : vector<16xf32>
        %add3A_600 = arith.addf %add3A_593, %mul3A_599 : vector<16xf32>
        %get3A_601 = arith.index_cast %scan3A_402 : i32 to index
        %get3A_602 = arith.constant 80 : index
        %get3A_603 = tpu.vector_load %arg27[%get3A_601, %get3A_602] {strides = array<i32>} : memref<48x256xf32, #tpu.memory_space<vmem>>, vector<1x16xf32>,
        %get3A_604 = vector.shape_cast %get3A_603 : vector<1x16xf32> to vector<16xf32>
        %mul3A_605 = vector.broadcast %squeeze3A_420 : f32 to vector<16xf32>
        %mul3A_606 = arith.mulf %mul3A_605, %get3A_604 : vector<16xf32>
        %add3A_607 = arith.addf %add3A_600, %mul3A_606 : vector<16xf32>
        %swap3A_608 = arith.index_cast %scan3A_402 : i32 to index
        %swap3A_609 = arith.constant 80 : index
        %swap3A_610 = tpu.vector_load %arg24[%swap3A_608, %swap3A_609] {strides = array<i32>} : memref<48x256xf32, #tpu.memory_space<vmem>>, vector<1x16xf32>,
        %swap3A_611 = vector.shape_cast %swap3A_610 : vector<1x16xf32> to vector<16xf32>
        %swap3A_612 = vector.shape_cast %add3A_607 : vector<16xf32> to vector<1x16xf32>
        tpu.vector_store %arg24[%swap3A_608, %swap3A_609], %swap3A_612 {strides = array<i32>} : memref<48x256xf32, #tpu.memory_space<vmem>>, vector<1x16xf32>,
        %get3A_613 = arith.index_cast %scan3A_402 : i32 to index
        %get3A_614 = arith.constant 96 : index
        %get3A_615 = tpu.vector_load %arg24[%get3A_613, %get3A_614] {strides = array<i32>} : memref<48x256xf32, #tpu.memory_space<vmem>>, vector<1x16xf32>,
        %get3A_616 = vector.shape_cast %get3A_615 : vector<1x16xf32> to vector<16xf32>
        %mul3A_617 = vector.broadcast %squeeze3A : f32 to vector<16xf32>
        %mul3A_618 = arith.mulf %mul3A_617, %get3A_616 : vector<16xf32>
        %get3A_619 = arith.index_cast %scan3A_402 : i32 to index
        %get3A_620 = arith.constant 96 : index
        %get3A_621 = tpu.vector_load %arg25[%get3A_619, %get3A_620] {strides = array<i32>} : memref<48x256xf32, #tpu.memory_space<vmem>>, vector<1x16xf32>,
        %get3A_622 = vector.shape_cast %get3A_621 : vector<1x16xf32> to vector<16xf32>
        %mul3A_623 = vector.broadcast %squeeze3A_410 : f32 to vector<16xf32>
        %mul3A_624 = arith.mulf %mul3A_623, %get3A_622 : vector<16xf32>
        %add3A_625 = arith.addf %mul3A_618, %mul3A_624 : vector<16xf32>
        %get3A_626 = arith.index_cast %scan3A_402 : i32 to index
        %get3A_627 = arith.constant 96 : index
        %get3A_628 = tpu.vector_load %arg26[%get3A_626, %get3A_627] {strides = array<i32>} : memref<48x256xf32, #tpu.memory_space<vmem>>, vector<1x16xf32>,
        %get3A_629 = vector.shape_cast %get3A_628 : vector<1x16xf32> to vector<16xf32>
        %mul3A_630 = vector.broadcast %squeeze3A_415 : f32 to vector<16xf32>
        %mul3A_631 = arith.mulf %mul3A_630, %get3A_629 : vector<16xf32>
        %add3A_632 = arith.addf %add3A_625, %mul3A_631 : vector<16xf32>
        %get3A_633 = arith.index_cast %scan3A_402 : i32 to index
        %get3A_634 = arith.constant 96 : index
        %get3A_635 = tpu.vector_load %arg27[%get3A_633, %get3A_634] {strides = array<i32>} : memref<48x256xf32, #tpu.memory_space<vmem>>, vector<1x16xf32>,
        %get3A_636 = vector.shape_cast %get3A_635 : vector<1x16xf32> to vector<16xf32>
        %mul3A_637 = vector.broadcast %squeeze3A_420 : f32 to vector<16xf32>
        %mul3A_638 = arith.mulf %mul3A_637, %get3A_636 : vector<16xf32>
        %add3A_639 = arith.addf %add3A_632, %mul3A_638 : vector<16xf32>
        %swap3A_640 = arith.index_cast %scan3A_402 : i32 to index
        %swap3A_641 = arith.constant 96 : index
        %swap3A_642 = tpu.vector_load %arg24[%swap3A_640, %swap3A_641] {strides = array<i32>} : memref<48x256xf32, #tpu.memory_space<vmem>>, vector<1x16xf32>,
        %swap3A_643 = vector.shape_cast %swap3A_642 : vector<1x16xf32> to vector<16xf32>
        %swap3A_644 = vector.shape_cast %add3A_639 : vector<16xf32> to vector<1x16xf32>
        tpu.vector_store %arg24[%swap3A_640, %swap3A_641], %swap3A_644 {strides = array<i32>} : memref<48x256xf32, #tpu.memory_space<vmem>>, vector<1x16xf32>,
        %get3A_645 = arith.index_cast %scan3A_402 : i32 to index
        %get3A_646 = arith.constant 112 : index
        %get3A_647 = tpu.vector_load %arg24[%get3A_645, %get3A_646] {strides = array<i32>} : memref<48x256xf32, #tpu.memory_space<vmem>>, vector<1x16xf32>,
        %get3A_648 = vector.shape_cast %get3A_647 : vector<1x16xf32> to vector<16xf32>
        %mul3A_649 = vector.broadcast %squeeze3A : f32 to vector<16xf32>
        %mul3A_650 = arith.mulf %mul3A_649, %get3A_648 : vector<16xf32>
        %get3A_651 = arith.index_cast %scan3A_402 : i32 to index
        %get3A_652 = arith.constant 112 : index
        %get3A_653 = tpu.vector_load %arg25[%get3A_651, %get3A_652] {strides = array<i32>} : memref<48x256xf32, #tpu.memory_space<vmem>>, vector<1x16xf32>,
        %get3A_654 = vector.shape_cast %get3A_653 : vector<1x16xf32> to vector<16xf32>
        %mul3A_655 = vector.broadcast %squeeze3A_410 : f32 to vector<16xf32>
        %mul3A_656 = arith.mulf %mul3A_655, %get3A_654 : vector<16xf32>
        %add3A_657 = arith.addf %mul3A_650, %mul3A_656 : vector<16xf32>
        %get3A_658 = arith.index_cast %scan3A_402 : i32 to index
        %get3A_659 = arith.constant 112 : index
        %get3A_660 = tpu.vector_load %arg26[%get3A_658, %get3A_659] {strides = array<i32>} : memref<48x256xf32, #tpu.memory_space<vmem>>, vector<1x16xf32>,
        %get3A_661 = vector.shape_cast %get3A_660 : vector<1x16xf32> to vector<16xf32>
        %mul3A_662 = vector.broadcast %squeeze3A_415 : f32 to vector<16xf32>
        %mul3A_663 = arith.mulf %mul3A_662, %get3A_661 : vector<16xf32>
        %add3A_664 = arith.addf %add3A_657, %mul3A_663 : vector<16xf32>
        %get3A_665 = arith.index_cast %scan3A_402 : i32 to index
        %get3A_666 = arith.constant 112 : index
        %get3A_667 = tpu.vector_load %arg27[%get3A_665, %get3A_666] {strides = array<i32>} : memref<48x256xf32, #tpu.memory_space<vmem>>, vector<1x16xf32>,
        %get3A_668 = vector.shape_cast %get3A_667 : vector<1x16xf32> to vector<16xf32>
        %mul3A_669 = vector.broadcast %squeeze3A_420 : f32 to vector<16xf32>
        %mul3A_670 = arith.mulf %mul3A_669, %get3A_668 : vector<16xf32>
        %add3A_671 = arith.addf %add3A_664, %mul3A_670 : vector<16xf32>
        %swap3A_672 = arith.index_cast %scan3A_402 : i32 to index
        %swap3A_673 = arith.constant 112 : index
        %swap3A_674 = tpu.vector_load %arg24[%swap3A_672, %swap3A_673] {strides = array<i32>} : memref<48x256xf32, #tpu.memory_space<vmem>>, vector<1x16xf32>,
        %swap3A_675 = vector.shape_cast %swap3A_674 : vector<1x16xf32> to vector<16xf32>
        %swap3A_676 = vector.shape_cast %add3A_671 : vector<16xf32> to vector<1x16xf32>
        tpu.vector_store %arg24[%swap3A_672, %swap3A_673], %swap3A_676 {strides = array<i32>} : memref<48x256xf32, #tpu.memory_space<vmem>>, vector<1x16xf32>,
        %get3A_677 = arith.index_cast %scan3A_402 : i32 to index
        %get3A_678 = arith.constant 128 : index
        %get3A_679 = tpu.vector_load %arg24[%get3A_677, %get3A_678] {strides = array<i32>} : memref<48x256xf32, #tpu.memory_space<vmem>>, vector<1x16xf32>,
        %get3A_680 = vector.shape_cast %get3A_679 : vector<1x16xf32> to vector<16xf32>
        %mul3A_681 = vector.broadcast %squeeze3A : f32 to vector<16xf32>
        %mul3A_682 = arith.mulf %mul3A_681, %get3A_680 : vector<16xf32>
        %get3A_683 = arith.index_cast %scan3A_402 : i32 to index
        %get3A_684 = arith.constant 128 : index
        %get3A_685 = tpu.vector_load %arg25[%get3A_683, %get3A_684] {strides = array<i32>} : memref<48x256xf32, #tpu.memory_space<vmem>>, vector<1x16xf32>,
        %get3A_686 = vector.shape_cast %get3A_685 : vector<1x16xf32> to vector<16xf32>
        %mul3A_687 = vector.broadcast %squeeze3A_410 : f32 to vector<16xf32>
        %mul3A_688 = arith.mulf %mul3A_687, %get3A_686 : vector<16xf32>
        %add3A_689 = arith.addf %mul3A_682, %mul3A_688 : vector<16xf32>
        %get3A_690 = arith.index_cast %scan3A_402 : i32 to index
        %get3A_691 = arith.constant 128 : index
        %get3A_692 = tpu.vector_load %arg26[%get3A_690, %get3A_691] {strides = array<i32>} : memref<48x256xf32, #tpu.memory_space<vmem>>, vector<1x16xf32>,
        %get3A_693 = vector.shape_cast %get3A_692 : vector<1x16xf32> to vector<16xf32>
        %mul3A_694 = vector.broadcast %squeeze3A_415 : f32 to vector<16xf32>
        %mul3A_695 = arith.mulf %mul3A_694, %get3A_693 : vector<16xf32>
        %add3A_696 = arith.addf %add3A_689, %mul3A_695 : vector<16xf32>
        %get3A_697 = arith.index_cast %scan3A_402 : i32 to index
        %get3A_698 = arith.constant 128 : index
        %get3A_699 = tpu.vector_load %arg27[%get3A_697, %get3A_698] {strides = array<i32>} : memref<48x256xf32, #tpu.memory_space<vmem>>, vector<1x16xf32>,
        %get3A_700 = vector.shape_cast %get3A_699 : vector<1x16xf32> to vector<16xf32>
        %mul3A_701 = vector.broadcast %squeeze3A_420 : f32 to vector<16xf32>
        %mul3A_702 = arith.mulf %mul3A_701, %get3A_700 : vector<16xf32>
        %add3A_703 = arith.addf %add3A_696, %mul3A_702 : vector<16xf32>
        %swap3A_704 = arith.index_cast %scan3A_402 : i32 to index
        %swap3A_705 = arith.constant 128 : index
        %swap3A_706 = tpu.vector_load %arg24[%swap3A_704, %swap3A_705] {strides = array<i32>} : memref<48x256xf32, #tpu.memory_space<vmem>>, vector<1x16xf32>,
        %swap3A_707 = vector.shape_cast %swap3A_706 : vector<1x16xf32> to vector<16xf32>
        %swap3A_708 = vector.shape_cast %add3A_703 : vector<16xf32> to vector<1x16xf32>
        tpu.vector_store %arg24[%swap3A_704, %swap3A_705], %swap3A_708 {strides = array<i32>} : memref<48x256xf32, #tpu.memory_space<vmem>>, vector<1x16xf32>,
        %get3A_709 = arith.index_cast %scan3A_402 : i32 to index
        %get3A_710 = arith.constant 144 : index
        %get3A_711 = tpu.vector_load %arg24[%get3A_709, %get3A_710] {strides = array<i32>} : memref<48x256xf32, #tpu.memory_space<vmem>>, vector<1x16xf32>,
        %get3A_712 = vector.shape_cast %get3A_711 : vector<1x16xf32> to vector<16xf32>
        %mul3A_713 = vector.broadcast %squeeze3A : f32 to vector<16xf32>
        %mul3A_714 = arith.mulf %mul3A_713, %get3A_712 : vector<16xf32>
        %get3A_715 = arith.index_cast %scan3A_402 : i32 to index
        %get3A_716 = arith.constant 144 : index
        %get3A_717 = tpu.vector_load %arg25[%get3A_715, %get3A_716] {strides = array<i32>} : memref<48x256xf32, #tpu.memory_space<vmem>>, vector<1x16xf32>,
        %get3A_718 = vector.shape_cast %get3A_717 : vector<1x16xf32> to vector<16xf32>
        %mul3A_719 = vector.broadcast %squeeze3A_410 : f32 to vector<16xf32>
        %mul3A_720 = arith.mulf %mul3A_719, %get3A_718 : vector<16xf32>
        %add3A_721 = arith.addf %mul3A_714, %mul3A_720 : vector<16xf32>
        %get3A_722 = arith.index_cast %scan3A_402 : i32 to index
        %get3A_723 = arith.constant 144 : index
        %get3A_724 = tpu.vector_load %arg26[%get3A_722, %get3A_723] {strides = array<i32>} : memref<48x256xf32, #tpu.memory_space<vmem>>, vector<1x16xf32>,
        %get3A_725 = vector.shape_cast %get3A_724 : vector<1x16xf32> to vector<16xf32>
        %mul3A_726 = vector.broadcast %squeeze3A_415 : f32 to vector<16xf32>
        %mul3A_727 = arith.mulf %mul3A_726, %get3A_725 : vector<16xf32>
        %add3A_728 = arith.addf %add3A_721, %mul3A_727 : vector<16xf32>
        %get3A_729 = arith.index_cast %scan3A_402 : i32 to index
        %get3A_730 = arith.constant 144 : index
        %get3A_731 = tpu.vector_load %arg27[%get3A_729, %get3A_730] {strides = array<i32>} : memref<48x256xf32, #tpu.memory_space<vmem>>, vector<1x16xf32>,
        %get3A_732 = vector.shape_cast %get3A_731 : vector<1x16xf32> to vector<16xf32>
        %mul3A_733 = vector.broadcast %squeeze3A_420 : f32 to vector<16xf32>
        %mul3A_734 = arith.mulf %mul3A_733, %get3A_732 : vector<16xf32>
        %add3A_735 = arith.addf %add3A_728, %mul3A_734 : vector<16xf32>
        %swap3A_736 = arith.index_cast %scan3A_402 : i32 to index
        %swap3A_737 = arith.constant 144 : index
        %swap3A_738 = tpu.vector_load %arg24[%swap3A_736, %swap3A_737] {strides = array<i32>} : memref<48x256xf32, #tpu.memory_space<vmem>>, vector<1x16xf32>,
        %swap3A_739 = vector.shape_cast %swap3A_738 : vector<1x16xf32> to vector<16xf32>
        %swap3A_740 = vector.shape_cast %add3A_735 : vector<16xf32> to vector<1x16xf32>
        tpu.vector_store %arg24[%swap3A_736, %swap3A_737], %swap3A_740 {strides = array<i32>} : memref<48x256xf32, #tpu.memory_space<vmem>>, vector<1x16xf32>,
        %get3A_741 = arith.index_cast %scan3A_402 : i32 to index
        %get3A_742 = arith.constant 160 : index
        %get3A_743 = tpu.vector_load %arg24[%get3A_741, %get3A_742] {strides = array<i32>} : memref<48x256xf32, #tpu.memory_space<vmem>>, vector<1x16xf32>,
        %get3A_744 = vector.shape_cast %get3A_743 : vector<1x16xf32> to vector<16xf32>
        %mul3A_745 = vector.broadcast %squeeze3A : f32 to vector<16xf32>
        %mul3A_746 = arith.mulf %mul3A_745, %get3A_744 : vector<16xf32>
        %get3A_747 = arith.index_cast %scan3A_402 : i32 to index
        %get3A_748 = arith.constant 160 : index
        %get3A_749 = tpu.vector_load %arg25[%get3A_747, %get3A_748] {strides = array<i32>} : memref<48x256xf32, #tpu.memory_space<vmem>>, vector<1x16xf32>,
        %get3A_750 = vector.shape_cast %get3A_749 : vector<1x16xf32> to vector<16xf32>
        %mul3A_751 = vector.broadcast %squeeze3A_410 : f32 to vector<16xf32>
        %mul3A_752 = arith.mulf %mul3A_751, %get3A_750 : vector<16xf32>
        %add3A_753 = arith.addf %mul3A_746, %mul3A_752 : vector<16xf32>
        %get3A_754 = arith.index_cast %scan3A_402 : i32 to index
        %get3A_755 = arith.constant 160 : index
        %get3A_756 = tpu.vector_load %arg26[%get3A_754, %get3A_755] {strides = array<i32>} : memref<48x256xf32, #tpu.memory_space<vmem>>, vector<1x16xf32>,
        %get3A_757 = vector.shape_cast %get3A_756 : vector<1x16xf32> to vector<16xf32>
        %mul3A_758 = vector.broadcast %squeeze3A_415 : f32 to vector<16xf32>
        %mul3A_759 = arith.mulf %mul3A_758, %get3A_757 : vector<16xf32>
        %add3A_760 = arith.addf %add3A_753, %mul3A_759 : vector<16xf32>
        %get3A_761 = arith.index_cast %scan3A_402 : i32 to index
        %get3A_762 = arith.constant 160 : index
        %get3A_763 = tpu.vector_load %arg27[%get3A_761, %get3A_762] {strides = array<i32>} : memref<48x256xf32, #tpu.memory_space<vmem>>, vector<1x16xf32>,
        %get3A_764 = vector.shape_cast %get3A_763 : vector<1x16xf32> to vector<16xf32>
        %mul3A_765 = vector.broadcast %squeeze3A_420 : f32 to vector<16xf32>
        %mul3A_766 = arith.mulf %mul3A_765, %get3A_764 : vector<16xf32>
        %add3A_767 = arith.addf %add3A_760, %mul3A_766 : vector<16xf32>
        %swap3A_768 = arith.index_cast %scan3A_402 : i32 to index
        %swap3A_769 = arith.constant 160 : index
        %swap3A_770 = tpu.vector_load %arg24[%swap3A_768, %swap3A_769] {strides = array<i32>} : memref<48x256xf32, #tpu.memory_space<vmem>>, vector<1x16xf32>,
        %swap3A_771 = vector.shape_cast %swap3A_770 : vector<1x16xf32> to vector<16xf32>
        %swap3A_772 = vector.shape_cast %add3A_767 : vector<16xf32> to vector<1x16xf32>
        tpu.vector_store %arg24[%swap3A_768, %swap3A_769], %swap3A_772 {strides = array<i32>} : memref<48x256xf32, #tpu.memory_space<vmem>>, vector<1x16xf32>,
        %get3A_773 = arith.index_cast %scan3A_402 : i32 to index
        %get3A_774 = arith.constant 176 : index
        %get3A_775 = tpu.vector_load %arg24[%get3A_773, %get3A_774] {strides = array<i32>} : memref<48x256xf32, #tpu.memory_space<vmem>>, vector<1x16xf32>,
        %get3A_776 = vector.shape_cast %get3A_775 : vector<1x16xf32> to vector<16xf32>
        %mul3A_777 = vector.broadcast %squeeze3A : f32 to vector<16xf32>
        %mul3A_778 = arith.mulf %mul3A_777, %get3A_776 : vector<16xf32>
        %get3A_779 = arith.index_cast %scan3A_402 : i32 to index
        %get3A_780 = arith.constant 176 : index
        %get3A_781 = tpu.vector_load %arg25[%get3A_779, %get3A_780] {strides = array<i32>} : memref<48x256xf32, #tpu.memory_space<vmem>>, vector<1x16xf32>,
        %get3A_782 = vector.shape_cast %get3A_781 : vector<1x16xf32> to vector<16xf32>
        %mul3A_783 = vector.broadcast %squeeze3A_410 : f32 to vector<16xf32>
        %mul3A_784 = arith.mulf %mul3A_783, %get3A_782 : vector<16xf32>
        %add3A_785 = arith.addf %mul3A_778, %mul3A_784 : vector<16xf32>
        %get3A_786 = arith.index_cast %scan3A_402 : i32 to index
        %get3A_787 = arith.constant 176 : index
        %get3A_788 = tpu.vector_load %arg26[%get3A_786, %get3A_787] {strides = array<i32>} : memref<48x256xf32, #tpu.memory_space<vmem>>, vector<1x16xf32>,
        %get3A_789 = vector.shape_cast %get3A_788 : vector<1x16xf32> to vector<16xf32>
        %mul3A_790 = vector.broadcast %squeeze3A_415 : f32 to vector<16xf32>
        %mul3A_791 = arith.mulf %mul3A_790, %get3A_789 : vector<16xf32>
        %add3A_792 = arith.addf %add3A_785, %mul3A_791 : vector<16xf32>
        %get3A_793 = arith.index_cast %scan3A_402 : i32 to index
        %get3A_794 = arith.constant 176 : index
        %get3A_795 = tpu.vector_load %arg27[%get3A_793, %get3A_794] {strides = array<i32>} : memref<48x256xf32, #tpu.memory_space<vmem>>, vector<1x16xf32>,
        %get3A_796 = vector.shape_cast %get3A_795 : vector<1x16xf32> to vector<16xf32>
        %mul3A_797 = vector.broadcast %squeeze3A_420 : f32 to vector<16xf32>
        %mul3A_798 = arith.mulf %mul3A_797, %get3A_796 : vector<16xf32>
        %add3A_799 = arith.addf %add3A_792, %mul3A_798 : vector<16xf32>
        %swap3A_800 = arith.index_cast %scan3A_402 : i32 to index
        %swap3A_801 = arith.constant 176 : index
        %swap3A_802 = tpu.vector_load %arg24[%swap3A_800, %swap3A_801] {strides = array<i32>} : memref<48x256xf32, #tpu.memory_space<vmem>>, vector<1x16xf32>,
        %swap3A_803 = vector.shape_cast %swap3A_802 : vector<1x16xf32> to vector<16xf32>
        %swap3A_804 = vector.shape_cast %add3A_799 : vector<16xf32> to vector<1x16xf32>
        tpu.vector_store %arg24[%swap3A_800, %swap3A_801], %swap3A_804 {strides = array<i32>} : memref<48x256xf32, #tpu.memory_space<vmem>>, vector<1x16xf32>,
        %get3A_805 = arith.index_cast %scan3A_402 : i32 to index
        %get3A_806 = arith.constant 192 : index
        %get3A_807 = tpu.vector_load %arg24[%get3A_805, %get3A_806] {strides = array<i32>} : memref<48x256xf32, #tpu.memory_space<vmem>>, vector<1x16xf32>,
        %get3A_808 = vector.shape_cast %get3A_807 : vector<1x16xf32> to vector<16xf32>
        %mul3A_809 = vector.broadcast %squeeze3A : f32 to vector<16xf32>
        %mul3A_810 = arith.mulf %mul3A_809, %get3A_808 : vector<16xf32>
        %get3A_811 = arith.index_cast %scan3A_402 : i32 to index
        %get3A_812 = arith.constant 192 : index
        %get3A_813 = tpu.vector_load %arg25[%get3A_811, %get3A_812] {strides = array<i32>} : memref<48x256xf32, #tpu.memory_space<vmem>>, vector<1x16xf32>,
        %get3A_814 = vector.shape_cast %get3A_813 : vector<1x16xf32> to vector<16xf32>
        %mul3A_815 = vector.broadcast %squeeze3A_410 : f32 to vector<16xf32>
        %mul3A_816 = arith.mulf %mul3A_815, %get3A_814 : vector<16xf32>
        %add3A_817 = arith.addf %mul3A_810, %mul3A_816 : vector<16xf32>
        %get3A_818 = arith.index_cast %scan3A_402 : i32 to index
        %get3A_819 = arith.constant 192 : index
        %get3A_820 = tpu.vector_load %arg26[%get3A_818, %get3A_819] {strides = array<i32>} : memref<48x256xf32, #tpu.memory_space<vmem>>, vector<1x16xf32>,
        %get3A_821 = vector.shape_cast %get3A_820 : vector<1x16xf32> to vector<16xf32>
        %mul3A_822 = vector.broadcast %squeeze3A_415 : f32 to vector<16xf32>
        %mul3A_823 = arith.mulf %mul3A_822, %get3A_821 : vector<16xf32>
        %add3A_824 = arith.addf %add3A_817, %mul3A_823 : vector<16xf32>
        %get3A_825 = arith.index_cast %scan3A_402 : i32 to index
        %get3A_826 = arith.constant 192 : index
        %get3A_827 = tpu.vector_load %arg27[%get3A_825, %get3A_826] {strides = array<i32>} : memref<48x256xf32, #tpu.memory_space<vmem>>, vector<1x16xf32>,
        %get3A_828 = vector.shape_cast %get3A_827 : vector<1x16xf32> to vector<16xf32>
        %mul3A_829 = vector.broadcast %squeeze3A_420 : f32 to vector<16xf32>
        %mul3A_830 = arith.mulf %mul3A_829, %get3A_828 : vector<16xf32>
        %add3A_831 = arith.addf %add3A_824, %mul3A_830 : vector<16xf32>
        %swap3A_832 = arith.index_cast %scan3A_402 : i32 to index
        %swap3A_833 = arith.constant 192 : index
        %swap3A_834 = tpu.vector_load %arg24[%swap3A_832, %swap3A_833] {strides = array<i32>} : memref<48x256xf32, #tpu.memory_space<vmem>>, vector<1x16xf32>,
        %swap3A_835 = vector.shape_cast %swap3A_834 : vector<1x16xf32> to vector<16xf32>
        %swap3A_836 = vector.shape_cast %add3A_831 : vector<16xf32> to vector<1x16xf32>
        tpu.vector_store %arg24[%swap3A_832, %swap3A_833], %swap3A_836 {strides = array<i32>} : memref<48x256xf32, #tpu.memory_space<vmem>>, vector<1x16xf32>,
        %get3A_837 = arith.index_cast %scan3A_402 : i32 to index
        %get3A_838 = arith.constant 208 : index
        %get3A_839 = tpu.vector_load %arg24[%get3A_837, %get3A_838] {strides = array<i32>} : memref<48x256xf32, #tpu.memory_space<vmem>>, vector<1x16xf32>,
        %get3A_840 = vector.shape_cast %get3A_839 : vector<1x16xf32> to vector<16xf32>
        %mul3A_841 = vector.broadcast %squeeze3A : f32 to vector<16xf32>
        %mul3A_842 = arith.mulf %mul3A_841, %get3A_840 : vector<16xf32>
        %get3A_843 = arith.index_cast %scan3A_402 : i32 to index
        %get3A_844 = arith.constant 208 : index
        %get3A_845 = tpu.vector_load %arg25[%get3A_843, %get3A_844] {strides = array<i32>} : memref<48x256xf32, #tpu.memory_space<vmem>>, vector<1x16xf32>,
        %get3A_846 = vector.shape_cast %get3A_845 : vector<1x16xf32> to vector<16xf32>
        %mul3A_847 = vector.broadcast %squeeze3A_410 : f32 to vector<16xf32>
        %mul3A_848 = arith.mulf %mul3A_847, %get3A_846 : vector<16xf32>
        %add3A_849 = arith.addf %mul3A_842, %mul3A_848 : vector<16xf32>
        %get3A_850 = arith.index_cast %scan3A_402 : i32 to index
        %get3A_851 = arith.constant 208 : index
        %get3A_852 = tpu.vector_load %arg26[%get3A_850, %get3A_851] {strides = array<i32>} : memref<48x256xf32, #tpu.memory_space<vmem>>, vector<1x16xf32>,
        %get3A_853 = vector.shape_cast %get3A_852 : vector<1x16xf32> to vector<16xf32>
        %mul3A_854 = vector.broadcast %squeeze3A_415 : f32 to vector<16xf32>
        %mul3A_855 = arith.mulf %mul3A_854, %get3A_853 : vector<16xf32>
        %add3A_856 = arith.addf %add3A_849, %mul3A_855 : vector<16xf32>
        %get3A_857 = arith.index_cast %scan3A_402 : i32 to index
        %get3A_858 = arith.constant 208 : index
        %get3A_859 = tpu.vector_load %arg27[%get3A_857, %get3A_858] {strides = array<i32>} : memref<48x256xf32, #tpu.memory_space<vmem>>, vector<1x16xf32>,
        %get3A_860 = vector.shape_cast %get3A_859 : vector<1x16xf32> to vector<16xf32>
        %mul3A_861 = vector.broadcast %squeeze3A_420 : f32 to vector<16xf32>
        %mul3A_862 = arith.mulf %mul3A_861, %get3A_860 : vector<16xf32>
        %add3A_863 = arith.addf %add3A_856, %mul3A_862 : vector<16xf32>
        %swap3A_864 = arith.index_cast %scan3A_402 : i32 to index
        %swap3A_865 = arith.constant 208 : index
        %swap3A_866 = tpu.vector_load %arg24[%swap3A_864, %swap3A_865] {strides = array<i32>} : memref<48x256xf32, #tpu.memory_space<vmem>>, vector<1x16xf32>,
        %swap3A_867 = vector.shape_cast %swap3A_866 : vector<1x16xf32> to vector<16xf32>
        %swap3A_868 = vector.shape_cast %add3A_863 : vector<16xf32> to vector<1x16xf32>
        tpu.vector_store %arg24[%swap3A_864, %swap3A_865], %swap3A_868 {strides = array<i32>} : memref<48x256xf32, #tpu.memory_space<vmem>>, vector<1x16xf32>,
        %get3A_869 = arith.index_cast %scan3A_402 : i32 to index
        %get3A_870 = arith.constant 224 : index
        %get3A_871 = tpu.vector_load %arg24[%get3A_869, %get3A_870] {strides = array<i32>} : memref<48x256xf32, #tpu.memory_space<vmem>>, vector<1x16xf32>,
        %get3A_872 = vector.shape_cast %get3A_871 : vector<1x16xf32> to vector<16xf32>
        %mul3A_873 = vector.broadcast %squeeze3A : f32 to vector<16xf32>
        %mul3A_874 = arith.mulf %mul3A_873, %get3A_872 : vector<16xf32>
        %get3A_875 = arith.index_cast %scan3A_402 : i32 to index
        %get3A_876 = arith.constant 224 : index
        %get3A_877 = tpu.vector_load %arg25[%get3A_875, %get3A_876] {strides = array<i32>} : memref<48x256xf32, #tpu.memory_space<vmem>>, vector<1x16xf32>,
        %get3A_878 = vector.shape_cast %get3A_877 : vector<1x16xf32> to vector<16xf32>
        %mul3A_879 = vector.broadcast %squeeze3A_410 : f32 to vector<16xf32>
        %mul3A_880 = arith.mulf %mul3A_879, %get3A_878 : vector<16xf32>
        %add3A_881 = arith.addf %mul3A_874, %mul3A_880 : vector<16xf32>
        %get3A_882 = arith.index_cast %scan3A_402 : i32 to index
        %get3A_883 = arith.constant 224 : index
        %get3A_884 = tpu.vector_load %arg26[%get3A_882, %get3A_883] {strides = array<i32>} : memref<48x256xf32, #tpu.memory_space<vmem>>, vector<1x16xf32>,
        %get3A_885 = vector.shape_cast %get3A_884 : vector<1x16xf32> to vector<16xf32>
        %mul3A_886 = vector.broadcast %squeeze3A_415 : f32 to vector<16xf32>
        %mul3A_887 = arith.mulf %mul3A_886, %get3A_885 : vector<16xf32>
        %add3A_888 = arith.addf %add3A_881, %mul3A_887 : vector<16xf32>
        %get3A_889 = arith.index_cast %scan3A_402 : i32 to index
        %get3A_890 = arith.constant 224 : index
        %get3A_891 = tpu.vector_load %arg27[%get3A_889, %get3A_890] {strides = array<i32>} : memref<48x256xf32, #tpu.memory_space<vmem>>, vector<1x16xf32>,
        %get3A_892 = vector.shape_cast %get3A_891 : vector<1x16xf32> to vector<16xf32>
        %mul3A_893 = vector.broadcast %squeeze3A_420 : f32 to vector<16xf32>
        %mul3A_894 = arith.mulf %mul3A_893, %get3A_892 : vector<16xf32>
        %add3A_895 = arith.addf %add3A_888, %mul3A_894 : vector<16xf32>
        %swap3A_896 = arith.index_cast %scan3A_402 : i32 to index
        %swap3A_897 = arith.constant 224 : index
        %swap3A_898 = tpu.vector_load %arg24[%swap3A_896, %swap3A_897] {strides = array<i32>} : memref<48x256xf32, #tpu.memory_space<vmem>>, vector<1x16xf32>,
        %swap3A_899 = vector.shape_cast %swap3A_898 : vector<1x16xf32> to vector<16xf32>
        %swap3A_900 = vector.shape_cast %add3A_895 : vector<16xf32> to vector<1x16xf32>
        tpu.vector_store %arg24[%swap3A_896, %swap3A_897], %swap3A_900 {strides = array<i32>} : memref<48x256xf32, #tpu.memory_space<vmem>>, vector<1x16xf32>,
        %get3A_901 = arith.index_cast %scan3A_402 : i32 to index
        %get3A_902 = arith.constant 240 : index
        %get3A_903 = tpu.vector_load %arg24[%get3A_901, %get3A_902] {strides = array<i32>} : memref<48x256xf32, #tpu.memory_space<vmem>>, vector<1x16xf32>,
        %get3A_904 = vector.shape_cast %get3A_903 : vector<1x16xf32> to vector<16xf32>
        %mul3A_905 = vector.broadcast %squeeze3A : f32 to vector<16xf32>
        %mul3A_906 = arith.mulf %mul3A_905, %get3A_904 : vector<16xf32>
        %get3A_907 = arith.index_cast %scan3A_402 : i32 to index
        %get3A_908 = arith.constant 240 : index
        %get3A_909 = tpu.vector_load %arg25[%get3A_907, %get3A_908] {strides = array<i32>} : memref<48x256xf32, #tpu.memory_space<vmem>>, vector<1x16xf32>,
        %get3A_910 = vector.shape_cast %get3A_909 : vector<1x16xf32> to vector<16xf32>
        %mul3A_911 = vector.broadcast %squeeze3A_410 : f32 to vector<16xf32>
        %mul3A_912 = arith.mulf %mul3A_911, %get3A_910 : vector<16xf32>
        %add3A_913 = arith.addf %mul3A_906, %mul3A_912 : vector<16xf32>
        %get3A_914 = arith.index_cast %scan3A_402 : i32 to index
        %get3A_915 = arith.constant 240 : index
        %get3A_916 = tpu.vector_load %arg26[%get3A_914, %get3A_915] {strides = array<i32>} : memref<48x256xf32, #tpu.memory_space<vmem>>, vector<1x16xf32>,
        %get3A_917 = vector.shape_cast %get3A_916 : vector<1x16xf32> to vector<16xf32>
        %mul3A_918 = vector.broadcast %squeeze3A_415 : f32 to vector<16xf32>
        %mul3A_919 = arith.mulf %mul3A_918, %get3A_917 : vector<16xf32>
        %add3A_920 = arith.addf %add3A_913, %mul3A_919 : vector<16xf32>
        %get3A_921 = arith.index_cast %scan3A_402 : i32 to index
        %get3A_922 = arith.constant 240 : index
        %get3A_923 = tpu.vector_load %arg27[%get3A_921, %get3A_922] {strides = array<i32>} : memref<48x256xf32, #tpu.memory_space<vmem>>, vector<1x16xf32>,
        %get3A_924 = vector.shape_cast %get3A_923 : vector<1x16xf32> to vector<16xf32>
        %mul3A_925 = vector.broadcast %squeeze3A_420 : f32 to vector<16xf32>
        %mul3A_926 = arith.mulf %mul3A_925, %get3A_924 : vector<16xf32>
        %add3A_927 = arith.addf %add3A_920, %mul3A_926 : vector<16xf32>
        %swap3A_928 = arith.index_cast %scan3A_402 : i32 to index
        %swap3A_929 = arith.constant 240 : index
        %swap3A_930 = tpu.vector_load %arg24[%swap3A_928, %swap3A_929] {strides = array<i32>} : memref<48x256xf32, #tpu.memory_space<vmem>>, vector<1x16xf32>,
        %swap3A_931 = vector.shape_cast %swap3A_930 : vector<1x16xf32> to vector<16xf32>
        %swap3A_932 = vector.shape_cast %add3A_927 : vector<16xf32> to vector<1x16xf32>
        tpu.vector_store %arg24[%swap3A_928, %swap3A_929], %swap3A_932 {strides = array<i32>} : memref<48x256xf32, #tpu.memory_space<vmem>>, vector<1x16xf32>,
      }
      %scan3A_358 = arith.constant 48 : i32
      %mul3A_359 = arith.constant 48 : i32
      %mul3A_360 = arith.muli %add3A_335, %mul3A_359 : i32
      %add3A_361 = arith.addi %mul3A_2, %mul3A_360 : i32
      %dma_start3A_362 = arith.constant 0 : i32
      %dma_start3A_363 = tpu.memref_slice %arg5[%add3A_361, %dma_start3A_362] : memref<153600x256xf32, #tpu.memory_space<hbm>> -> memref<48x256xf32, #tpu.memory_space<hbm>>
      %dma_start3A_364 = arith.constant 0 : i32
      %dma_start3A_365 = tpu.memref_slice %arg5[%add3A_361, %dma_start3A_364] : memref<153600x256xf32, #tpu.memory_space<hbm>> -> memref<48x256xf32, #tpu.memory_space<hbm>>
      tpu.enqueue_dma source(%arg24 : memref<48x256xf32, #tpu.memory_space<vmem>>) target(%dma_start3A_365 : memref<48x256xf32, #tpu.memory_space<hbm>>) target_semaphore(%arg34 : memref<!tpu.dma_semaphore, #tpu.memory_space<semaphore_mem>>)
      %mul3A_366 = arith.constant 2 : i32
      %mul3A_367 = arith.muli %mul3A_366, %scan3A_331 : i32
      %add3A_368 = arith.constant 1 : i32
      %add3A_369 = arith.addi %mul3A_367, %add3A_368 : i32
      %add3A_370 = arith.constant 1 : i32
      %add3A_371 = arith.addi %add3A_369, %add3A_370 : i32
      %lt3A_372 = arith.constant 100 : i32
      %lt3A_373 = arith.cmpi slt, %add3A_371, %lt3A_372 : i32
      %convert_element_type3A_374 = arith.extui %lt3A_373 : i1 to i32
      %cond3A_375 = arith.constant 0 : i32
      %cond3A_376 = arith.cmpi ne, %convert_element_type3A_374, %cond3A_375 : i32
      scf.if %cond3A_376 {
        %add3A_402 = arith.constant 1 : i32
        %add3A_403 = arith.addi %add3A_369, %add3A_402 : i32
        %mul3A_404 = arith.constant 48 : i32
        %mul3A_405 = arith.muli %add3A_403, %mul3A_404 : i32
        %add3A_406 = arith.constant 0 : i32
        %add3A_407 = arith.addi %mul3A_405, %add3A_406 : i32
        %get3A_408 = arith.index_cast %add3A_407 : i32 to index
        %get3A_409 = tpu.vector_load %arg6[%get3A_408] {strides = array<i32>} : memref<4800xf32, #tpu.memory_space<vmem>>, vector<16xf32>,
        %get3A_410 = vector.shape_cast %get3A_409 : vector<16xf32> to vector<16xf32>
        %add3A_411 = arith.constant 0 : i32
        %add3A_412 = arith.addi %mul3A_405, %add3A_411 : i32
        %get3A_413 = arith.index_cast %add3A_412 : i32 to index
        %get3A_414 = tpu.vector_load %arg7[%get3A_413] {strides = array<i32>} : memref<4800xf32, #tpu.memory_space<vmem>>, vector<16xf32>,
        %get3A_415 = vector.shape_cast %get3A_414 : vector<16xf32> to vector<16xf32>
        %mul3A_416 = arith.constant 1.590000e+02 : f32
        %mul3A_417 = vector.broadcast %mul3A_416 : f32 to vector<16xf32>
        %mul3A_418 = arith.mulf %get3A_410, %mul3A_417 : vector<16xf32>
        %max3A_419 = arith.constant 0.000000e+00 : f32
        %max3A_420 = vector.broadcast %max3A_419 : f32 to vector<16xf32>
        %max3A_421 = arith.maximumf %mul3A_418, %max3A_420 : vector<16xf32>
        %min3A_422 = arith.constant 1.590000e+02 : f32
        %min3A_423 = vector.broadcast %min3A_422 : f32 to vector<16xf32>
        %min3A_424 = arith.minimumf %max3A_421, %min3A_423 : vector<16xf32>
        %mul3A_425 = arith.constant 1.190000e+02 : f32
        %mul3A_426 = vector.broadcast %mul3A_425 : f32 to vector<16xf32>
        %mul3A_427 = arith.mulf %get3A_415, %mul3A_426 : vector<16xf32>
        %max3A_428 = arith.constant 0.000000e+00 : f32
        %max3A_429 = vector.broadcast %max3A_428 : f32 to vector<16xf32>
        %max3A_430 = arith.maximumf %mul3A_427, %max3A_429 : vector<16xf32>
        %min3A_431 = arith.constant 1.190000e+02 : f32
        %min3A_432 = vector.broadcast %min3A_431 : f32 to vector<16xf32>
        %min3A_433 = arith.minimumf %max3A_430, %min3A_432 : vector<16xf32>
        %convert_element_type3A_434 = arith.fptosi %min3A_424 : vector<16xf32> to vector<16xi32>
        %convert_element_type3A_435 = arith.fptosi %min3A_433 : vector<16xf32> to vector<16xi32>
        %add3A_436 = arith.constant 1 : i32
        %add3A_437 = vector.broadcast %add3A_436 : i32 to vector<16xi32>
        %add3A_438 = arith.addi %convert_element_type3A_434, %add3A_437 : vector<16xi32>
        %min3A_439 = arith.constant 159 : i32
        %min3A_440 = vector.broadcast %min3A_439 : i32 to vector<16xi32>
        %min3A_441 = arith.minsi %add3A_438, %min3A_440 : vector<16xi32>
        %add3A_442 = arith.constant 1 : i32
        %add3A_443 = vector.broadcast %add3A_442 : i32 to vector<16xi32>
        %add3A_444 = arith.addi %convert_element_type3A_435, %add3A_443 : vector<16xi32>
        %min3A_445 = arith.constant 119 : i32
        %min3A_446 = vector.broadcast %min3A_445 : i32 to vector<16xi32>
        %min3A_447 = arith.minsi %add3A_444, %min3A_446 : vector<16xi32>
        %convert_element_type3A_448 = arith.sitofp %convert_element_type3A_434 : vector<16xi32> to vector<16xf32>
        %convert_element_type3A_449 = arith.sitofp %min3A_441 : vector<16xi32> to vector<16xf32>
        %convert_element_type3A_450 = arith.sitofp %convert_element_type3A_435 : vector<16xi32> to vector<16xf32>
        %convert_element_type3A_451 = arith.sitofp %min3A_447 : vector<16xi32> to vector<16xf32>
        %mul3A_452 = arith.constant 160 : i32
        %mul3A_453 = vector.broadcast %mul3A_452 : i32 to vector<16xi32>
        %mul3A_454 = arith.muli %convert_element_type3A_435, %mul3A_453 : vector<16xi32>
        %add3A_455 = vector.broadcast %mul3A_20 : i32 to vector<16xi32>
        %add3A_456 = arith.addi %add3A_455, %mul3A_454 : vector<16xi32>
        %mul3A_457 = arith.constant 160 : i32
        %mul3A_458 = vector.broadcast %mul3A_457 : i32 to vector<16xi32>
        %mul3A_459 = arith.muli %min3A_447, %mul3A_458 : vector<16xi32>
        %add3A_460 = vector.broadcast %mul3A_20 : i32 to vector<16xi32>
        %add3A_461 = arith.addi %add3A_460, %mul3A_459 : vector<16xi32>
        %add3A_462 = arith.addi %add3A_456, %convert_element_type3A_434 : vector<16xi32>
        %swap3A_463 = arith.constant 0 : index
        %swap3A_464 = tpu.vector_load %arg8[%swap3A_463] {strides = array<i32>} : memref<48xi32, #tpu.memory_space<vmem>>, vector<16xi32>,
        %swap3A_465 = vector.shape_cast %swap3A_464 : vector<16xi32> to vector<16xi32>
        %swap3A_466 = vector.shape_cast %add3A_462 : vector<16xi32> to vector<16xi32>
        tpu.vector_store %arg8[%swap3A_463], %swap3A_466 {strides = array<i32>} : memref<48xi32, #tpu.memory_space<vmem>>, vector<16xi32>,
        %add3A_467 = arith.addi %add3A_461, %convert_element_type3A_434 : vector<16xi32>
        %swap3A_468 = arith.constant 0 : index
        %swap3A_469 = tpu.vector_load %arg9[%swap3A_468] {strides = array<i32>} : memref<48xi32, #tpu.memory_space<vmem>>, vector<16xi32>,
        %swap3A_470 = vector.shape_cast %swap3A_469 : vector<16xi32> to vector<16xi32>
        %swap3A_471 = vector.shape_cast %add3A_467 : vector<16xi32> to vector<16xi32>
        tpu.vector_store %arg9[%swap3A_468], %swap3A_471 {strides = array<i32>} : memref<48xi32, #tpu.memory_space<vmem>>, vector<16xi32>,
        %add3A_472 = arith.addi %add3A_456, %min3A_441 : vector<16xi32>
        %swap3A_473 = arith.constant 0 : index
        %swap3A_474 = tpu.vector_load %arg10[%swap3A_473] {strides = array<i32>} : memref<48xi32, #tpu.memory_space<vmem>>, vector<16xi32>,
        %swap3A_475 = vector.shape_cast %swap3A_474 : vector<16xi32> to vector<16xi32>
        %swap3A_476 = vector.shape_cast %add3A_472 : vector<16xi32> to vector<16xi32>
        tpu.vector_store %arg10[%swap3A_473], %swap3A_476 {strides = array<i32>} : memref<48xi32, #tpu.memory_space<vmem>>, vector<16xi32>,
        %add3A_477 = arith.addi %add3A_461, %min3A_441 : vector<16xi32>
        %swap3A_478 = arith.constant 0 : index
        %swap3A_479 = tpu.vector_load %arg11[%swap3A_478] {strides = array<i32>} : memref<48xi32, #tpu.memory_space<vmem>>, vector<16xi32>,
        %swap3A_480 = vector.shape_cast %swap3A_479 : vector<16xi32> to vector<16xi32>
        %swap3A_481 = vector.shape_cast %add3A_477 : vector<16xi32> to vector<16xi32>
        tpu.vector_store %arg11[%swap3A_478], %swap3A_481 {strides = array<i32>} : memref<48xi32, #tpu.memory_space<vmem>>, vector<16xi32>,
        %sub3A_482 = arith.subf %convert_element_type3A_449, %min3A_424 : vector<16xf32>
        %sub3A_483 = arith.subf %min3A_424, %convert_element_type3A_448 : vector<16xf32>
        %sub3A_484 = arith.subf %convert_element_type3A_451, %min3A_433 : vector<16xf32>
        %sub3A_485 = arith.subf %min3A_433, %convert_element_type3A_450 : vector<16xf32>
        %mul3A_486 = arith.mulf %sub3A_482, %sub3A_484 : vector<16xf32>
        %swap3A_487 = arith.constant 0 : index
        %swap3A_488 = tpu.vector_load %arg16[%swap3A_487] {strides = array<i32>} : memref<64xf32, #tpu.memory_space<vmem>>, vector<16xf32>,
        %swap3A_489 = vector.shape_cast %swap3A_488 : vector<16xf32> to vector<16xf32>
        %swap3A_490 = vector.shape_cast %mul3A_486 : vector<16xf32> to vector<16xf32>
        tpu.vector_store %arg16[%swap3A_487], %swap3A_490 {strides = array<i32>} : memref<64xf32, #tpu.memory_space<vmem>>, vector<16xf32>,
        %mul3A_491 = arith.mulf %sub3A_482, %sub3A_485 : vector<16xf32>
        %swap3A_492 = arith.constant 0 : index
        %swap3A_493 = tpu.vector_load %arg17[%swap3A_492] {strides = array<i32>} : memref<64xf32, #tpu.memory_space<vmem>>, vector<16xf32>,
        %swap3A_494 = vector.shape_cast %swap3A_493 : vector<16xf32> to vector<16xf32>
        %swap3A_495 = vector.shape_cast %mul3A_491 : vector<16xf32> to vector<16xf32>
        tpu.vector_store %arg17[%swap3A_492], %swap3A_495 {strides = array<i32>} : memref<64xf32, #tpu.memory_space<vmem>>, vector<16xf32>,
        %mul3A_496 = arith.mulf %sub3A_483, %sub3A_484 : vector<16xf32>
        %swap3A_497 = arith.constant 0 : index
        %swap3A_498 = tpu.vector_load %arg18[%swap3A_497] {strides = array<i32>} : memref<64xf32, #tpu.memory_space<vmem>>, vector<16xf32>,
        %swap3A_499 = vector.shape_cast %swap3A_498 : vector<16xf32> to vector<16xf32>
        %swap3A_500 = vector.shape_cast %mul3A_496 : vector<16xf32> to vector<16xf32>
        tpu.vector_store %arg18[%swap3A_497], %swap3A_500 {strides = array<i32>} : memref<64xf32, #tpu.memory_space<vmem>>, vector<16xf32>,
        %mul3A_501 = arith.mulf %sub3A_483, %sub3A_485 : vector<16xf32>
        %swap3A_502 = arith.constant 0 : index
        %swap3A_503 = tpu.vector_load %arg19[%swap3A_502] {strides = array<i32>} : memref<64xf32, #tpu.memory_space<vmem>>, vector<16xf32>,
        %swap3A_504 = vector.shape_cast %swap3A_503 : vector<16xf32> to vector<16xf32>
        %swap3A_505 = vector.shape_cast %mul3A_501 : vector<16xf32> to vector<16xf32>
        tpu.vector_store %arg19[%swap3A_502], %swap3A_505 {strides = array<i32>} : memref<64xf32, #tpu.memory_space<vmem>>, vector<16xf32>,
        %add3A_506 = arith.constant 16 : i32
        %add3A_507 = arith.addi %mul3A_405, %add3A_506 : i32
        %get3A_508 = arith.index_cast %add3A_507 : i32 to index
        %get3A_509 = tpu.vector_load %arg6[%get3A_508] {strides = array<i32>} : memref<4800xf32, #tpu.memory_space<vmem>>, vector<16xf32>,
        %get3A_510 = vector.shape_cast %get3A_509 : vector<16xf32> to vector<16xf32>
        %add3A_511 = arith.constant 16 : i32
        %add3A_512 = arith.addi %mul3A_405, %add3A_511 : i32
        %get3A_513 = arith.index_cast %add3A_512 : i32 to index
        %get3A_514 = tpu.vector_load %arg7[%get3A_513] {strides = array<i32>} : memref<4800xf32, #tpu.memory_space<vmem>>, vector<16xf32>,
        %get3A_515 = vector.shape_cast %get3A_514 : vector<16xf32> to vector<16xf32>
        %mul3A_516 = arith.constant 1.590000e+02 : f32
        %mul3A_517 = vector.broadcast %mul3A_516 : f32 to vector<16xf32>
        %mul3A_518 = arith.mulf %get3A_510, %mul3A_517 : vector<16xf32>
        %max3A_519 = arith.constant 0.000000e+00 : f32
        %max3A_520 = vector.broadcast %max3A_519 : f32 to vector<16xf32>
        %max3A_521 = arith.maximumf %mul3A_518, %max3A_520 : vector<16xf32>
        %min3A_522 = arith.constant 1.590000e+02 : f32
        %min3A_523 = vector.broadcast %min3A_522 : f32 to vector<16xf32>
        %min3A_524 = arith.minimumf %max3A_521, %min3A_523 : vector<16xf32>
        %mul3A_525 = arith.constant 1.190000e+02 : f32
        %mul3A_526 = vector.broadcast %mul3A_525 : f32 to vector<16xf32>
        %mul3A_527 = arith.mulf %get3A_515, %mul3A_526 : vector<16xf32>
        %max3A_528 = arith.constant 0.000000e+00 : f32
        %max3A_529 = vector.broadcast %max3A_528 : f32 to vector<16xf32>
        %max3A_530 = arith.maximumf %mul3A_527, %max3A_529 : vector<16xf32>
        %min3A_531 = arith.constant 1.190000e+02 : f32
        %min3A_532 = vector.broadcast %min3A_531 : f32 to vector<16xf32>
        %min3A_533 = arith.minimumf %max3A_530, %min3A_532 : vector<16xf32>
        %convert_element_type3A_534 = arith.fptosi %min3A_524 : vector<16xf32> to vector<16xi32>
        %convert_element_type3A_535 = arith.fptosi %min3A_533 : vector<16xf32> to vector<16xi32>
        %add3A_536 = arith.constant 1 : i32
        %add3A_537 = vector.broadcast %add3A_536 : i32 to vector<16xi32>
        %add3A_538 = arith.addi %convert_element_type3A_534, %add3A_537 : vector<16xi32>
        %min3A_539 = arith.constant 159 : i32
        %min3A_540 = vector.broadcast %min3A_539 : i32 to vector<16xi32>
        %min3A_541 = arith.minsi %add3A_538, %min3A_540 : vector<16xi32>
        %add3A_542 = arith.constant 1 : i32
        %add3A_543 = vector.broadcast %add3A_542 : i32 to vector<16xi32>
        %add3A_544 = arith.addi %convert_element_type3A_535, %add3A_543 : vector<16xi32>
        %min3A_545 = arith.constant 119 : i32
        %min3A_546 = vector.broadcast %min3A_545 : i32 to vector<16xi32>
        %min3A_547 = arith.minsi %add3A_544, %min3A_546 : vector<16xi32>
        %convert_element_type3A_548 = arith.sitofp %convert_element_type3A_534 : vector<16xi32> to vector<16xf32>
        %convert_element_type3A_549 = arith.sitofp %min3A_541 : vector<16xi32> to vector<16xf32>
        %convert_element_type3A_550 = arith.sitofp %convert_element_type3A_535 : vector<16xi32> to vector<16xf32>
        %convert_element_type3A_551 = arith.sitofp %min3A_547 : vector<16xi32> to vector<16xf32>
        %mul3A_552 = arith.constant 160 : i32
        %mul3A_553 = vector.broadcast %mul3A_552 : i32 to vector<16xi32>
        %mul3A_554 = arith.muli %convert_element_type3A_535, %mul3A_553 : vector<16xi32>
        %add3A_555 = vector.broadcast %mul3A_20 : i32 to vector<16xi32>
        %add3A_556 = arith.addi %add3A_555, %mul3A_554 : vector<16xi32>
        %mul3A_557 = arith.constant 160 : i32
        %mul3A_558 = vector.broadcast %mul3A_557 : i32 to vector<16xi32>
        %mul3A_559 = arith.muli %min3A_547, %mul3A_558 : vector<16xi32>
        %add3A_560 = vector.broadcast %mul3A_20 : i32 to vector<16xi32>
        %add3A_561 = arith.addi %add3A_560, %mul3A_559 : vector<16xi32>
        %add3A_562 = arith.addi %add3A_556, %convert_element_type3A_534 : vector<16xi32>
        %swap3A_563 = arith.constant 16 : index
        %swap3A_564 = tpu.vector_load %arg8[%swap3A_563] {strides = array<i32>} : memref<48xi32, #tpu.memory_space<vmem>>, vector<16xi32>,
        %swap3A_565 = vector.shape_cast %swap3A_564 : vector<16xi32> to vector<16xi32>
        %swap3A_566 = vector.shape_cast %add3A_562 : vector<16xi32> to vector<16xi32>
        tpu.vector_store %arg8[%swap3A_563], %swap3A_566 {strides = array<i32>} : memref<48xi32, #tpu.memory_space<vmem>>, vector<16xi32>,
        %add3A_567 = arith.addi %add3A_561, %convert_element_type3A_534 : vector<16xi32>
        %swap3A_568 = arith.constant 16 : index
        %swap3A_569 = tpu.vector_load %arg9[%swap3A_568] {strides = array<i32>} : memref<48xi32, #tpu.memory_space<vmem>>, vector<16xi32>,
        %swap3A_570 = vector.shape_cast %swap3A_569 : vector<16xi32> to vector<16xi32>
        %swap3A_571 = vector.shape_cast %add3A_567 : vector<16xi32> to vector<16xi32>
        tpu.vector_store %arg9[%swap3A_568], %swap3A_571 {strides = array<i32>} : memref<48xi32, #tpu.memory_space<vmem>>, vector<16xi32>,
        %add3A_572 = arith.addi %add3A_556, %min3A_541 : vector<16xi32>
        %swap3A_573 = arith.constant 16 : index
        %swap3A_574 = tpu.vector_load %arg10[%swap3A_573] {strides = array<i32>} : memref<48xi32, #tpu.memory_space<vmem>>, vector<16xi32>,
        %swap3A_575 = vector.shape_cast %swap3A_574 : vector<16xi32> to vector<16xi32>
        %swap3A_576 = vector.shape_cast %add3A_572 : vector<16xi32> to vector<16xi32>
        tpu.vector_store %arg10[%swap3A_573], %swap3A_576 {strides = array<i32>} : memref<48xi32, #tpu.memory_space<vmem>>, vector<16xi32>,
        %add3A_577 = arith.addi %add3A_561, %min3A_541 : vector<16xi32>
        %swap3A_578 = arith.constant 16 : index
        %swap3A_579 = tpu.vector_load %arg11[%swap3A_578] {strides = array<i32>} : memref<48xi32, #tpu.memory_space<vmem>>, vector<16xi32>,
        %swap3A_580 = vector.shape_cast %swap3A_579 : vector<16xi32> to vector<16xi32>
        %swap3A_581 = vector.shape_cast %add3A_577 : vector<16xi32> to vector<16xi32>
        tpu.vector_store %arg11[%swap3A_578], %swap3A_581 {strides = array<i32>} : memref<48xi32, #tpu.memory_space<vmem>>, vector<16xi32>,
        %sub3A_582 = arith.subf %convert_element_type3A_549, %min3A_524 : vector<16xf32>
        %sub3A_583 = arith.subf %min3A_524, %convert_element_type3A_548 : vector<16xf32>
        %sub3A_584 = arith.subf %convert_element_type3A_551, %min3A_533 : vector<16xf32>
        %sub3A_585 = arith.subf %min3A_533, %convert_element_type3A_550 : vector<16xf32>
        %mul3A_586 = arith.mulf %sub3A_582, %sub3A_584 : vector<16xf32>
        %swap3A_587 = arith.constant 16 : index
        %swap3A_588 = tpu.vector_load %arg16[%swap3A_587] {strides = array<i32>} : memref<64xf32, #tpu.memory_space<vmem>>, vector<16xf32>,
        %swap3A_589 = vector.shape_cast %swap3A_588 : vector<16xf32> to vector<16xf32>
        %swap3A_590 = vector.shape_cast %mul3A_586 : vector<16xf32> to vector<16xf32>
        tpu.vector_store %arg16[%swap3A_587], %swap3A_590 {strides = array<i32>} : memref<64xf32, #tpu.memory_space<vmem>>, vector<16xf32>,
        %mul3A_591 = arith.mulf %sub3A_582, %sub3A_585 : vector<16xf32>
        %swap3A_592 = arith.constant 16 : index
        %swap3A_593 = tpu.vector_load %arg17[%swap3A_592] {strides = array<i32>} : memref<64xf32, #tpu.memory_space<vmem>>, vector<16xf32>,
        %swap3A_594 = vector.shape_cast %swap3A_593 : vector<16xf32> to vector<16xf32>
        %swap3A_595 = vector.shape_cast %mul3A_591 : vector<16xf32> to vector<16xf32>
        tpu.vector_store %arg17[%swap3A_592], %swap3A_595 {strides = array<i32>} : memref<64xf32, #tpu.memory_space<vmem>>, vector<16xf32>,
        %mul3A_596 = arith.mulf %sub3A_583, %sub3A_584 : vector<16xf32>
        %swap3A_597 = arith.constant 16 : index
        %swap3A_598 = tpu.vector_load %arg18[%swap3A_597] {strides = array<i32>} : memref<64xf32, #tpu.memory_space<vmem>>, vector<16xf32>,
        %swap3A_599 = vector.shape_cast %swap3A_598 : vector<16xf32> to vector<16xf32>
        %swap3A_600 = vector.shape_cast %mul3A_596 : vector<16xf32> to vector<16xf32>
        tpu.vector_store %arg18[%swap3A_597], %swap3A_600 {strides = array<i32>} : memref<64xf32, #tpu.memory_space<vmem>>, vector<16xf32>,
        %mul3A_601 = arith.mulf %sub3A_583, %sub3A_585 : vector<16xf32>
        %swap3A_602 = arith.constant 16 : index
        %swap3A_603 = tpu.vector_load %arg19[%swap3A_602] {strides = array<i32>} : memref<64xf32, #tpu.memory_space<vmem>>, vector<16xf32>,
        %swap3A_604 = vector.shape_cast %swap3A_603 : vector<16xf32> to vector<16xf32>
        %swap3A_605 = vector.shape_cast %mul3A_601 : vector<16xf32> to vector<16xf32>
        tpu.vector_store %arg19[%swap3A_602], %swap3A_605 {strides = array<i32>} : memref<64xf32, #tpu.memory_space<vmem>>, vector<16xf32>,
        %add3A_606 = arith.constant 32 : i32
        %add3A_607 = arith.addi %mul3A_405, %add3A_606 : i32
        %get3A_608 = arith.index_cast %add3A_607 : i32 to index
        %get3A_609 = tpu.vector_load %arg6[%get3A_608] {strides = array<i32>} : memref<4800xf32, #tpu.memory_space<vmem>>, vector<16xf32>,
        %get3A_610 = vector.shape_cast %get3A_609 : vector<16xf32> to vector<16xf32>
        %add3A_611 = arith.constant 32 : i32
        %add3A_612 = arith.addi %mul3A_405, %add3A_611 : i32
        %get3A_613 = arith.index_cast %add3A_612 : i32 to index
        %get3A_614 = tpu.vector_load %arg7[%get3A_613] {strides = array<i32>} : memref<4800xf32, #tpu.memory_space<vmem>>, vector<16xf32>,
        %get3A_615 = vector.shape_cast %get3A_614 : vector<16xf32> to vector<16xf32>
        %mul3A_616 = arith.constant 1.590000e+02 : f32
        %mul3A_617 = vector.broadcast %mul3A_616 : f32 to vector<16xf32>
        %mul3A_618 = arith.mulf %get3A_610, %mul3A_617 : vector<16xf32>
        %max3A_619 = arith.constant 0.000000e+00 : f32
        %max3A_620 = vector.broadcast %max3A_619 : f32 to vector<16xf32>
        %max3A_621 = arith.maximumf %mul3A_618, %max3A_620 : vector<16xf32>
        %min3A_622 = arith.constant 1.590000e+02 : f32
        %min3A_623 = vector.broadcast %min3A_622 : f32 to vector<16xf32>
        %min3A_624 = arith.minimumf %max3A_621, %min3A_623 : vector<16xf32>
        %mul3A_625 = arith.constant 1.190000e+02 : f32
        %mul3A_626 = vector.broadcast %mul3A_625 : f32 to vector<16xf32>
        %mul3A_627 = arith.mulf %get3A_615, %mul3A_626 : vector<16xf32>
        %max3A_628 = arith.constant 0.000000e+00 : f32
        %max3A_629 = vector.broadcast %max3A_628 : f32 to vector<16xf32>
        %max3A_630 = arith.maximumf %mul3A_627, %max3A_629 : vector<16xf32>
        %min3A_631 = arith.constant 1.190000e+02 : f32
        %min3A_632 = vector.broadcast %min3A_631 : f32 to vector<16xf32>
        %min3A_633 = arith.minimumf %max3A_630, %min3A_632 : vector<16xf32>
        %convert_element_type3A_634 = arith.fptosi %min3A_624 : vector<16xf32> to vector<16xi32>
        %convert_element_type3A_635 = arith.fptosi %min3A_633 : vector<16xf32> to vector<16xi32>
        %add3A_636 = arith.constant 1 : i32
        %add3A_637 = vector.broadcast %add3A_636 : i32 to vector<16xi32>
        %add3A_638 = arith.addi %convert_element_type3A_634, %add3A_637 : vector<16xi32>
        %min3A_639 = arith.constant 159 : i32
        %min3A_640 = vector.broadcast %min3A_639 : i32 to vector<16xi32>
        %min3A_641 = arith.minsi %add3A_638, %min3A_640 : vector<16xi32>
        %add3A_642 = arith.constant 1 : i32
        %add3A_643 = vector.broadcast %add3A_642 : i32 to vector<16xi32>
        %add3A_644 = arith.addi %convert_element_type3A_635, %add3A_643 : vector<16xi32>
        %min3A_645 = arith.constant 119 : i32
        %min3A_646 = vector.broadcast %min3A_645 : i32 to vector<16xi32>
        %min3A_647 = arith.minsi %add3A_644, %min3A_646 : vector<16xi32>
        %convert_element_type3A_648 = arith.sitofp %convert_element_type3A_634 : vector<16xi32> to vector<16xf32>
        %convert_element_type3A_649 = arith.sitofp %min3A_641 : vector<16xi32> to vector<16xf32>
        %convert_element_type3A_650 = arith.sitofp %convert_element_type3A_635 : vector<16xi32> to vector<16xf32>
        %convert_element_type3A_651 = arith.sitofp %min3A_647 : vector<16xi32> to vector<16xf32>
        %mul3A_652 = arith.constant 160 : i32
        %mul3A_653 = vector.broadcast %mul3A_652 : i32 to vector<16xi32>
        %mul3A_654 = arith.muli %convert_element_type3A_635, %mul3A_653 : vector<16xi32>
        %add3A_655 = vector.broadcast %mul3A_20 : i32 to vector<16xi32>
        %add3A_656 = arith.addi %add3A_655, %mul3A_654 : vector<16xi32>
        %mul3A_657 = arith.constant 160 : i32
        %mul3A_658 = vector.broadcast %mul3A_657 : i32 to vector<16xi32>
        %mul3A_659 = arith.muli %min3A_647, %mul3A_658 : vector<16xi32>
        %add3A_660 = vector.broadcast %mul3A_20 : i32 to vector<16xi32>
        %add3A_661 = arith.addi %add3A_660, %mul3A_659 : vector<16xi32>
        %add3A_662 = arith.addi %add3A_656, %convert_element_type3A_634 : vector<16xi32>
        %swap3A_663 = arith.constant 32 : index
        %swap3A_664 = tpu.vector_load %arg8[%swap3A_663] {strides = array<i32>} : memref<48xi32, #tpu.memory_space<vmem>>, vector<16xi32>,
        %swap3A_665 = vector.shape_cast %swap3A_664 : vector<16xi32> to vector<16xi32>
        %swap3A_666 = vector.shape_cast %add3A_662 : vector<16xi32> to vector<16xi32>
        tpu.vector_store %arg8[%swap3A_663], %swap3A_666 {strides = array<i32>} : memref<48xi32, #tpu.memory_space<vmem>>, vector<16xi32>,
        %add3A_667 = arith.addi %add3A_661, %convert_element_type3A_634 : vector<16xi32>
        %swap3A_668 = arith.constant 32 : index
        %swap3A_669 = tpu.vector_load %arg9[%swap3A_668] {strides = array<i32>} : memref<48xi32, #tpu.memory_space<vmem>>, vector<16xi32>,
        %swap3A_670 = vector.shape_cast %swap3A_669 : vector<16xi32> to vector<16xi32>
        %swap3A_671 = vector.shape_cast %add3A_667 : vector<16xi32> to vector<16xi32>
        tpu.vector_store %arg9[%swap3A_668], %swap3A_671 {strides = array<i32>} : memref<48xi32, #tpu.memory_space<vmem>>, vector<16xi32>,
        %add3A_672 = arith.addi %add3A_656, %min3A_641 : vector<16xi32>
        %swap3A_673 = arith.constant 32 : index
        %swap3A_674 = tpu.vector_load %arg10[%swap3A_673] {strides = array<i32>} : memref<48xi32, #tpu.memory_space<vmem>>, vector<16xi32>,
        %swap3A_675 = vector.shape_cast %swap3A_674 : vector<16xi32> to vector<16xi32>
        %swap3A_676 = vector.shape_cast %add3A_672 : vector<16xi32> to vector<16xi32>
        tpu.vector_store %arg10[%swap3A_673], %swap3A_676 {strides = array<i32>} : memref<48xi32, #tpu.memory_space<vmem>>, vector<16xi32>,
        %add3A_677 = arith.addi %add3A_661, %min3A_641 : vector<16xi32>
        %swap3A_678 = arith.constant 32 : index
        %swap3A_679 = tpu.vector_load %arg11[%swap3A_678] {strides = array<i32>} : memref<48xi32, #tpu.memory_space<vmem>>, vector<16xi32>,
        %swap3A_680 = vector.shape_cast %swap3A_679 : vector<16xi32> to vector<16xi32>
        %swap3A_681 = vector.shape_cast %add3A_677 : vector<16xi32> to vector<16xi32>
        tpu.vector_store %arg11[%swap3A_678], %swap3A_681 {strides = array<i32>} : memref<48xi32, #tpu.memory_space<vmem>>, vector<16xi32>,
        %sub3A_682 = arith.subf %convert_element_type3A_649, %min3A_624 : vector<16xf32>
        %sub3A_683 = arith.subf %min3A_624, %convert_element_type3A_648 : vector<16xf32>
        %sub3A_684 = arith.subf %convert_element_type3A_651, %min3A_633 : vector<16xf32>
        %sub3A_685 = arith.subf %min3A_633, %convert_element_type3A_650 : vector<16xf32>
        %mul3A_686 = arith.mulf %sub3A_682, %sub3A_684 : vector<16xf32>
        %swap3A_687 = arith.constant 32 : index
        %swap3A_688 = tpu.vector_load %arg16[%swap3A_687] {strides = array<i32>} : memref<64xf32, #tpu.memory_space<vmem>>, vector<16xf32>,
        %swap3A_689 = vector.shape_cast %swap3A_688 : vector<16xf32> to vector<16xf32>
        %swap3A_690 = vector.shape_cast %mul3A_686 : vector<16xf32> to vector<16xf32>
        tpu.vector_store %arg16[%swap3A_687], %swap3A_690 {strides = array<i32>} : memref<64xf32, #tpu.memory_space<vmem>>, vector<16xf32>,
        %mul3A_691 = arith.mulf %sub3A_682, %sub3A_685 : vector<16xf32>
        %swap3A_692 = arith.constant 32 : index
        %swap3A_693 = tpu.vector_load %arg17[%swap3A_692] {strides = array<i32>} : memref<64xf32, #tpu.memory_space<vmem>>, vector<16xf32>,
        %swap3A_694 = vector.shape_cast %swap3A_693 : vector<16xf32> to vector<16xf32>
        %swap3A_695 = vector.shape_cast %mul3A_691 : vector<16xf32> to vector<16xf32>
        tpu.vector_store %arg17[%swap3A_692], %swap3A_695 {strides = array<i32>} : memref<64xf32, #tpu.memory_space<vmem>>, vector<16xf32>,
        %mul3A_696 = arith.mulf %sub3A_683, %sub3A_684 : vector<16xf32>
        %swap3A_697 = arith.constant 32 : index
        %swap3A_698 = tpu.vector_load %arg18[%swap3A_697] {strides = array<i32>} : memref<64xf32, #tpu.memory_space<vmem>>, vector<16xf32>,
        %swap3A_699 = vector.shape_cast %swap3A_698 : vector<16xf32> to vector<16xf32>
        %swap3A_700 = vector.shape_cast %mul3A_696 : vector<16xf32> to vector<16xf32>
        tpu.vector_store %arg18[%swap3A_697], %swap3A_700 {strides = array<i32>} : memref<64xf32, #tpu.memory_space<vmem>>, vector<16xf32>,
        %mul3A_701 = arith.mulf %sub3A_683, %sub3A_685 : vector<16xf32>
        %swap3A_702 = arith.constant 32 : index
        %swap3A_703 = tpu.vector_load %arg19[%swap3A_702] {strides = array<i32>} : memref<64xf32, #tpu.memory_space<vmem>>, vector<16xf32>,
        %swap3A_704 = vector.shape_cast %swap3A_703 : vector<16xf32> to vector<16xf32>
        %swap3A_705 = vector.shape_cast %mul3A_701 : vector<16xf32> to vector<16xf32>
        tpu.vector_store %arg19[%swap3A_702], %swap3A_705 {strides = array<i32>} : memref<64xf32, #tpu.memory_space<vmem>>, vector<16xf32>,
        %ge3A = arith.constant 1 : i32
        %ge3A_706 = arith.cmpi sge, %add3A_369, %ge3A : i32
        %convert_element_type3A_707 = arith.extui %ge3A_706 : i1 to i32
        %cond3A_708 = arith.constant 0 : i32
        %cond3A_709 = arith.cmpi ne, %convert_element_type3A_707, %cond3A_708 : i32
        scf.if %cond3A_709 {
          %sub3A_722 = arith.constant 1 : i32
          %sub3A_723 = arith.subi %add3A_369, %sub3A_722 : i32
          %mul3A_724 = arith.constant 48 : i32
          %mul3A_725 = arith.muli %sub3A_723, %mul3A_724 : i32
          %add3A_726 = arith.addi %mul3A_2, %mul3A_725 : i32
          %dma_wait3A_727 = arith.constant 0 : i32
          %dma_wait3A_728 = tpu.memref_slice %arg5[%add3A_726, %dma_wait3A_727] : memref<153600x256xf32, #tpu.memory_space<hbm>> -> memref<48x256xf32, #tpu.memory_space<hbm>>
          %dma_wait3A_729 = arith.constant 0 : i32
          %dma_wait3A_730 = tpu.memref_slice %arg5[%add3A_726, %dma_wait3A_729] : memref<153600x256xf32, #tpu.memory_space<hbm>> -> memref<48x256xf32, #tpu.memory_space<hbm>>
          tpu.wait_dma2 semaphore(%arg34 : memref<!tpu.dma_semaphore, #tpu.memory_space<semaphore_mem>>) src(%arg24 : memref<48x256xf32, #tpu.memory_space<vmem>>) dst(%dma_wait3A_730 : memref<48x256xf32, #tpu.memory_space<hbm>>)
        } else {
        }
        %dma_start3A_710 = arith.constant 0 : i32
        %dma_start3A_711 = arith.constant 0 : i32
        %dma_start3A_712 = tpu.memref_slice %arg2[%dma_start3A_710, %dma_start3A_711] : memref<153600x256xf32, #tpu.memory_space<hbm>> -> memref<153600x256xf32, #tpu.memory_space<hbm>>
        tpu.enqueue_indirect_dma source(%dma_start3A_712 : memref<153600x256xf32, #tpu.memory_space<hbm>>) target(%arg24 : memref<48x256xf32, #tpu.memory_space<vmem>>) offsets(%arg8 : memref<48xi32, #tpu.memory_space<vmem>>) semaphore(%arg32 : memref<!tpu.dma_semaphore, #tpu.memory_space<semaphore_mem>>)
        %dma_start3A_713 = arith.constant 0 : i32
        %dma_start3A_714 = arith.constant 0 : i32
        %dma_start3A_715 = tpu.memref_slice %arg2[%dma_start3A_713, %dma_start3A_714] : memref<153600x256xf32, #tpu.memory_space<hbm>> -> memref<153600x256xf32, #tpu.memory_space<hbm>>
        tpu.enqueue_indirect_dma source(%dma_start3A_715 : memref<153600x256xf32, #tpu.memory_space<hbm>>) target(%arg25 : memref<48x256xf32, #tpu.memory_space<vmem>>) offsets(%arg9 : memref<48xi32, #tpu.memory_space<vmem>>) semaphore(%arg32 : memref<!tpu.dma_semaphore, #tpu.memory_space<semaphore_mem>>)
        %dma_start3A_716 = arith.constant 0 : i32
        %dma_start3A_717 = arith.constant 0 : i32
        %dma_start3A_718 = tpu.memref_slice %arg2[%dma_start3A_716, %dma_start3A_717] : memref<153600x256xf32, #tpu.memory_space<hbm>> -> memref<153600x256xf32, #tpu.memory_space<hbm>>
        tpu.enqueue_indirect_dma source(%dma_start3A_718 : memref<153600x256xf32, #tpu.memory_space<hbm>>) target(%arg26 : memref<48x256xf32, #tpu.memory_space<vmem>>) offsets(%arg10 : memref<48xi32, #tpu.memory_space<vmem>>) semaphore(%arg32 : memref<!tpu.dma_semaphore, #tpu.memory_space<semaphore_mem>>)
        %dma_start3A_719 = arith.constant 0 : i32
        %dma_start3A_720 = arith.constant 0 : i32
        %dma_start3A_721 = tpu.memref_slice %arg2[%dma_start3A_719, %dma_start3A_720] : memref<153600x256xf32, #tpu.memory_space<hbm>> -> memref<153600x256xf32, #tpu.memory_space<hbm>>
        tpu.enqueue_indirect_dma source(%dma_start3A_721 : memref<153600x256xf32, #tpu.memory_space<hbm>>) target(%arg27 : memref<48x256xf32, #tpu.memory_space<vmem>>) offsets(%arg11 : memref<48xi32, #tpu.memory_space<vmem>>) semaphore(%arg32 : memref<!tpu.dma_semaphore, #tpu.memory_space<semaphore_mem>>)
      } else {
      }
      %dma_wait3A_377 = arith.constant 0 : i32
      %dma_wait3A_378 = arith.constant 0 : i32
      %dma_wait3A_379 = tpu.memref_slice %arg2[%dma_wait3A_377, %dma_wait3A_378] : memref<153600x256xf32, #tpu.memory_space<hbm>> -> memref<153600x256xf32, #tpu.memory_space<hbm>>
      tpu.wait_indirect_dma semaphore(%arg33 : memref<!tpu.dma_semaphore, #tpu.memory_space<semaphore_mem>>) src(%dma_wait3A_379 : memref<153600x256xf32, #tpu.memory_space<hbm>>) dst(%arg28 : memref<48x256xf32, #tpu.memory_space<vmem>>)
      %dma_wait3A_380 = arith.constant 0 : i32
      %dma_wait3A_381 = arith.constant 0 : i32
      %dma_wait3A_382 = tpu.memref_slice %arg2[%dma_wait3A_380, %dma_wait3A_381] : memref<153600x256xf32, #tpu.memory_space<hbm>> -> memref<153600x256xf32, #tpu.memory_space<hbm>>
      tpu.wait_indirect_dma semaphore(%arg33 : memref<!tpu.dma_semaphore, #tpu.memory_space<semaphore_mem>>) src(%dma_wait3A_382 : memref<153600x256xf32, #tpu.memory_space<hbm>>) dst(%arg29 : memref<48x256xf32, #tpu.memory_space<vmem>>)
      %dma_wait3A_383 = arith.constant 0 : i32
      %dma_wait3A_384 = arith.constant 0 : i32
      %dma_wait3A_385 = tpu.memref_slice %arg2[%dma_wait3A_383, %dma_wait3A_384] : memref<153600x256xf32, #tpu.memory_space<hbm>> -> memref<153600x256xf32, #tpu.memory_space<hbm>>
      tpu.wait_indirect_dma semaphore(%arg33 : memref<!tpu.dma_semaphore, #tpu.memory_space<semaphore_mem>>) src(%dma_wait3A_385 : memref<153600x256xf32, #tpu.memory_space<hbm>>) dst(%arg30 : memref<48x256xf32, #tpu.memory_space<vmem>>)
      %dma_wait3A_386 = arith.constant 0 : i32
      %dma_wait3A_387 = arith.constant 0 : i32
      %dma_wait3A_388 = tpu.memref_slice %arg2[%dma_wait3A_386, %dma_wait3A_387] : memref<153600x256xf32, #tpu.memory_space<hbm>> -> memref<153600x256xf32, #tpu.memory_space<hbm>>
      tpu.wait_indirect_dma semaphore(%arg33 : memref<!tpu.dma_semaphore, #tpu.memory_space<semaphore_mem>>) src(%dma_wait3A_388 : memref<153600x256xf32, #tpu.memory_space<hbm>>) dst(%arg31 : memref<48x256xf32, #tpu.memory_space<vmem>>)
      %scan3A_389 = arith.constant 0 : i32
      %scan3A_390 = arith.constant 0 : i32
      %scan3A_391 = arith.constant 48 : i32
      %scan3A_392 = arith.addi %scan3A_390, %scan3A_391 : i32
      %scan3A_393 = arith.constant 1 : i32
      scf.for %scan3A_402 = %scan3A_390 to %scan3A_392 step %scan3A_393  : i32 {
        %get3A_403 = arith.index_cast %scan3A_402 : i32 to index
        %get3A_404 = tpu.vector_load %arg20[%get3A_403] {strides = array<i32>} : memref<64xf32, #tpu.memory_space<vmem>>, vector<16xf32>,
        %get3A_405 = vector.shape_cast %get3A_404 : vector<16xf32> to vector<16xf32>
        %slice3A = vector.extract_strided_slice %get3A_405 {offsets = [0], sizes = [1], strides = [1]} : vector<16xf32> to vector<1xf32>
        %squeeze3A = vector.extract %slice3A[0] : f32 from vector<1xf32>
        %get3A_406 = arith.index_cast %scan3A_402 : i32 to index
        %get3A_407 = tpu.vector_load %arg21[%get3A_406] {strides = array<i32>} : memref<64xf32, #tpu.memory_space<vmem>>, vector<16xf32>,
        %get3A_408 = vector.shape_cast %get3A_407 : vector<16xf32> to vector<16xf32>
        %slice3A_409 = vector.extract_strided_slice %get3A_408 {offsets = [0], sizes = [1], strides = [1]} : vector<16xf32> to vector<1xf32>
        %squeeze3A_410 = vector.extract %slice3A_409[0] : f32 from vector<1xf32>
        %get3A_411 = arith.index_cast %scan3A_402 : i32 to index
        %get3A_412 = tpu.vector_load %arg22[%get3A_411] {strides = array<i32>} : memref<64xf32, #tpu.memory_space<vmem>>, vector<16xf32>,
        %get3A_413 = vector.shape_cast %get3A_412 : vector<16xf32> to vector<16xf32>
        %slice3A_414 = vector.extract_strided_slice %get3A_413 {offsets = [0], sizes = [1], strides = [1]} : vector<16xf32> to vector<1xf32>
        %squeeze3A_415 = vector.extract %slice3A_414[0] : f32 from vector<1xf32>
        %get3A_416 = arith.index_cast %scan3A_402 : i32 to index
        %get3A_417 = tpu.vector_load %arg23[%get3A_416] {strides = array<i32>} : memref<64xf32, #tpu.memory_space<vmem>>, vector<16xf32>,
        %get3A_418 = vector.shape_cast %get3A_417 : vector<16xf32> to vector<16xf32>
        %slice3A_419 = vector.extract_strided_slice %get3A_418 {offsets = [0], sizes = [1], strides = [1]} : vector<16xf32> to vector<1xf32>
        %squeeze3A_420 = vector.extract %slice3A_419[0] : f32 from vector<1xf32>
        %get3A_421 = arith.index_cast %scan3A_402 : i32 to index
        %get3A_422 = arith.constant 0 : index
        %get3A_423 = tpu.vector_load %arg28[%get3A_421, %get3A_422] {strides = array<i32>} : memref<48x256xf32, #tpu.memory_space<vmem>>, vector<1x16xf32>,
        %get3A_424 = vector.shape_cast %get3A_423 : vector<1x16xf32> to vector<16xf32>
        %mul3A_425 = vector.broadcast %squeeze3A : f32 to vector<16xf32>
        %mul3A_426 = arith.mulf %mul3A_425, %get3A_424 : vector<16xf32>
        %get3A_427 = arith.index_cast %scan3A_402 : i32 to index
        %get3A_428 = arith.constant 0 : index
        %get3A_429 = tpu.vector_load %arg29[%get3A_427, %get3A_428] {strides = array<i32>} : memref<48x256xf32, #tpu.memory_space<vmem>>, vector<1x16xf32>,
        %get3A_430 = vector.shape_cast %get3A_429 : vector<1x16xf32> to vector<16xf32>
        %mul3A_431 = vector.broadcast %squeeze3A_410 : f32 to vector<16xf32>
        %mul3A_432 = arith.mulf %mul3A_431, %get3A_430 : vector<16xf32>
        %add3A_433 = arith.addf %mul3A_426, %mul3A_432 : vector<16xf32>
        %get3A_434 = arith.index_cast %scan3A_402 : i32 to index
        %get3A_435 = arith.constant 0 : index
        %get3A_436 = tpu.vector_load %arg30[%get3A_434, %get3A_435] {strides = array<i32>} : memref<48x256xf32, #tpu.memory_space<vmem>>, vector<1x16xf32>,
        %get3A_437 = vector.shape_cast %get3A_436 : vector<1x16xf32> to vector<16xf32>
        %mul3A_438 = vector.broadcast %squeeze3A_415 : f32 to vector<16xf32>
        %mul3A_439 = arith.mulf %mul3A_438, %get3A_437 : vector<16xf32>
        %add3A_440 = arith.addf %add3A_433, %mul3A_439 : vector<16xf32>
        %get3A_441 = arith.index_cast %scan3A_402 : i32 to index
        %get3A_442 = arith.constant 0 : index
        %get3A_443 = tpu.vector_load %arg31[%get3A_441, %get3A_442] {strides = array<i32>} : memref<48x256xf32, #tpu.memory_space<vmem>>, vector<1x16xf32>,
        %get3A_444 = vector.shape_cast %get3A_443 : vector<1x16xf32> to vector<16xf32>
        %mul3A_445 = vector.broadcast %squeeze3A_420 : f32 to vector<16xf32>
        %mul3A_446 = arith.mulf %mul3A_445, %get3A_444 : vector<16xf32>
        %add3A_447 = arith.addf %add3A_440, %mul3A_446 : vector<16xf32>
        %swap3A_448 = arith.index_cast %scan3A_402 : i32 to index
        %swap3A_449 = arith.constant 0 : index
        %swap3A_450 = tpu.vector_load %arg28[%swap3A_448, %swap3A_449] {strides = array<i32>} : memref<48x256xf32, #tpu.memory_space<vmem>>, vector<1x16xf32>,
        %swap3A_451 = vector.shape_cast %swap3A_450 : vector<1x16xf32> to vector<16xf32>
        %swap3A_452 = vector.shape_cast %add3A_447 : vector<16xf32> to vector<1x16xf32>
        tpu.vector_store %arg28[%swap3A_448, %swap3A_449], %swap3A_452 {strides = array<i32>} : memref<48x256xf32, #tpu.memory_space<vmem>>, vector<1x16xf32>,
        %get3A_453 = arith.index_cast %scan3A_402 : i32 to index
        %get3A_454 = arith.constant 16 : index
        %get3A_455 = tpu.vector_load %arg28[%get3A_453, %get3A_454] {strides = array<i32>} : memref<48x256xf32, #tpu.memory_space<vmem>>, vector<1x16xf32>,
        %get3A_456 = vector.shape_cast %get3A_455 : vector<1x16xf32> to vector<16xf32>
        %mul3A_457 = vector.broadcast %squeeze3A : f32 to vector<16xf32>
        %mul3A_458 = arith.mulf %mul3A_457, %get3A_456 : vector<16xf32>
        %get3A_459 = arith.index_cast %scan3A_402 : i32 to index
        %get3A_460 = arith.constant 16 : index
        %get3A_461 = tpu.vector_load %arg29[%get3A_459, %get3A_460] {strides = array<i32>} : memref<48x256xf32, #tpu.memory_space<vmem>>, vector<1x16xf32>,
        %get3A_462 = vector.shape_cast %get3A_461 : vector<1x16xf32> to vector<16xf32>
        %mul3A_463 = vector.broadcast %squeeze3A_410 : f32 to vector<16xf32>
        %mul3A_464 = arith.mulf %mul3A_463, %get3A_462 : vector<16xf32>
        %add3A_465 = arith.addf %mul3A_458, %mul3A_464 : vector<16xf32>
        %get3A_466 = arith.index_cast %scan3A_402 : i32 to index
        %get3A_467 = arith.constant 16 : index
        %get3A_468 = tpu.vector_load %arg30[%get3A_466, %get3A_467] {strides = array<i32>} : memref<48x256xf32, #tpu.memory_space<vmem>>, vector<1x16xf32>,
        %get3A_469 = vector.shape_cast %get3A_468 : vector<1x16xf32> to vector<16xf32>
        %mul3A_470 = vector.broadcast %squeeze3A_415 : f32 to vector<16xf32>
        %mul3A_471 = arith.mulf %mul3A_470, %get3A_469 : vector<16xf32>
        %add3A_472 = arith.addf %add3A_465, %mul3A_471 : vector<16xf32>
        %get3A_473 = arith.index_cast %scan3A_402 : i32 to index
        %get3A_474 = arith.constant 16 : index
        %get3A_475 = tpu.vector_load %arg31[%get3A_473, %get3A_474] {strides = array<i32>} : memref<48x256xf32, #tpu.memory_space<vmem>>, vector<1x16xf32>,
        %get3A_476 = vector.shape_cast %get3A_475 : vector<1x16xf32> to vector<16xf32>
        %mul3A_477 = vector.broadcast %squeeze3A_420 : f32 to vector<16xf32>
        %mul3A_478 = arith.mulf %mul3A_477, %get3A_476 : vector<16xf32>
        %add3A_479 = arith.addf %add3A_472, %mul3A_478 : vector<16xf32>
        %swap3A_480 = arith.index_cast %scan3A_402 : i32 to index
        %swap3A_481 = arith.constant 16 : index
        %swap3A_482 = tpu.vector_load %arg28[%swap3A_480, %swap3A_481] {strides = array<i32>} : memref<48x256xf32, #tpu.memory_space<vmem>>, vector<1x16xf32>,
        %swap3A_483 = vector.shape_cast %swap3A_482 : vector<1x16xf32> to vector<16xf32>
        %swap3A_484 = vector.shape_cast %add3A_479 : vector<16xf32> to vector<1x16xf32>
        tpu.vector_store %arg28[%swap3A_480, %swap3A_481], %swap3A_484 {strides = array<i32>} : memref<48x256xf32, #tpu.memory_space<vmem>>, vector<1x16xf32>,
        %get3A_485 = arith.index_cast %scan3A_402 : i32 to index
        %get3A_486 = arith.constant 32 : index
        %get3A_487 = tpu.vector_load %arg28[%get3A_485, %get3A_486] {strides = array<i32>} : memref<48x256xf32, #tpu.memory_space<vmem>>, vector<1x16xf32>,
        %get3A_488 = vector.shape_cast %get3A_487 : vector<1x16xf32> to vector<16xf32>
        %mul3A_489 = vector.broadcast %squeeze3A : f32 to vector<16xf32>
        %mul3A_490 = arith.mulf %mul3A_489, %get3A_488 : vector<16xf32>
        %get3A_491 = arith.index_cast %scan3A_402 : i32 to index
        %get3A_492 = arith.constant 32 : index
        %get3A_493 = tpu.vector_load %arg29[%get3A_491, %get3A_492] {strides = array<i32>} : memref<48x256xf32, #tpu.memory_space<vmem>>, vector<1x16xf32>,
        %get3A_494 = vector.shape_cast %get3A_493 : vector<1x16xf32> to vector<16xf32>
        %mul3A_495 = vector.broadcast %squeeze3A_410 : f32 to vector<16xf32>
        %mul3A_496 = arith.mulf %mul3A_495, %get3A_494 : vector<16xf32>
        %add3A_497 = arith.addf %mul3A_490, %mul3A_496 : vector<16xf32>
        %get3A_498 = arith.index_cast %scan3A_402 : i32 to index
        %get3A_499 = arith.constant 32 : index
        %get3A_500 = tpu.vector_load %arg30[%get3A_498, %get3A_499] {strides = array<i32>} : memref<48x256xf32, #tpu.memory_space<vmem>>, vector<1x16xf32>,
        %get3A_501 = vector.shape_cast %get3A_500 : vector<1x16xf32> to vector<16xf32>
        %mul3A_502 = vector.broadcast %squeeze3A_415 : f32 to vector<16xf32>
        %mul3A_503 = arith.mulf %mul3A_502, %get3A_501 : vector<16xf32>
        %add3A_504 = arith.addf %add3A_497, %mul3A_503 : vector<16xf32>
        %get3A_505 = arith.index_cast %scan3A_402 : i32 to index
        %get3A_506 = arith.constant 32 : index
        %get3A_507 = tpu.vector_load %arg31[%get3A_505, %get3A_506] {strides = array<i32>} : memref<48x256xf32, #tpu.memory_space<vmem>>, vector<1x16xf32>,
        %get3A_508 = vector.shape_cast %get3A_507 : vector<1x16xf32> to vector<16xf32>
        %mul3A_509 = vector.broadcast %squeeze3A_420 : f32 to vector<16xf32>
        %mul3A_510 = arith.mulf %mul3A_509, %get3A_508 : vector<16xf32>
        %add3A_511 = arith.addf %add3A_504, %mul3A_510 : vector<16xf32>
        %swap3A_512 = arith.index_cast %scan3A_402 : i32 to index
        %swap3A_513 = arith.constant 32 : index
        %swap3A_514 = tpu.vector_load %arg28[%swap3A_512, %swap3A_513] {strides = array<i32>} : memref<48x256xf32, #tpu.memory_space<vmem>>, vector<1x16xf32>,
        %swap3A_515 = vector.shape_cast %swap3A_514 : vector<1x16xf32> to vector<16xf32>
        %swap3A_516 = vector.shape_cast %add3A_511 : vector<16xf32> to vector<1x16xf32>
        tpu.vector_store %arg28[%swap3A_512, %swap3A_513], %swap3A_516 {strides = array<i32>} : memref<48x256xf32, #tpu.memory_space<vmem>>, vector<1x16xf32>,
        %get3A_517 = arith.index_cast %scan3A_402 : i32 to index
        %get3A_518 = arith.constant 48 : index
        %get3A_519 = tpu.vector_load %arg28[%get3A_517, %get3A_518] {strides = array<i32>} : memref<48x256xf32, #tpu.memory_space<vmem>>, vector<1x16xf32>,
        %get3A_520 = vector.shape_cast %get3A_519 : vector<1x16xf32> to vector<16xf32>
        %mul3A_521 = vector.broadcast %squeeze3A : f32 to vector<16xf32>
        %mul3A_522 = arith.mulf %mul3A_521, %get3A_520 : vector<16xf32>
        %get3A_523 = arith.index_cast %scan3A_402 : i32 to index
        %get3A_524 = arith.constant 48 : index
        %get3A_525 = tpu.vector_load %arg29[%get3A_523, %get3A_524] {strides = array<i32>} : memref<48x256xf32, #tpu.memory_space<vmem>>, vector<1x16xf32>,
        %get3A_526 = vector.shape_cast %get3A_525 : vector<1x16xf32> to vector<16xf32>
        %mul3A_527 = vector.broadcast %squeeze3A_410 : f32 to vector<16xf32>
        %mul3A_528 = arith.mulf %mul3A_527, %get3A_526 : vector<16xf32>
        %add3A_529 = arith.addf %mul3A_522, %mul3A_528 : vector<16xf32>
        %get3A_530 = arith.index_cast %scan3A_402 : i32 to index
        %get3A_531 = arith.constant 48 : index
        %get3A_532 = tpu.vector_load %arg30[%get3A_530, %get3A_531] {strides = array<i32>} : memref<48x256xf32, #tpu.memory_space<vmem>>, vector<1x16xf32>,
        %get3A_533 = vector.shape_cast %get3A_532 : vector<1x16xf32> to vector<16xf32>
        %mul3A_534 = vector.broadcast %squeeze3A_415 : f32 to vector<16xf32>
        %mul3A_535 = arith.mulf %mul3A_534, %get3A_533 : vector<16xf32>
        %add3A_536 = arith.addf %add3A_529, %mul3A_535 : vector<16xf32>
        %get3A_537 = arith.index_cast %scan3A_402 : i32 to index
        %get3A_538 = arith.constant 48 : index
        %get3A_539 = tpu.vector_load %arg31[%get3A_537, %get3A_538] {strides = array<i32>} : memref<48x256xf32, #tpu.memory_space<vmem>>, vector<1x16xf32>,
        %get3A_540 = vector.shape_cast %get3A_539 : vector<1x16xf32> to vector<16xf32>
        %mul3A_541 = vector.broadcast %squeeze3A_420 : f32 to vector<16xf32>
        %mul3A_542 = arith.mulf %mul3A_541, %get3A_540 : vector<16xf32>
        %add3A_543 = arith.addf %add3A_536, %mul3A_542 : vector<16xf32>
        %swap3A_544 = arith.index_cast %scan3A_402 : i32 to index
        %swap3A_545 = arith.constant 48 : index
        %swap3A_546 = tpu.vector_load %arg28[%swap3A_544, %swap3A_545] {strides = array<i32>} : memref<48x256xf32, #tpu.memory_space<vmem>>, vector<1x16xf32>,
        %swap3A_547 = vector.shape_cast %swap3A_546 : vector<1x16xf32> to vector<16xf32>
        %swap3A_548 = vector.shape_cast %add3A_543 : vector<16xf32> to vector<1x16xf32>
        tpu.vector_store %arg28[%swap3A_544, %swap3A_545], %swap3A_548 {strides = array<i32>} : memref<48x256xf32, #tpu.memory_space<vmem>>, vector<1x16xf32>,
        %get3A_549 = arith.index_cast %scan3A_402 : i32 to index
        %get3A_550 = arith.constant 64 : index
        %get3A_551 = tpu.vector_load %arg28[%get3A_549, %get3A_550] {strides = array<i32>} : memref<48x256xf32, #tpu.memory_space<vmem>>, vector<1x16xf32>,
        %get3A_552 = vector.shape_cast %get3A_551 : vector<1x16xf32> to vector<16xf32>
        %mul3A_553 = vector.broadcast %squeeze3A : f32 to vector<16xf32>
        %mul3A_554 = arith.mulf %mul3A_553, %get3A_552 : vector<16xf32>
        %get3A_555 = arith.index_cast %scan3A_402 : i32 to index
        %get3A_556 = arith.constant 64 : index
        %get3A_557 = tpu.vector_load %arg29[%get3A_555, %get3A_556] {strides = array<i32>} : memref<48x256xf32, #tpu.memory_space<vmem>>, vector<1x16xf32>,
        %get3A_558 = vector.shape_cast %get3A_557 : vector<1x16xf32> to vector<16xf32>
        %mul3A_559 = vector.broadcast %squeeze3A_410 : f32 to vector<16xf32>
        %mul3A_560 = arith.mulf %mul3A_559, %get3A_558 : vector<16xf32>
        %add3A_561 = arith.addf %mul3A_554, %mul3A_560 : vector<16xf32>
        %get3A_562 = arith.index_cast %scan3A_402 : i32 to index
        %get3A_563 = arith.constant 64 : index
        %get3A_564 = tpu.vector_load %arg30[%get3A_562, %get3A_563] {strides = array<i32>} : memref<48x256xf32, #tpu.memory_space<vmem>>, vector<1x16xf32>,
        %get3A_565 = vector.shape_cast %get3A_564 : vector<1x16xf32> to vector<16xf32>
        %mul3A_566 = vector.broadcast %squeeze3A_415 : f32 to vector<16xf32>
        %mul3A_567 = arith.mulf %mul3A_566, %get3A_565 : vector<16xf32>
        %add3A_568 = arith.addf %add3A_561, %mul3A_567 : vector<16xf32>
        %get3A_569 = arith.index_cast %scan3A_402 : i32 to index
        %get3A_570 = arith.constant 64 : index
        %get3A_571 = tpu.vector_load %arg31[%get3A_569, %get3A_570] {strides = array<i32>} : memref<48x256xf32, #tpu.memory_space<vmem>>, vector<1x16xf32>,
        %get3A_572 = vector.shape_cast %get3A_571 : vector<1x16xf32> to vector<16xf32>
        %mul3A_573 = vector.broadcast %squeeze3A_420 : f32 to vector<16xf32>
        %mul3A_574 = arith.mulf %mul3A_573, %get3A_572 : vector<16xf32>
        %add3A_575 = arith.addf %add3A_568, %mul3A_574 : vector<16xf32>
        %swap3A_576 = arith.index_cast %scan3A_402 : i32 to index
        %swap3A_577 = arith.constant 64 : index
        %swap3A_578 = tpu.vector_load %arg28[%swap3A_576, %swap3A_577] {strides = array<i32>} : memref<48x256xf32, #tpu.memory_space<vmem>>, vector<1x16xf32>,
        %swap3A_579 = vector.shape_cast %swap3A_578 : vector<1x16xf32> to vector<16xf32>
        %swap3A_580 = vector.shape_cast %add3A_575 : vector<16xf32> to vector<1x16xf32>
        tpu.vector_store %arg28[%swap3A_576, %swap3A_577], %swap3A_580 {strides = array<i32>} : memref<48x256xf32, #tpu.memory_space<vmem>>, vector<1x16xf32>,
        %get3A_581 = arith.index_cast %scan3A_402 : i32 to index
        %get3A_582 = arith.constant 80 : index
        %get3A_583 = tpu.vector_load %arg28[%get3A_581, %get3A_582] {strides = array<i32>} : memref<48x256xf32, #tpu.memory_space<vmem>>, vector<1x16xf32>,
        %get3A_584 = vector.shape_cast %get3A_583 : vector<1x16xf32> to vector<16xf32>
        %mul3A_585 = vector.broadcast %squeeze3A : f32 to vector<16xf32>
        %mul3A_586 = arith.mulf %mul3A_585, %get3A_584 : vector<16xf32>
        %get3A_587 = arith.index_cast %scan3A_402 : i32 to index
        %get3A_588 = arith.constant 80 : index
        %get3A_589 = tpu.vector_load %arg29[%get3A_587, %get3A_588] {strides = array<i32>} : memref<48x256xf32, #tpu.memory_space<vmem>>, vector<1x16xf32>,
        %get3A_590 = vector.shape_cast %get3A_589 : vector<1x16xf32> to vector<16xf32>
        %mul3A_591 = vector.broadcast %squeeze3A_410 : f32 to vector<16xf32>
        %mul3A_592 = arith.mulf %mul3A_591, %get3A_590 : vector<16xf32>
        %add3A_593 = arith.addf %mul3A_586, %mul3A_592 : vector<16xf32>
        %get3A_594 = arith.index_cast %scan3A_402 : i32 to index
        %get3A_595 = arith.constant 80 : index
        %get3A_596 = tpu.vector_load %arg30[%get3A_594, %get3A_595] {strides = array<i32>} : memref<48x256xf32, #tpu.memory_space<vmem>>, vector<1x16xf32>,
        %get3A_597 = vector.shape_cast %get3A_596 : vector<1x16xf32> to vector<16xf32>
        %mul3A_598 = vector.broadcast %squeeze3A_415 : f32 to vector<16xf32>
        %mul3A_599 = arith.mulf %mul3A_598, %get3A_597 : vector<16xf32>
        %add3A_600 = arith.addf %add3A_593, %mul3A_599 : vector<16xf32>
        %get3A_601 = arith.index_cast %scan3A_402 : i32 to index
        %get3A_602 = arith.constant 80 : index
        %get3A_603 = tpu.vector_load %arg31[%get3A_601, %get3A_602] {strides = array<i32>} : memref<48x256xf32, #tpu.memory_space<vmem>>, vector<1x16xf32>,
        %get3A_604 = vector.shape_cast %get3A_603 : vector<1x16xf32> to vector<16xf32>
        %mul3A_605 = vector.broadcast %squeeze3A_420 : f32 to vector<16xf32>
        %mul3A_606 = arith.mulf %mul3A_605, %get3A_604 : vector<16xf32>
        %add3A_607 = arith.addf %add3A_600, %mul3A_606 : vector<16xf32>
        %swap3A_608 = arith.index_cast %scan3A_402 : i32 to index
        %swap3A_609 = arith.constant 80 : index
        %swap3A_610 = tpu.vector_load %arg28[%swap3A_608, %swap3A_609] {strides = array<i32>} : memref<48x256xf32, #tpu.memory_space<vmem>>, vector<1x16xf32>,
        %swap3A_611 = vector.shape_cast %swap3A_610 : vector<1x16xf32> to vector<16xf32>
        %swap3A_612 = vector.shape_cast %add3A_607 : vector<16xf32> to vector<1x16xf32>
        tpu.vector_store %arg28[%swap3A_608, %swap3A_609], %swap3A_612 {strides = array<i32>} : memref<48x256xf32, #tpu.memory_space<vmem>>, vector<1x16xf32>,
        %get3A_613 = arith.index_cast %scan3A_402 : i32 to index
        %get3A_614 = arith.constant 96 : index
        %get3A_615 = tpu.vector_load %arg28[%get3A_613, %get3A_614] {strides = array<i32>} : memref<48x256xf32, #tpu.memory_space<vmem>>, vector<1x16xf32>,
        %get3A_616 = vector.shape_cast %get3A_615 : vector<1x16xf32> to vector<16xf32>
        %mul3A_617 = vector.broadcast %squeeze3A : f32 to vector<16xf32>
        %mul3A_618 = arith.mulf %mul3A_617, %get3A_616 : vector<16xf32>
        %get3A_619 = arith.index_cast %scan3A_402 : i32 to index
        %get3A_620 = arith.constant 96 : index
        %get3A_621 = tpu.vector_load %arg29[%get3A_619, %get3A_620] {strides = array<i32>} : memref<48x256xf32, #tpu.memory_space<vmem>>, vector<1x16xf32>,
        %get3A_622 = vector.shape_cast %get3A_621 : vector<1x16xf32> to vector<16xf32>
        %mul3A_623 = vector.broadcast %squeeze3A_410 : f32 to vector<16xf32>
        %mul3A_624 = arith.mulf %mul3A_623, %get3A_622 : vector<16xf32>
        %add3A_625 = arith.addf %mul3A_618, %mul3A_624 : vector<16xf32>
        %get3A_626 = arith.index_cast %scan3A_402 : i32 to index
        %get3A_627 = arith.constant 96 : index
        %get3A_628 = tpu.vector_load %arg30[%get3A_626, %get3A_627] {strides = array<i32>} : memref<48x256xf32, #tpu.memory_space<vmem>>, vector<1x16xf32>,
        %get3A_629 = vector.shape_cast %get3A_628 : vector<1x16xf32> to vector<16xf32>
        %mul3A_630 = vector.broadcast %squeeze3A_415 : f32 to vector<16xf32>
        %mul3A_631 = arith.mulf %mul3A_630, %get3A_629 : vector<16xf32>
        %add3A_632 = arith.addf %add3A_625, %mul3A_631 : vector<16xf32>
        %get3A_633 = arith.index_cast %scan3A_402 : i32 to index
        %get3A_634 = arith.constant 96 : index
        %get3A_635 = tpu.vector_load %arg31[%get3A_633, %get3A_634] {strides = array<i32>} : memref<48x256xf32, #tpu.memory_space<vmem>>, vector<1x16xf32>,
        %get3A_636 = vector.shape_cast %get3A_635 : vector<1x16xf32> to vector<16xf32>
        %mul3A_637 = vector.broadcast %squeeze3A_420 : f32 to vector<16xf32>
        %mul3A_638 = arith.mulf %mul3A_637, %get3A_636 : vector<16xf32>
        %add3A_639 = arith.addf %add3A_632, %mul3A_638 : vector<16xf32>
        %swap3A_640 = arith.index_cast %scan3A_402 : i32 to index
        %swap3A_641 = arith.constant 96 : index
        %swap3A_642 = tpu.vector_load %arg28[%swap3A_640, %swap3A_641] {strides = array<i32>} : memref<48x256xf32, #tpu.memory_space<vmem>>, vector<1x16xf32>,
        %swap3A_643 = vector.shape_cast %swap3A_642 : vector<1x16xf32> to vector<16xf32>
        %swap3A_644 = vector.shape_cast %add3A_639 : vector<16xf32> to vector<1x16xf32>
        tpu.vector_store %arg28[%swap3A_640, %swap3A_641], %swap3A_644 {strides = array<i32>} : memref<48x256xf32, #tpu.memory_space<vmem>>, vector<1x16xf32>,
        %get3A_645 = arith.index_cast %scan3A_402 : i32 to index
        %get3A_646 = arith.constant 112 : index
        %get3A_647 = tpu.vector_load %arg28[%get3A_645, %get3A_646] {strides = array<i32>} : memref<48x256xf32, #tpu.memory_space<vmem>>, vector<1x16xf32>,
        %get3A_648 = vector.shape_cast %get3A_647 : vector<1x16xf32> to vector<16xf32>
        %mul3A_649 = vector.broadcast %squeeze3A : f32 to vector<16xf32>
        %mul3A_650 = arith.mulf %mul3A_649, %get3A_648 : vector<16xf32>
        %get3A_651 = arith.index_cast %scan3A_402 : i32 to index
        %get3A_652 = arith.constant 112 : index
        %get3A_653 = tpu.vector_load %arg29[%get3A_651, %get3A_652] {strides = array<i32>} : memref<48x256xf32, #tpu.memory_space<vmem>>, vector<1x16xf32>,
        %get3A_654 = vector.shape_cast %get3A_653 : vector<1x16xf32> to vector<16xf32>
        %mul3A_655 = vector.broadcast %squeeze3A_410 : f32 to vector<16xf32>
        %mul3A_656 = arith.mulf %mul3A_655, %get3A_654 : vector<16xf32>
        %add3A_657 = arith.addf %mul3A_650, %mul3A_656 : vector<16xf32>
        %get3A_658 = arith.index_cast %scan3A_402 : i32 to index
        %get3A_659 = arith.constant 112 : index
        %get3A_660 = tpu.vector_load %arg30[%get3A_658, %get3A_659] {strides = array<i32>} : memref<48x256xf32, #tpu.memory_space<vmem>>, vector<1x16xf32>,
        %get3A_661 = vector.shape_cast %get3A_660 : vector<1x16xf32> to vector<16xf32>
        %mul3A_662 = vector.broadcast %squeeze3A_415 : f32 to vector<16xf32>
        %mul3A_663 = arith.mulf %mul3A_662, %get3A_661 : vector<16xf32>
        %add3A_664 = arith.addf %add3A_657, %mul3A_663 : vector<16xf32>
        %get3A_665 = arith.index_cast %scan3A_402 : i32 to index
        %get3A_666 = arith.constant 112 : index
        %get3A_667 = tpu.vector_load %arg31[%get3A_665, %get3A_666] {strides = array<i32>} : memref<48x256xf32, #tpu.memory_space<vmem>>, vector<1x16xf32>,
        %get3A_668 = vector.shape_cast %get3A_667 : vector<1x16xf32> to vector<16xf32>
        %mul3A_669 = vector.broadcast %squeeze3A_420 : f32 to vector<16xf32>
        %mul3A_670 = arith.mulf %mul3A_669, %get3A_668 : vector<16xf32>
        %add3A_671 = arith.addf %add3A_664, %mul3A_670 : vector<16xf32>
        %swap3A_672 = arith.index_cast %scan3A_402 : i32 to index
        %swap3A_673 = arith.constant 112 : index
        %swap3A_674 = tpu.vector_load %arg28[%swap3A_672, %swap3A_673] {strides = array<i32>} : memref<48x256xf32, #tpu.memory_space<vmem>>, vector<1x16xf32>,
        %swap3A_675 = vector.shape_cast %swap3A_674 : vector<1x16xf32> to vector<16xf32>
        %swap3A_676 = vector.shape_cast %add3A_671 : vector<16xf32> to vector<1x16xf32>
        tpu.vector_store %arg28[%swap3A_672, %swap3A_673], %swap3A_676 {strides = array<i32>} : memref<48x256xf32, #tpu.memory_space<vmem>>, vector<1x16xf32>,
        %get3A_677 = arith.index_cast %scan3A_402 : i32 to index
        %get3A_678 = arith.constant 128 : index
        %get3A_679 = tpu.vector_load %arg28[%get3A_677, %get3A_678] {strides = array<i32>} : memref<48x256xf32, #tpu.memory_space<vmem>>, vector<1x16xf32>,
        %get3A_680 = vector.shape_cast %get3A_679 : vector<1x16xf32> to vector<16xf32>
        %mul3A_681 = vector.broadcast %squeeze3A : f32 to vector<16xf32>
        %mul3A_682 = arith.mulf %mul3A_681, %get3A_680 : vector<16xf32>
        %get3A_683 = arith.index_cast %scan3A_402 : i32 to index
        %get3A_684 = arith.constant 128 : index
        %get3A_685 = tpu.vector_load %arg29[%get3A_683, %get3A_684] {strides = array<i32>} : memref<48x256xf32, #tpu.memory_space<vmem>>, vector<1x16xf32>,
        %get3A_686 = vector.shape_cast %get3A_685 : vector<1x16xf32> to vector<16xf32>
        %mul3A_687 = vector.broadcast %squeeze3A_410 : f32 to vector<16xf32>
        %mul3A_688 = arith.mulf %mul3A_687, %get3A_686 : vector<16xf32>
        %add3A_689 = arith.addf %mul3A_682, %mul3A_688 : vector<16xf32>
        %get3A_690 = arith.index_cast %scan3A_402 : i32 to index
        %get3A_691 = arith.constant 128 : index
        %get3A_692 = tpu.vector_load %arg30[%get3A_690, %get3A_691] {strides = array<i32>} : memref<48x256xf32, #tpu.memory_space<vmem>>, vector<1x16xf32>,
        %get3A_693 = vector.shape_cast %get3A_692 : vector<1x16xf32> to vector<16xf32>
        %mul3A_694 = vector.broadcast %squeeze3A_415 : f32 to vector<16xf32>
        %mul3A_695 = arith.mulf %mul3A_694, %get3A_693 : vector<16xf32>
        %add3A_696 = arith.addf %add3A_689, %mul3A_695 : vector<16xf32>
        %get3A_697 = arith.index_cast %scan3A_402 : i32 to index
        %get3A_698 = arith.constant 128 : index
        %get3A_699 = tpu.vector_load %arg31[%get3A_697, %get3A_698] {strides = array<i32>} : memref<48x256xf32, #tpu.memory_space<vmem>>, vector<1x16xf32>,
        %get3A_700 = vector.shape_cast %get3A_699 : vector<1x16xf32> to vector<16xf32>
        %mul3A_701 = vector.broadcast %squeeze3A_420 : f32 to vector<16xf32>
        %mul3A_702 = arith.mulf %mul3A_701, %get3A_700 : vector<16xf32>
        %add3A_703 = arith.addf %add3A_696, %mul3A_702 : vector<16xf32>
        %swap3A_704 = arith.index_cast %scan3A_402 : i32 to index
        %swap3A_705 = arith.constant 128 : index
        %swap3A_706 = tpu.vector_load %arg28[%swap3A_704, %swap3A_705] {strides = array<i32>} : memref<48x256xf32, #tpu.memory_space<vmem>>, vector<1x16xf32>,
        %swap3A_707 = vector.shape_cast %swap3A_706 : vector<1x16xf32> to vector<16xf32>
        %swap3A_708 = vector.shape_cast %add3A_703 : vector<16xf32> to vector<1x16xf32>
        tpu.vector_store %arg28[%swap3A_704, %swap3A_705], %swap3A_708 {strides = array<i32>} : memref<48x256xf32, #tpu.memory_space<vmem>>, vector<1x16xf32>,
        %get3A_709 = arith.index_cast %scan3A_402 : i32 to index
        %get3A_710 = arith.constant 144 : index
        %get3A_711 = tpu.vector_load %arg28[%get3A_709, %get3A_710] {strides = array<i32>} : memref<48x256xf32, #tpu.memory_space<vmem>>, vector<1x16xf32>,
        %get3A_712 = vector.shape_cast %get3A_711 : vector<1x16xf32> to vector<16xf32>
        %mul3A_713 = vector.broadcast %squeeze3A : f32 to vector<16xf32>
        %mul3A_714 = arith.mulf %mul3A_713, %get3A_712 : vector<16xf32>
        %get3A_715 = arith.index_cast %scan3A_402 : i32 to index
        %get3A_716 = arith.constant 144 : index
        %get3A_717 = tpu.vector_load %arg29[%get3A_715, %get3A_716] {strides = array<i32>} : memref<48x256xf32, #tpu.memory_space<vmem>>, vector<1x16xf32>,
        %get3A_718 = vector.shape_cast %get3A_717 : vector<1x16xf32> to vector<16xf32>
        %mul3A_719 = vector.broadcast %squeeze3A_410 : f32 to vector<16xf32>
        %mul3A_720 = arith.mulf %mul3A_719, %get3A_718 : vector<16xf32>
        %add3A_721 = arith.addf %mul3A_714, %mul3A_720 : vector<16xf32>
        %get3A_722 = arith.index_cast %scan3A_402 : i32 to index
        %get3A_723 = arith.constant 144 : index
        %get3A_724 = tpu.vector_load %arg30[%get3A_722, %get3A_723] {strides = array<i32>} : memref<48x256xf32, #tpu.memory_space<vmem>>, vector<1x16xf32>,
        %get3A_725 = vector.shape_cast %get3A_724 : vector<1x16xf32> to vector<16xf32>
        %mul3A_726 = vector.broadcast %squeeze3A_415 : f32 to vector<16xf32>
        %mul3A_727 = arith.mulf %mul3A_726, %get3A_725 : vector<16xf32>
        %add3A_728 = arith.addf %add3A_721, %mul3A_727 : vector<16xf32>
        %get3A_729 = arith.index_cast %scan3A_402 : i32 to index
        %get3A_730 = arith.constant 144 : index
        %get3A_731 = tpu.vector_load %arg31[%get3A_729, %get3A_730] {strides = array<i32>} : memref<48x256xf32, #tpu.memory_space<vmem>>, vector<1x16xf32>,
        %get3A_732 = vector.shape_cast %get3A_731 : vector<1x16xf32> to vector<16xf32>
        %mul3A_733 = vector.broadcast %squeeze3A_420 : f32 to vector<16xf32>
        %mul3A_734 = arith.mulf %mul3A_733, %get3A_732 : vector<16xf32>
        %add3A_735 = arith.addf %add3A_728, %mul3A_734 : vector<16xf32>
        %swap3A_736 = arith.index_cast %scan3A_402 : i32 to index
        %swap3A_737 = arith.constant 144 : index
        %swap3A_738 = tpu.vector_load %arg28[%swap3A_736, %swap3A_737] {strides = array<i32>} : memref<48x256xf32, #tpu.memory_space<vmem>>, vector<1x16xf32>,
        %swap3A_739 = vector.shape_cast %swap3A_738 : vector<1x16xf32> to vector<16xf32>
        %swap3A_740 = vector.shape_cast %add3A_735 : vector<16xf32> to vector<1x16xf32>
        tpu.vector_store %arg28[%swap3A_736, %swap3A_737], %swap3A_740 {strides = array<i32>} : memref<48x256xf32, #tpu.memory_space<vmem>>, vector<1x16xf32>,
        %get3A_741 = arith.index_cast %scan3A_402 : i32 to index
        %get3A_742 = arith.constant 160 : index
        %get3A_743 = tpu.vector_load %arg28[%get3A_741, %get3A_742] {strides = array<i32>} : memref<48x256xf32, #tpu.memory_space<vmem>>, vector<1x16xf32>,
        %get3A_744 = vector.shape_cast %get3A_743 : vector<1x16xf32> to vector<16xf32>
        %mul3A_745 = vector.broadcast %squeeze3A : f32 to vector<16xf32>
        %mul3A_746 = arith.mulf %mul3A_745, %get3A_744 : vector<16xf32>
        %get3A_747 = arith.index_cast %scan3A_402 : i32 to index
        %get3A_748 = arith.constant 160 : index
        %get3A_749 = tpu.vector_load %arg29[%get3A_747, %get3A_748] {strides = array<i32>} : memref<48x256xf32, #tpu.memory_space<vmem>>, vector<1x16xf32>,
        %get3A_750 = vector.shape_cast %get3A_749 : vector<1x16xf32> to vector<16xf32>
        %mul3A_751 = vector.broadcast %squeeze3A_410 : f32 to vector<16xf32>
        %mul3A_752 = arith.mulf %mul3A_751, %get3A_750 : vector<16xf32>
        %add3A_753 = arith.addf %mul3A_746, %mul3A_752 : vector<16xf32>
        %get3A_754 = arith.index_cast %scan3A_402 : i32 to index
        %get3A_755 = arith.constant 160 : index
        %get3A_756 = tpu.vector_load %arg30[%get3A_754, %get3A_755] {strides = array<i32>} : memref<48x256xf32, #tpu.memory_space<vmem>>, vector<1x16xf32>,
        %get3A_757 = vector.shape_cast %get3A_756 : vector<1x16xf32> to vector<16xf32>
        %mul3A_758 = vector.broadcast %squeeze3A_415 : f32 to vector<16xf32>
        %mul3A_759 = arith.mulf %mul3A_758, %get3A_757 : vector<16xf32>
        %add3A_760 = arith.addf %add3A_753, %mul3A_759 : vector<16xf32>
        %get3A_761 = arith.index_cast %scan3A_402 : i32 to index
        %get3A_762 = arith.constant 160 : index
        %get3A_763 = tpu.vector_load %arg31[%get3A_761, %get3A_762] {strides = array<i32>} : memref<48x256xf32, #tpu.memory_space<vmem>>, vector<1x16xf32>,
        %get3A_764 = vector.shape_cast %get3A_763 : vector<1x16xf32> to vector<16xf32>
        %mul3A_765 = vector.broadcast %squeeze3A_420 : f32 to vector<16xf32>
        %mul3A_766 = arith.mulf %mul3A_765, %get3A_764 : vector<16xf32>
        %add3A_767 = arith.addf %add3A_760, %mul3A_766 : vector<16xf32>
        %swap3A_768 = arith.index_cast %scan3A_402 : i32 to index
        %swap3A_769 = arith.constant 160 : index
        %swap3A_770 = tpu.vector_load %arg28[%swap3A_768, %swap3A_769] {strides = array<i32>} : memref<48x256xf32, #tpu.memory_space<vmem>>, vector<1x16xf32>,
        %swap3A_771 = vector.shape_cast %swap3A_770 : vector<1x16xf32> to vector<16xf32>
        %swap3A_772 = vector.shape_cast %add3A_767 : vector<16xf32> to vector<1x16xf32>
        tpu.vector_store %arg28[%swap3A_768, %swap3A_769], %swap3A_772 {strides = array<i32>} : memref<48x256xf32, #tpu.memory_space<vmem>>, vector<1x16xf32>,
        %get3A_773 = arith.index_cast %scan3A_402 : i32 to index
        %get3A_774 = arith.constant 176 : index
        %get3A_775 = tpu.vector_load %arg28[%get3A_773, %get3A_774] {strides = array<i32>} : memref<48x256xf32, #tpu.memory_space<vmem>>, vector<1x16xf32>,
        %get3A_776 = vector.shape_cast %get3A_775 : vector<1x16xf32> to vector<16xf32>
        %mul3A_777 = vector.broadcast %squeeze3A : f32 to vector<16xf32>
        %mul3A_778 = arith.mulf %mul3A_777, %get3A_776 : vector<16xf32>
        %get3A_779 = arith.index_cast %scan3A_402 : i32 to index
        %get3A_780 = arith.constant 176 : index
        %get3A_781 = tpu.vector_load %arg29[%get3A_779, %get3A_780] {strides = array<i32>} : memref<48x256xf32, #tpu.memory_space<vmem>>, vector<1x16xf32>,
        %get3A_782 = vector.shape_cast %get3A_781 : vector<1x16xf32> to vector<16xf32>
        %mul3A_783 = vector.broadcast %squeeze3A_410 : f32 to vector<16xf32>
        %mul3A_784 = arith.mulf %mul3A_783, %get3A_782 : vector<16xf32>
        %add3A_785 = arith.addf %mul3A_778, %mul3A_784 : vector<16xf32>
        %get3A_786 = arith.index_cast %scan3A_402 : i32 to index
        %get3A_787 = arith.constant 176 : index
        %get3A_788 = tpu.vector_load %arg30[%get3A_786, %get3A_787] {strides = array<i32>} : memref<48x256xf32, #tpu.memory_space<vmem>>, vector<1x16xf32>,
        %get3A_789 = vector.shape_cast %get3A_788 : vector<1x16xf32> to vector<16xf32>
        %mul3A_790 = vector.broadcast %squeeze3A_415 : f32 to vector<16xf32>
        %mul3A_791 = arith.mulf %mul3A_790, %get3A_789 : vector<16xf32>
        %add3A_792 = arith.addf %add3A_785, %mul3A_791 : vector<16xf32>
        %get3A_793 = arith.index_cast %scan3A_402 : i32 to index
        %get3A_794 = arith.constant 176 : index
        %get3A_795 = tpu.vector_load %arg31[%get3A_793, %get3A_794] {strides = array<i32>} : memref<48x256xf32, #tpu.memory_space<vmem>>, vector<1x16xf32>,
        %get3A_796 = vector.shape_cast %get3A_795 : vector<1x16xf32> to vector<16xf32>
        %mul3A_797 = vector.broadcast %squeeze3A_420 : f32 to vector<16xf32>
        %mul3A_798 = arith.mulf %mul3A_797, %get3A_796 : vector<16xf32>
        %add3A_799 = arith.addf %add3A_792, %mul3A_798 : vector<16xf32>
        %swap3A_800 = arith.index_cast %scan3A_402 : i32 to index
        %swap3A_801 = arith.constant 176 : index
        %swap3A_802 = tpu.vector_load %arg28[%swap3A_800, %swap3A_801] {strides = array<i32>} : memref<48x256xf32, #tpu.memory_space<vmem>>, vector<1x16xf32>,
        %swap3A_803 = vector.shape_cast %swap3A_802 : vector<1x16xf32> to vector<16xf32>
        %swap3A_804 = vector.shape_cast %add3A_799 : vector<16xf32> to vector<1x16xf32>
        tpu.vector_store %arg28[%swap3A_800, %swap3A_801], %swap3A_804 {strides = array<i32>} : memref<48x256xf32, #tpu.memory_space<vmem>>, vector<1x16xf32>,
        %get3A_805 = arith.index_cast %scan3A_402 : i32 to index
        %get3A_806 = arith.constant 192 : index
        %get3A_807 = tpu.vector_load %arg28[%get3A_805, %get3A_806] {strides = array<i32>} : memref<48x256xf32, #tpu.memory_space<vmem>>, vector<1x16xf32>,
        %get3A_808 = vector.shape_cast %get3A_807 : vector<1x16xf32> to vector<16xf32>
        %mul3A_809 = vector.broadcast %squeeze3A : f32 to vector<16xf32>
        %mul3A_810 = arith.mulf %mul3A_809, %get3A_808 : vector<16xf32>
        %get3A_811 = arith.index_cast %scan3A_402 : i32 to index
        %get3A_812 = arith.constant 192 : index
        %get3A_813 = tpu.vector_load %arg29[%get3A_811, %get3A_812] {strides = array<i32>} : memref<48x256xf32, #tpu.memory_space<vmem>>, vector<1x16xf32>,
        %get3A_814 = vector.shape_cast %get3A_813 : vector<1x16xf32> to vector<16xf32>
        %mul3A_815 = vector.broadcast %squeeze3A_410 : f32 to vector<16xf32>
        %mul3A_816 = arith.mulf %mul3A_815, %get3A_814 : vector<16xf32>
        %add3A_817 = arith.addf %mul3A_810, %mul3A_816 : vector<16xf32>
        %get3A_818 = arith.index_cast %scan3A_402 : i32 to index
        %get3A_819 = arith.constant 192 : index
        %get3A_820 = tpu.vector_load %arg30[%get3A_818, %get3A_819] {strides = array<i32>} : memref<48x256xf32, #tpu.memory_space<vmem>>, vector<1x16xf32>,
        %get3A_821 = vector.shape_cast %get3A_820 : vector<1x16xf32> to vector<16xf32>
        %mul3A_822 = vector.broadcast %squeeze3A_415 : f32 to vector<16xf32>
        %mul3A_823 = arith.mulf %mul3A_822, %get3A_821 : vector<16xf32>
        %add3A_824 = arith.addf %add3A_817, %mul3A_823 : vector<16xf32>
        %get3A_825 = arith.index_cast %scan3A_402 : i32 to index
        %get3A_826 = arith.constant 192 : index
        %get3A_827 = tpu.vector_load %arg31[%get3A_825, %get3A_826] {strides = array<i32>} : memref<48x256xf32, #tpu.memory_space<vmem>>, vector<1x16xf32>,
        %get3A_828 = vector.shape_cast %get3A_827 : vector<1x16xf32> to vector<16xf32>
        %mul3A_829 = vector.broadcast %squeeze3A_420 : f32 to vector<16xf32>
        %mul3A_830 = arith.mulf %mul3A_829, %get3A_828 : vector<16xf32>
        %add3A_831 = arith.addf %add3A_824, %mul3A_830 : vector<16xf32>
        %swap3A_832 = arith.index_cast %scan3A_402 : i32 to index
        %swap3A_833 = arith.constant 192 : index
        %swap3A_834 = tpu.vector_load %arg28[%swap3A_832, %swap3A_833] {strides = array<i32>} : memref<48x256xf32, #tpu.memory_space<vmem>>, vector<1x16xf32>,
        %swap3A_835 = vector.shape_cast %swap3A_834 : vector<1x16xf32> to vector<16xf32>
        %swap3A_836 = vector.shape_cast %add3A_831 : vector<16xf32> to vector<1x16xf32>
        tpu.vector_store %arg28[%swap3A_832, %swap3A_833], %swap3A_836 {strides = array<i32>} : memref<48x256xf32, #tpu.memory_space<vmem>>, vector<1x16xf32>,
        %get3A_837 = arith.index_cast %scan3A_402 : i32 to index
        %get3A_838 = arith.constant 208 : index
        %get3A_839 = tpu.vector_load %arg28[%get3A_837, %get3A_838] {strides = array<i32>} : memref<48x256xf32, #tpu.memory_space<vmem>>, vector<1x16xf32>,
        %get3A_840 = vector.shape_cast %get3A_839 : vector<1x16xf32> to vector<16xf32>
        %mul3A_841 = vector.broadcast %squeeze3A : f32 to vector<16xf32>
        %mul3A_842 = arith.mulf %mul3A_841, %get3A_840 : vector<16xf32>
        %get3A_843 = arith.index_cast %scan3A_402 : i32 to index
        %get3A_844 = arith.constant 208 : index
        %get3A_845 = tpu.vector_load %arg29[%get3A_843, %get3A_844] {strides = array<i32>} : memref<48x256xf32, #tpu.memory_space<vmem>>, vector<1x16xf32>,
        %get3A_846 = vector.shape_cast %get3A_845 : vector<1x16xf32> to vector<16xf32>
        %mul3A_847 = vector.broadcast %squeeze3A_410 : f32 to vector<16xf32>
        %mul3A_848 = arith.mulf %mul3A_847, %get3A_846 : vector<16xf32>
        %add3A_849 = arith.addf %mul3A_842, %mul3A_848 : vector<16xf32>
        %get3A_850 = arith.index_cast %scan3A_402 : i32 to index
        %get3A_851 = arith.constant 208 : index
        %get3A_852 = tpu.vector_load %arg30[%get3A_850, %get3A_851] {strides = array<i32>} : memref<48x256xf32, #tpu.memory_space<vmem>>, vector<1x16xf32>,
        %get3A_853 = vector.shape_cast %get3A_852 : vector<1x16xf32> to vector<16xf32>
        %mul3A_854 = vector.broadcast %squeeze3A_415 : f32 to vector<16xf32>
        %mul3A_855 = arith.mulf %mul3A_854, %get3A_853 : vector<16xf32>
        %add3A_856 = arith.addf %add3A_849, %mul3A_855 : vector<16xf32>
        %get3A_857 = arith.index_cast %scan3A_402 : i32 to index
        %get3A_858 = arith.constant 208 : index
        %get3A_859 = tpu.vector_load %arg31[%get3A_857, %get3A_858] {strides = array<i32>} : memref<48x256xf32, #tpu.memory_space<vmem>>, vector<1x16xf32>,
        %get3A_860 = vector.shape_cast %get3A_859 : vector<1x16xf32> to vector<16xf32>
        %mul3A_861 = vector.broadcast %squeeze3A_420 : f32 to vector<16xf32>
        %mul3A_862 = arith.mulf %mul3A_861, %get3A_860 : vector<16xf32>
        %add3A_863 = arith.addf %add3A_856, %mul3A_862 : vector<16xf32>
        %swap3A_864 = arith.index_cast %scan3A_402 : i32 to index
        %swap3A_865 = arith.constant 208 : index
        %swap3A_866 = tpu.vector_load %arg28[%swap3A_864, %swap3A_865] {strides = array<i32>} : memref<48x256xf32, #tpu.memory_space<vmem>>, vector<1x16xf32>,
        %swap3A_867 = vector.shape_cast %swap3A_866 : vector<1x16xf32> to vector<16xf32>
        %swap3A_868 = vector.shape_cast %add3A_863 : vector<16xf32> to vector<1x16xf32>
        tpu.vector_store %arg28[%swap3A_864, %swap3A_865], %swap3A_868 {strides = array<i32>} : memref<48x256xf32, #tpu.memory_space<vmem>>, vector<1x16xf32>,
        %get3A_869 = arith.index_cast %scan3A_402 : i32 to index
        %get3A_870 = arith.constant 224 : index
        %get3A_871 = tpu.vector_load %arg28[%get3A_869, %get3A_870] {strides = array<i32>} : memref<48x256xf32, #tpu.memory_space<vmem>>, vector<1x16xf32>,
        %get3A_872 = vector.shape_cast %get3A_871 : vector<1x16xf32> to vector<16xf32>
        %mul3A_873 = vector.broadcast %squeeze3A : f32 to vector<16xf32>
        %mul3A_874 = arith.mulf %mul3A_873, %get3A_872 : vector<16xf32>
        %get3A_875 = arith.index_cast %scan3A_402 : i32 to index
        %get3A_876 = arith.constant 224 : index
        %get3A_877 = tpu.vector_load %arg29[%get3A_875, %get3A_876] {strides = array<i32>} : memref<48x256xf32, #tpu.memory_space<vmem>>, vector<1x16xf32>,
        %get3A_878 = vector.shape_cast %get3A_877 : vector<1x16xf32> to vector<16xf32>
        %mul3A_879 = vector.broadcast %squeeze3A_410 : f32 to vector<16xf32>
        %mul3A_880 = arith.mulf %mul3A_879, %get3A_878 : vector<16xf32>
        %add3A_881 = arith.addf %mul3A_874, %mul3A_880 : vector<16xf32>
        %get3A_882 = arith.index_cast %scan3A_402 : i32 to index
        %get3A_883 = arith.constant 224 : index
        %get3A_884 = tpu.vector_load %arg30[%get3A_882, %get3A_883] {strides = array<i32>} : memref<48x256xf32, #tpu.memory_space<vmem>>, vector<1x16xf32>,
        %get3A_885 = vector.shape_cast %get3A_884 : vector<1x16xf32> to vector<16xf32>
        %mul3A_886 = vector.broadcast %squeeze3A_415 : f32 to vector<16xf32>
        %mul3A_887 = arith.mulf %mul3A_886, %get3A_885 : vector<16xf32>
        %add3A_888 = arith.addf %add3A_881, %mul3A_887 : vector<16xf32>
        %get3A_889 = arith.index_cast %scan3A_402 : i32 to index
        %get3A_890 = arith.constant 224 : index
        %get3A_891 = tpu.vector_load %arg31[%get3A_889, %get3A_890] {strides = array<i32>} : memref<48x256xf32, #tpu.memory_space<vmem>>, vector<1x16xf32>,
        %get3A_892 = vector.shape_cast %get3A_891 : vector<1x16xf32> to vector<16xf32>
        %mul3A_893 = vector.broadcast %squeeze3A_420 : f32 to vector<16xf32>
        %mul3A_894 = arith.mulf %mul3A_893, %get3A_892 : vector<16xf32>
        %add3A_895 = arith.addf %add3A_888, %mul3A_894 : vector<16xf32>
        %swap3A_896 = arith.index_cast %scan3A_402 : i32 to index
        %swap3A_897 = arith.constant 224 : index
        %swap3A_898 = tpu.vector_load %arg28[%swap3A_896, %swap3A_897] {strides = array<i32>} : memref<48x256xf32, #tpu.memory_space<vmem>>, vector<1x16xf32>,
        %swap3A_899 = vector.shape_cast %swap3A_898 : vector<1x16xf32> to vector<16xf32>
        %swap3A_900 = vector.shape_cast %add3A_895 : vector<16xf32> to vector<1x16xf32>
        tpu.vector_store %arg28[%swap3A_896, %swap3A_897], %swap3A_900 {strides = array<i32>} : memref<48x256xf32, #tpu.memory_space<vmem>>, vector<1x16xf32>,
        %get3A_901 = arith.index_cast %scan3A_402 : i32 to index
        %get3A_902 = arith.constant 240 : index
        %get3A_903 = tpu.vector_load %arg28[%get3A_901, %get3A_902] {strides = array<i32>} : memref<48x256xf32, #tpu.memory_space<vmem>>, vector<1x16xf32>,
        %get3A_904 = vector.shape_cast %get3A_903 : vector<1x16xf32> to vector<16xf32>
        %mul3A_905 = vector.broadcast %squeeze3A : f32 to vector<16xf32>
        %mul3A_906 = arith.mulf %mul3A_905, %get3A_904 : vector<16xf32>
        %get3A_907 = arith.index_cast %scan3A_402 : i32 to index
        %get3A_908 = arith.constant 240 : index
        %get3A_909 = tpu.vector_load %arg29[%get3A_907, %get3A_908] {strides = array<i32>} : memref<48x256xf32, #tpu.memory_space<vmem>>, vector<1x16xf32>,
        %get3A_910 = vector.shape_cast %get3A_909 : vector<1x16xf32> to vector<16xf32>
        %mul3A_911 = vector.broadcast %squeeze3A_410 : f32 to vector<16xf32>
        %mul3A_912 = arith.mulf %mul3A_911, %get3A_910 : vector<16xf32>
        %add3A_913 = arith.addf %mul3A_906, %mul3A_912 : vector<16xf32>
        %get3A_914 = arith.index_cast %scan3A_402 : i32 to index
        %get3A_915 = arith.constant 240 : index
        %get3A_916 = tpu.vector_load %arg30[%get3A_914, %get3A_915] {strides = array<i32>} : memref<48x256xf32, #tpu.memory_space<vmem>>, vector<1x16xf32>,
        %get3A_917 = vector.shape_cast %get3A_916 : vector<1x16xf32> to vector<16xf32>
        %mul3A_918 = vector.broadcast %squeeze3A_415 : f32 to vector<16xf32>
        %mul3A_919 = arith.mulf %mul3A_918, %get3A_917 : vector<16xf32>
        %add3A_920 = arith.addf %add3A_913, %mul3A_919 : vector<16xf32>
        %get3A_921 = arith.index_cast %scan3A_402 : i32 to index
        %get3A_922 = arith.constant 240 : index
        %get3A_923 = tpu.vector_load %arg31[%get3A_921, %get3A_922] {strides = array<i32>} : memref<48x256xf32, #tpu.memory_space<vmem>>, vector<1x16xf32>,
        %get3A_924 = vector.shape_cast %get3A_923 : vector<1x16xf32> to vector<16xf32>
        %mul3A_925 = vector.broadcast %squeeze3A_420 : f32 to vector<16xf32>
        %mul3A_926 = arith.mulf %mul3A_925, %get3A_924 : vector<16xf32>
        %add3A_927 = arith.addf %add3A_920, %mul3A_926 : vector<16xf32>
        %swap3A_928 = arith.index_cast %scan3A_402 : i32 to index
        %swap3A_929 = arith.constant 240 : index
        %swap3A_930 = tpu.vector_load %arg28[%swap3A_928, %swap3A_929] {strides = array<i32>} : memref<48x256xf32, #tpu.memory_space<vmem>>, vector<1x16xf32>,
        %swap3A_931 = vector.shape_cast %swap3A_930 : vector<1x16xf32> to vector<16xf32>
        %swap3A_932 = vector.shape_cast %add3A_927 : vector<16xf32> to vector<1x16xf32>
        tpu.vector_store %arg28[%swap3A_928, %swap3A_929], %swap3A_932 {strides = array<i32>} : memref<48x256xf32, #tpu.memory_space<vmem>>, vector<1x16xf32>,
      }
      %scan3A_394 = arith.constant 48 : i32
      %mul3A_395 = arith.constant 48 : i32
      %mul3A_396 = arith.muli %add3A_369, %mul3A_395 : i32
      %add3A_397 = arith.addi %mul3A_2, %mul3A_396 : i32
      %dma_start3A_398 = arith.constant 0 : i32
      %dma_start3A_399 = tpu.memref_slice %arg5[%add3A_397, %dma_start3A_398] : memref<153600x256xf32, #tpu.memory_space<hbm>> -> memref<48x256xf32, #tpu.memory_space<hbm>>
      %dma_start3A_400 = arith.constant 0 : i32
      %dma_start3A_401 = tpu.memref_slice %arg5[%add3A_397, %dma_start3A_400] : memref<153600x256xf32, #tpu.memory_space<hbm>> -> memref<48x256xf32, #tpu.memory_space<hbm>>
      tpu.enqueue_dma source(%arg28 : memref<48x256xf32, #tpu.memory_space<vmem>>) target(%dma_start3A_401 : memref<48x256xf32, #tpu.memory_space<hbm>>) target_semaphore(%arg35 : memref<!tpu.dma_semaphore, #tpu.memory_space<semaphore_mem>>)
    }
    %scan3A_319 = arith.constant 50 : i32
    %add3A_320 = arith.constant 4704 : i32
    %add3A_321 = arith.addi %mul3A_2, %add3A_320 : i32
    %dma_wait3A = arith.constant 0 : i32
    %dma_wait3A_322 = tpu.memref_slice %arg5[%add3A_321, %dma_wait3A] : memref<153600x256xf32, #tpu.memory_space<hbm>> -> memref<48x256xf32, #tpu.memory_space<hbm>>
    %dma_wait3A_323 = arith.constant 0 : i32
    %dma_wait3A_324 = tpu.memref_slice %arg5[%add3A_321, %dma_wait3A_323] : memref<153600x256xf32, #tpu.memory_space<hbm>> -> memref<48x256xf32, #tpu.memory_space<hbm>>
    tpu.wait_dma2 semaphore(%arg34 : memref<!tpu.dma_semaphore, #tpu.memory_space<semaphore_mem>>) src(%arg24 : memref<48x256xf32, #tpu.memory_space<vmem>>) dst(%dma_wait3A_324 : memref<48x256xf32, #tpu.memory_space<hbm>>)
    %add3A_325 = arith.constant 4752 : i32
    %add3A_326 = arith.addi %mul3A_2, %add3A_325 : i32
    %dma_wait3A_327 = arith.constant 0 : i32
    %dma_wait3A_328 = tpu.memref_slice %arg5[%add3A_326, %dma_wait3A_327] : memref<153600x256xf32, #tpu.memory_space<hbm>> -> memref<48x256xf32, #tpu.memory_space<hbm>>
    %dma_wait3A_329 = arith.constant 0 : i32
    %dma_wait3A_330 = tpu.memref_slice %arg5[%add3A_326, %dma_wait3A_329] : memref<153600x256xf32, #tpu.memory_space<hbm>> -> memref<48x256xf32, #tpu.memory_space<hbm>>
    tpu.wait_dma2 semaphore(%arg35 : memref<!tpu.dma_semaphore, #tpu.memory_space<semaphore_mem>>) src(%arg28 : memref<48x256xf32, #tpu.memory_space<vmem>>) dst(%dma_wait3A_330 : memref<48x256xf32, #tpu.memory_space<hbm>>)
    return
  }
}

</mosaic_0001>

<sc_bundles>
// kernel: kernel.3.cloned.1.call-start
scs
__scs_entry_jumppad:
0x0: {  	(pc) =	sbr.rel $0x88, $3  }
0x1: {  	(tag) =	ssettag $0x0;
	lr =	simm.s32 $0x1  }
0x2: {  	[smem:$0x3F9F] =	sst lr;
	_ =	strace $0xD0000000  }
0x3: {  	_ = 	snop  }
0x4: {  	_ = 	snop  }
0x5: {  	_ = 	snop  }
0x6: {  	_ = 	snop  }
0x7: {  	_ = 	snop  }
__scs_overlays_trampoline_lowered:
0x8: {  	[smem:$0x3FAE] =	sst s0  }
0x9: {  	[smem:$0x3FAF] =	sst s1  }
0xa: {  	[smem:$0x3FB0] =	sst s2  }
0xb: {  	[smem:$0x3FB1] =	sst s3  }
0xc: {  	[smem:$0x3FB2] =	sst s4  }
0xd: {  	[smem:$0x3FB3] =	sst s5  }
0xe: {  	[smem:$0x3FB4] =	sst s6  }
0xf: {  	[smem:$0x3FB5] =	sst s7  }
0x10: {  	[smem:$0x3FB6] =	sst s8  }
0x11: {  	[smem:$0x3FB7] =	sst s9;
	s0 =	simm.s32 @!p0 $0x0  }
0x12: {  	s1 =	sld [smem:$0x3F9D];
	s0 =	simm.s32 @p0 $0x1  }
0x13: {  	[smem:$0x3FB8] =	sst s0;
	s0 =	simm.s32 @!p1 $0x0  }
0x14: {  	s2 =	sld [smem:$0x3F9C];
	s0 =	simm.s32 @p1 $0x1  }
0x15: {  	[smem:$0x3FB9] =	sst s0;
	s0 =	simm.s32 @!p2 $0x0  }
0x16: {  	s3 =	sld [smem:$0x3FDB];
	s0 =	simm.s32 @p2 $0x1  }
0x17: {  	s4 =	simm.s32 $0x1BF5;
	[smem:$0x3FBB] =	sst s0  }
0x18: {  	s0 =	sld [smem:$0x3F9E];
	_ =	swait.ge [sflag:s4], $0x0  }
0x19: {  	s7 =	sld [smem:$0x3F9F]  }
0x1a: {  	s8 =	sadd.s32 $0xFFFFE003, lr  }
0x1b: {  	s9 =	sadd.s32 $0xFFFFFEF7, lr;
	s5 =	simm.s32 $0xFFFFFFFF;
	p2 =	slt.u32 s8, $0xFFFFF086  }
0x1c: {  	p1 =	slt.u32 s9, $0xF7A;
	s5 =	simm.s32 @!p2 $0x0  }
0x1d: {  	s5 =	simm.s32 @p1 $0x1;
	p0 =	seq.s32 s7, s2  }
0x1e: {  	s7 =	smul.u32 @!p0 $0xF7A, s2;
	p2 =	seq.s32 @!p0 s5, $0x0  }
0x1f: {  	s9 =	smul.u32 $0xF7A, s1;
	s8 =	simm.s32 @!p0 $0x1BF5;
	p2 =	por !p2, p0  }
0x20: {  	[sflag:s8] =	ssyncset.s32 @!p0 $0xFFFFF086;
	s6 =	sadd.s32 @!p0 s3, s7;
	s7 =	simm.s32 @!p0 $0x108  }
0x21: {  	s3 =	sadd.s32 s3, s9;
	s6 =	sadd.s32 @!p0 $0x88, s6;
	s7 =	simm.s32 @p2 $0x1082  }
0x22: {  	[simem:s7], [sflag:s8] =	dma.local @!p0 [hbm:s6], $0xF7A  }
0x23: {  	s9 =	sor.u32 $0xD0000000, s2;
	s6 =	simm.s32 $0x108;
	_ =	swait.ge @!p0 [sflag:s8], $0x0  }
0x24: {  	s3 =	sadd.s32 $0x88, s3;
	s6 =	simm.s32 @!p1 $0x1082;
	[sflag:s4] =	ssyncset.s32 $0xFFFFF086  }
0x25: {  	[simem:s6], [sflag:s4] =	dma.local [hbm:s3], $0xF7A  }
0x26: {  	[smem:$0x3F9F] =	sst s1;
	(tag) =	ssettag s2;
	_ =	strace s9  }
0x27: {  	s1 =	sld [smem:$0x3FAF]  }
0x28: {  	s2 =	sld [smem:$0x3FB0]  }
0x29: {  	s4 =	sld [smem:$0x3FB2]  }
0x2a: {  	p0 =	seq.s32 s5, $0x0;
	s5 =	sld [smem:$0x3FB3]  }
0x2b: {  	s6 =	sld [smem:$0x3FB4]  }
0x2c: {  	s7 =	sld [smem:$0x3FB5]  }
0x2d: {  	s3 =	simm.s32 $0x108;
	s8 =	sld [smem:$0x3FB6]  }
0x2e: {  	s3 =	simm.s32 @!p0 $0x1082;
	s9 =	sld [smem:$0x3FB7]  }
0x2f: {  	lr =	sadd.s32 s0, s3;
	s0 =	sld [smem:$0x3FAE]  }
0x30: {  	s3 =	sld [smem:$0x3FB1]  }
0x31: {  	[smem:$0x3FBA] =	sst s10  }
0x32: {  	s10 =	sld [smem:$0x3FB8];
	_ =	sdelay $0x3  }
0x33: {  	p0 =	seq.s32 s10, $0x1;
	s10 =	sld [smem:$0x3FBA];
	_ =	sdelay $0x3  }
0x34: {  	[smem:$0x3FBA] =	sst s10  }
0x35: {  	s10 =	sld [smem:$0x3FB9];
	_ =	sdelay $0x3  }
0x36: {  	p1 =	seq.s32 s10, $0x1;
	s10 =	sld [smem:$0x3FBA];
	_ =	sdelay $0x3  }
0x37: {  	[smem:$0x3FBA] =	sst s10  }
0x38: {  	s10 =	sld [smem:$0x3FBB]  }
0x39: {  	_ = 	snop;
	(pc) =	sbr.ind lr, $3  }
0x3a: {  	_ = 	snop  }
0x3b: {  	_ = 	snop  }
0x3c: {  	p2 =	seq.s32 s10, $0x1;
	s10 =	sld [smem:$0x3FBA]  }
0x3d: {  	_ =	shalt  }
0x3e: {  	_ =	shalt  }
0x3f: {  	_ =	shalt  }
0x40: {  	_ =	shalt  }
0x41: {  	_ =	shalt  }
0x42: {  	_ =	shalt  }
0x43: {  	_ =	shalt  }
0x44: {  	_ =	shalt  }
0x45: {  	_ =	shalt  }
0x46: {  	_ =	shalt  }
0x47: {  	_ =	shalt  }
0x48: {  	_ =	shalt  }
0x49: {  	_ =	shalt  }
0x4a: {  	_ =	shalt  }
0x4b: {  	_ =	shalt  }
0x4c: {  	_ =	shalt  }
0x4d: {  	_ =	shalt  }
0x4e: {  	_ =	shalt  }
0x4f: {  	_ =	shalt  }
0x50: {  	_ =	shalt  }
0x51: {  	_ =	shalt  }
0x52: {  	_ =	shalt  }
0x53: {  	_ =	shalt  }
0x54: {  	_ =	shalt  }
0x55: {  	_ =	shalt  }
0x56: {  	_ =	shalt  }
0x57: {  	_ =	shalt  }
0x58: {  	_ =	shalt  }
0x59: {  	_ =	shalt  }
0x5a: {  	_ =	shalt  }
0x5b: {  	_ =	shalt  }
0x5c: {  	_ =	shalt  }
0x5d: {  	_ =	shalt  }
0x5e: {  	_ =	shalt  }
0x5f: {  	_ =	shalt  }
0x60: {  	_ =	shalt  }
0x61: {  	_ =	shalt  }
0x62: {  	_ =	shalt  }
0x63: {  	_ =	shalt  }
0x64: {  	_ =	shalt  }
0x65: {  	_ =	shalt  }
0x66: {  	_ =	shalt  }
0x67: {  	_ =	shalt  }
0x68: {  	_ =	shalt  }
0x69: {  	_ =	shalt  }
0x6a: {  	_ =	shalt  }
0x6b: {  	_ =	shalt  }
0x6c: {  	_ =	shalt  }
0x6d: {  	_ =	shalt  }
0x6e: {  	_ =	shalt  }
0x6f: {  	_ =	shalt  }
0x70: {  	_ =	shalt  }
0x71: {  	_ =	shalt  }
0x72: {  	_ =	shalt  }
0x73: {  	_ =	shalt  }
0x74: {  	_ =	shalt  }
0x75: {  	_ =	shalt  }
0x76: {  	_ =	shalt  }
0x77: {  	_ =	shalt  }
0x78: {  	_ =	shalt  }
0x79: {  	_ =	shalt  }
0x7a: {  	_ =	shalt  }
0x7b: {  	_ =	shalt  }
0x7c: {  	_ =	shalt  }
0x7d: {  	_ =	shalt  }
0x7e: {  	_ =	shalt  }
0x7f: {  	_ =	shalt  }
0x80: {  	_ =	shalt  }
0x81: {  	_ =	shalt  }
0x82: {  	_ =	shalt  }
0x83: {  	_ =	shalt  }
0x84: {  	_ =	shalt  }
0x85: {  	_ =	shalt  }
0x86: {  	_ =	shalt  }
0x87: {  	_ =	shalt  }
.Lfunc_end0:
.L_simem_size_0:
called_computation_lowered:
.L_overlay_start_0:
0x88: {  	s2 =	sld [smem:$0x3FD9]  }
0x89: {  	s3 =	sld [smem:$0x3FFE];
	_ =	sdelay $0x1  }
0x8a: {  	s1 =	srdreg.scid  }
0x8b: {  	s0 =	sand.u32 $0x1, s1  }
0x8c: {  	s17 =	sshll.u32 s0, $0xA;
	s2 =	sadd.s32 s3, s2  }
0x8d: {  	s2 =	sadd.s32 s2, s17  }
0x8e: {  	[smem:$0x3FC6] =	sst s2  }
0x8f: {  	_ = 	snop  }
0x90: {  	s2 =	sld [smem:$0x3FC9]  }
0x91: {  	s18 =	sld [smem:$0x3FD0];
	(tm) =	ssettm $0x1  }
0x92: {  	s4 =	sld [smem:$0x3FFB];
	_ =	sdelay $0x3  }
0x93: {  	_ =	strace s4  }
0x94: {  	s4 =	sld [smem:$0x3FFC];
	_ =	sdelay $0x3  }
0x95: {  	_ =	strace s4  }
0x96: {  	s4 =	sld [smem:$0x3FFD];
	_ =	sdelay $0x3  }
0x97: {  	_ =	strace s4  }
0x98: {  	_ =	strace $0x8FFFFFFF  }
0x99: {  	s19 =	sld [smem:$0x3FDB];
	_ =	sdelay $0x1  }
0x9a: {  	s5 =	simm.s32 $_scs_section_size  }
0x9b: {  	s6 =	simm.s32 $_size__tile_overlayer_lowered;
	s7 =	simm.s32 $_tile_overlayer_lowered  }
0x9c: {  	s22 =	simm.s32 $0x1BFF;
	s21 =	sshll.u32 s7, $0x1;
	s4 =	sadd.s32 s5, s19  }
0x9d: {  	s8 =	simm.s32 $0x0;
	s20 =	sshll.u32 s6, $0x1;
	s6 =	sadd.s32 s21, s4  }
0x9e: {  	[timem:s8], [sflag:s22] =	dma.local [hbm:s6], s20  }
0x9f: {  	_ =	swait.ge [sflag:s22], s20  }
0xa0: {  	s5 =	ssub.s32 $0x0, s20;
	[sflag:s22] =	ssyncset.done $0x0  }
0xa1: {  	[sflag:s22] =	ssyncadd.s32 s5;
	_ =	sdelay $0x1  }
0xa2: {  	s23 =	simm.s32 $0x1B8B  }
0xa3: {  	_ =	swait.ge [sflag:s23], $0x1  }
0xa4: {  	[sflag:s23] =	ssyncset.done $0x0  }
0xa5: {  	s25 =	simm.s32 $0x1B8E;
	s24 =	sld [smem:$0x3FFE];
	[sflag:s23] =	ssyncadd.s32 $0xFFFFFFFF  }
0xa6: {  	s26 =	simm.s32 $execute0_lowered;
	[smem:$0x3FD2] =	sst s25  }
0xa7: {  	s6 =	sshll.u32 s26, $0x1;
	_ =	strace $0x80000046;
	[dreg:$0x1] =	wrdreg $0xFFFFFFFF  }
0xa8: {  	s28 =	simm.s32 $_size_execute0_lowered;
	s4 =	sadd.s32 s4, s6;
	[dreg:$0x0] =	wrdreg $0x0  }
0xa9: {  	s6 =	sshll.u32 s28, $0x1;
	[dreg:$0x2] =	wrdreg s4  }
0xaa: {  	[dreg:$0x3] =	wrdreg s6  }
0xab: {  	[dreg:$0x4] =	wrdreg $0xC0  }
0xac: {  	_ =	task [dreg:s8], $0x5FFFF  }
0xad: {  	[dreg:$0x1] =	wrdreg $0xFFFFFFFF  }
0xae: {  	[dreg:$0x0] =	wrdreg $0x60  }
0xaf: {  	[dreg:$0x2] =	wrdreg s2  }
0xb0: {  	[dreg:$0x3] =	wrdreg s24  }
0xb1: {  	[dreg:$0x4] =	wrdreg s18  }
0xb2: {  	[dreg:$0x5] =	wrdreg $0x9  }
0xb3: {  	_ =	task.clear_ibuf [dreg:s8], $0x6FFFF;
	_ =	strace $0x90000046  }
0xb4: {  	s29 =	simm.s32 $0x9;
	_ =	strace $0x80000048  }
0xb5: {  	_ =	swait.ge [sflag:s29], $0x1  }
0xb6: {  	[sflag:s29] =	ssyncadd.s32 $0xFFFFFFFF  }
0xb7: {  	_ =	strace $0x90000048  }
0xb8: {  	_ =	sfence  }
0xb9: {  	s30 =	sld [smem:$0x0];
	_ =	sdelay $0x2  }
0xba: {  	s31 =	sshll.u32 s1, $0xD;
	s1 =	sshrl.u32 s1, $0x2  }
0xbb: {  	s3 =	sand.u32 $0x4000, s31;
	s1 =	sadd.s32 s1, s30  }
0xbc: {  	s0 =	sor.u32 s3, s0;
	s1 =	sshll.u32 s1, $0x11  }
0xbd: {  	s0 =	sor.u32 s1, s0  }
0xbe: {  	s0 =	sadd.s32 $0x8F2B, s0  }
0xbf: {  	[sflag:s0] =	ssyncadd.remote.s32 $0x1  }
0xc0: {  	_ =	sfence.sel $0xFFFF  }
0xc1: {  	[dreg:$0x0] =	wrdreg $0xFFFFFFFF;
	(pc) =	sbr.abs _section_cstart, $3  }
0xc2: {  	[dreg:$0x1] =	wrdreg $0xFFFFFFFF  }
0xc3: {  	_ =	task.clear_ibuf [dreg:s8], $0x2FFFF;
	_ =	strace $0x9FFFFFFF  }
0xc4: {  	(tm) =	ssettm $0x7FFFFFFF  }
0xc5: {  	_ =	shalt  }
tec
execute0_lowered:
.L_overlay_start_1:
0x0: {  	(tag) =	ssettag $0x1  }
0x1: {  	s1 =	rddreg [dreg:$0x0];
	s0 =	srdreg.scid  }
0x2: {  	s7 =	stileid.u32;
	s2 =	rddreg [dreg:$0x1]  }
0x3: {  	s3 =	rddreg [dreg:$0x2];
	s11 =	simm.s32 $0x2E00;
	s24 =	simm.s32 $0x16600  }
0x4: {  	s25 =	simm.s32 $0x16E00;
	s28 =	simm.s32 $0x17E00;
	s29 =	simm.s32 $0x18600  }
0x5: {  	s30 =	simm.s32 $0x18E00;
	s31 =	simm.s32 $0x19600;
	s10 =	simm.s32 $0x1  }
0x6: {  	s8 =	simm.s32 $0x3;
	s0 =	sand.u32 $0x1, s0;
	s4 =	sshll.u32 s7, $0x1  }
0x7: {  	s13 =	simm.s32 $0x0;
	s7 =	sshrl.u32 s7, $0x1;
	s5 =	sor.u32 s0, s4  }
0x8: {  	s4 =	simm.s32 $0x0;
	s0 =	ssub.s32 $0x2, s0;
	s5 =	smul.u32 $0x12C0, s5  }
0x9: {  	s23 =	smul.u32 $0x4B00, s7;
	s7 =	simm.s32 $0xEE00;
	s22 =	sshrl.u32 s0, $0x1  }
0xa: {  	[smem:$0x7FF] =	sst s4;
	s0 =	ssub.s32 s0, s22;
	s6 =	sshrl.u32 s5, $0x3  }
0xb: {  	_ =	strace $0x80000047;
	s0 =	smax.u32 s0, $0x1;
	s2 =	sadd.s32 s6, s2  }
0xc: {  	v3 =	vlaneseq.u32;
	[dreg:$0x6] =	wrdreg s0;
	s0 =	simm.s32 $0x1A600;
	s26 =	sadd.s32 $0x5200, s2  }
0xd: {  	vm0 =	vmmov $0xffff;
	v1 =	vand.u32 $0x7, v3;
	v2 =	vshrl.u32 v3, $0x3;
	s6 =	simm.s32 $0x2;
	s2 =	sadd.s32 $0x600, s2;
	[dreg:$0x4] =	wrdreg s26  }
0xe: {  	v3 =	vor.u32 $0x8, v3;
	v2 =	vmul.u32 $0x8, v2;
	v0 =	vmov s23;
	[dreg:$0x5] =	wrdreg s2;
	s26 =	simm.s32 $0x17600;
	s2 =	simm.s32 $0x19E00  }
.LBB2_1:
0xf: {  	[dreg:$0x7] =	wrdreg s13  }
0x10: {  	s9 =	rddreg [dreg:$0x4];
	s12 =	simm.s32 $0x5  }
0x11: {  	[tilespmem:s4], [sflag:$0x5] =	stream.linear.gather [hbm4b:s9+s4], $0x12C0, $0x38;
	[tilespmem:$0x1AE00] =	vst v63  }
0x12: {  	_ =	swait.ge [sflag:s12], $0x12C0  }
0x13: {  	[sflag:s12] =	ssyncset.done $0x0  }
0x14: {  	s23 =	simm.s32 $0x1300;
	s22 =	rddreg [dreg:$0x5];
	[sflag:s12] =	ssyncadd.s32 $0xFFFFED40  }
0x15: {  	[tilespmem:s23], [sflag:$0x5] =	stream.linear.gather [hbm4b:s22+s4], $0x12C0, $0x38;
	[tilespmem:$0x1AE00] =	vst v63  }
0x16: {  	_ =	swait.ge [sflag:s12], $0x12C0  }
0x17: {  	[sflag:s12] =	ssyncset.done $0x0  }
0x18: {  	[sflag:s12] =	ssyncadd.s32 $0xFFFFED40  }
0x19: {  	v4 =	vld [tilespmem:$0x0]  }
0x1a: {  	v5 =	vld [tilespmem:$0x1300]  }
0x1b: {  	v9 =	vld [tilespmem:$0x10]  }
0x1c: {  	v11 =	vld [tilespmem:$0x1310]  }
0x1d: {  	v19 =	vld [tilespmem:$0x20]  }
0x1e: {  	v21 =	vld [tilespmem:$0x1320];
	_ =	sdelay $0x1  }
0x1f: {  	v4 =	vmul.f32 $1.590000000e+02, v4  }
0x20: {  	v5 =	vmul.f32 $1.190000000e+02, v5;
	v9 =	vmul.f32 $1.590000000e+02, v9  }
0x21: {  	v11 =	vmul.f32 $1.190000000e+02, v11;
	v32 =	vmul.f32 $1.590000000e+02, v19  }
0x22: {  	v35 =	vmul.f32 $1.190000000e+02, v21;
	v4 =	vmax.f32 v4, $0.0e+00;
	v5 =	vmax.f32 v5, $0.0e+00  }
0x23: {  	v9 =	vmax.f32 v9, $0.0e+00;
	v11 =	vmax.f32 v11, $0.0e+00;
	v4 =	vmin.f32 v4, $1.590000000e+02  }
0x24: {  	v5 =	vmin.f32 v5, $1.190000000e+02;
	v9 =	vmin.f32 v9, $1.590000000e+02;
	v6 =	vtrunc.f32 v4  }
0x25: {  	v11 =	vmin.f32 v11, $1.190000000e+02;
	v7 =	vtrunc.f32 v5;
	v17 =	vtrunc.f32 v9  }
0x26: {  	v37 =	vmax.f32 v35, $0.0e+00;
	v24 =	vtrunc.f32 v11;
	v6 =	vcvt.f32.s32 v6  }
0x27: {  	v7 =	vcvt.f32.s32 v7;
	v63 =	vcvt.f32.s32 v17;
	v17 =	vmin.f32 v37, $1.190000000e+02  }
0x28: {  	v25 =	vcvt.f32.s32 v24;
	v41 =	vtrunc.f32 v17;
	v8 =	vadd.s32 $0x1, v6  }
0x29: {  	v10 =	vadd.s32 $0x1, v7;
	v12 =	vcvt.s32.f32 v6;
	v14 =	vcvt.s32.f32 v7  }
0x2a: {  	v7 =	vmul.u32 $0xA0, v7;
	v18 =	vadd.s32 $0x1, v63;
	v20 =	vadd.s32 $0x1, v25  }
0x2b: {  	v28 =	vcvt.s32.f32 v63;
	v42 =	vcvt.f32.s32 v41;
	vm1 =	vlt.s32 v8, $0x9F  }
0x2c: {  	v29 =	vcvt.s32.f32 v25;
	v8 =	vnsel vm1, $0x9F, v8;
	vm1 =	vlt.s32 v10, $0x77  }
0x2d: {  	v7 =	vadd.s32 v0, v7;
	v43 =	vsub.f32 v9, v28;
	v47 =	vadd.s32 $0x1, v42  }
0x2e: {  	v10 =	vnsel vm1, $0x77, v10;
	v13 =	vcvt.s32.f32 v8;
	v16 =	vadd.s32 v6, v7  }
0x2f: {  	v7 =	vadd.s32 v8, v7;
	v15 =	vmul.u32 $0xA0, v10;
	v10 =	vcvt.s32.f32 v10  }
0x30: {  	v13 =	vsub.f32 v13, v4;
	v4 =	vsub.f32 v4, v12;
	v12 =	vmul.u32 $0xA0, v25  }
0x31: {  	v15 =	vadd.s32 v0, v15;
	v10 =	vsub.f32 v10, v5;
	v5 =	vsub.f32 v5, v14  }
0x32: {  	vm1 =	vlt.s32 v18, $0x9F;
	[tilespmem:$0x2600] =	vst v16;
	v6 =	vadd.s32 v6, v15;
	v30 =	vadd.s32 v8, v15  }
0x33: {  	[tilespmem:$0x2700] =	vst v7;
	v33 =	vadd.s32 v0, v12;
	v26 =	vmul.f32 v10, v13;
	v13 =	vmul.f32 v13, v5  }
0x34: {  	v46 =	vld [tilespmem:$0x2600];
	v15 =	vmax.f32 v32, $0.0e+00;
	v10 =	vmul.f32 v10, v4;
	v4 =	vmul.f32 v5, v4;
	[tilespmem:$0x2680] =	vst v6  }
0x35: {  	v5 =	vnsel vm1, $0x9F, v18;
	vm1 =	vlt.s32 v20, $0x77;
	[tilespmem:$0x2780] =	vst v30;
	v36 =	vadd.s32 v63, v33  }
0x36: {  	v52 =	vcvt.s32.f32 v42;
	v15 =	vmin.f32 v15, $1.590000000e+02;
	v27 =	vnsel vm1, $0x77, v20;
	[tilespmem:$0x2610] =	vst v36  }
0x37: {  	v22 =	vcvt.s32.f32 v5;
	v7 =	vadd.s32 v5, v33;
	v39 =	vtrunc.f32 v15;
	[tilespmem:$0x2A00] =	vst v26  }
0x38: {  	v23 =	vmul.u32 $0xA0, v27;
	v31 =	vcvt.s32.f32 v27;
	[tilespmem:$0x2A80] =	vst v13;
	v40 =	vcvt.f32.s32 v39  }
0x39: {  	[tilespmem:$0x2B00] =	vst v10;
	v54 =	vshll.u32 v46, $0x1;
	v56 =	vand.u32 $0x7, v46;
	v38 =	vsub.f32 v22, v9  }
0x3a: {  	[tilespmem:$0x2B80] =	vst v4;
	v34 =	vadd.s32 v0, v23;
	v8 =	vsub.f32 v31, v11;
	v45 =	vadd.s32 $0x1, v40  }
0x3b: {  	[tilespmem:$0x2710] =	vst v7;
	v50 =	vcvt.s32.f32 v40;
	v14 =	vadd.s32 v63, v34;
	v4 =	vadd.s32 v5, v34  }
0x3c: {  	v5 =	vsub.f32 v11, v29;
	vm1 =	vlt.s32 v45, $0x9F;
	v44 =	vmul.f32 v8, v38;
	[tilespmem:$0x2690] =	vst v14  }
0x3d: {  	v11 =	vmul.u32 $0xA0, v42;
	v48 =	vmul.f32 v8, v43;
	v49 =	vnsel vm1, $0x9F, v45;
	[tilespmem:$0x2790] =	vst v4  }
0x3e: {  	vm1 =	vlt.s32 v47, $0x77;
	v14 =	vand.u32 $0xFFFFFFF0, v54;
	v13 =	vmul.f32 v38, v5;
	[tilespmem:$0x2A10] =	vst v44  }
0x3f: {  	v4 =	vmul.f32 v5, v43;
	v5 =	vnsel vm1, $0x77, v47;
	v51 =	vcvt.s32.f32 v49;
	[tilespmem:$0x2B10] =	vst v48  }
0x40: {  	v55 =	vadd.s32 v0, v11;
	v53 =	vcvt.s32.f32 v5;
	v5 =	vmul.u32 $0xA0, v5;
	[tilespmem:$0x2A90] =	vst v13  }
0x41: {  	v57 =	vadd.s32 v40, v55;
	v7 =	vadd.s32 v49, v55;
	[tilespmem:$0x2B90] =	vst v4;
	v9 =	vsub.f32 v51, v15  }
0x42: {  	[tilespmem:$0x2620] =	vst v57;
	v4 =	vadd.s32 v0, v5;
	v5 =	vor.u32 v56, v14;
	v58 =	vsub.f32 v53, v17  }
0x43: {  	v59 =	vsub.f32 v17, v52;
	[tilespmem:$0x2720] =	vst v7;
	v10 =	vadd.s32 v40, v4;
	v60 =	vperm.xlane v5, v1  }
0x44: {  	v6 =	vsub.f32 v15, v50;
	v4 =	vadd.s32 v49, v4;
	[tilespmem:$0x26A0] =	vst v10;
	v61 =	vmul.f32 v58, v9  }
0x45: {  	v5 =	vperm.xlane v5, v3;
	[tilespmem:$0x27A0] =	vst v4;
	v4 =	vmul.f32 v9, v59;
	v62 =	vadd.s32 v2, v60  }
0x46: {  	v63 =	vmul.f32 v58, v6;
	[tilespmem:$0x2A20] =	vst v61  }
0x47: {  	v5 =	vadd.s32 v2, v5;
	[tilespmem:$0x2AA0] =	vst v4;
	v4 =	vmul.f32 v59, v6  }
0x48: {  	[tilespmem:$0x2B20] =	vst v63  }
0x49: {  	[tilespmem:$0x2BA0] =	vst v4  }
0x4a: {  	[tilespmem:s11], [sflag:$0x1] =	stream.indirect_vreg.gather [hbm4b:s1+s4], $0x80, v62, vm0, $0xb8;
	[tilespmem:$0x1AE00] =	vst v63  }
0x4b: {  	s13 =	simm.s32 $0x3600  }
0x4c: {  	[tilespmem:s13], [sflag:$0x1] =	stream.indirect_vreg.gather [hbm4b:s1+s4], $0x80, v5, vm0, $0xb8;
	[tilespmem:$0x1AE00] =	vst v63  }
0x4d: {  	v4 =	vld [tilespmem:$0x2610];
	_ =	sdelay $0x4  }
0x4e: {  	v5 =	vshll.u32 v4, $0x1  }
0x4f: {  	v4 =	vand.u32 $0x7, v4;
	v5 =	vand.u32 $0xFFFFFFF0, v5  }
0x50: {  	v4 =	vor.u32 v4, v5  }
0x51: {  	v5 =	vperm.xlane v4, v1;
	_ =	sdelay $0x1  }
0x52: {  	v4 =	vperm.xlane v4, v3;
	v5 =	vadd.s32 v2, v5;
	_ =	sdelay $0x1  }
0x53: {  	v4 =	vadd.s32 v2, v4;
	_ =	sdelay $0x1  }
0x54: {  	s14 =	simm.s32 $0x3E00  }
0x55: {  	[tilespmem:s14], [sflag:$0x1] =	stream.indirect_vreg.gather [hbm4b:s1+s4], $0x80, v5, vm0, $0xb8;
	[tilespmem:$0x1AE00] =	vst v63  }
0x56: {  	s15 =	simm.s32 $0x4600  }
0x57: {  	[tilespmem:s15], [sflag:$0x1] =	stream.indirect_vreg.gather [hbm4b:s1+s4], $0x80, v4, vm0, $0xb8;
	[tilespmem:$0x1AE00] =	vst v63  }
0x58: {  	v4 =	vld [tilespmem:$0x2620];
	_ =	sdelay $0x4  }
0x59: {  	v5 =	vshll.u32 v4, $0x1  }
0x5a: {  	v4 =	vand.u32 $0x7, v4;
	v5 =	vand.u32 $0xFFFFFFF0, v5  }
0x5b: {  	v4 =	vor.u32 v4, v5  }
0x5c: {  	v5 =	vperm.xlane v4, v1;
	_ =	sdelay $0x1  }
0x5d: {  	v4 =	vperm.xlane v4, v3;
	v5 =	vadd.s32 v2, v5;
	_ =	sdelay $0x1  }
0x5e: {  	v4 =	vadd.s32 v2, v4;
	_ =	sdelay $0x1  }
0x5f: {  	s16 =	simm.s32 $0x4E00  }
0x60: {  	[tilespmem:s16], [sflag:$0x1] =	stream.indirect_vreg.gather [hbm4b:s1+s4], $0x80, v5, vm0, $0xb8;
	[tilespmem:$0x1AE00] =	vst v63  }
0x61: {  	s17 =	simm.s32 $0x5600  }
0x62: {  	[tilespmem:s17], [sflag:$0x1] =	stream.indirect_vreg.gather [hbm4b:s1+s4], $0x80, v4, vm0, $0xb8;
	[tilespmem:$0x1AE00] =	vst v63  }
0x63: {  	v4 =	vld [tilespmem:$0x2680];
	_ =	sdelay $0x4  }
0x64: {  	v5 =	vshll.u32 v4, $0x1  }
0x65: {  	v4 =	vand.u32 $0x7, v4;
	v5 =	vand.u32 $0xFFFFFFF0, v5  }
0x66: {  	v4 =	vor.u32 v4, v5  }
0x67: {  	v5 =	vperm.xlane v4, v1;
	_ =	sdelay $0x1  }
0x68: {  	v4 =	vperm.xlane v4, v3;
	v5 =	vadd.s32 v2, v5;
	_ =	sdelay $0x1  }
0x69: {  	v4 =	vadd.s32 v2, v4;
	_ =	sdelay $0x1  }
0x6a: {  	s18 =	simm.s32 $0x5E00  }
0x6b: {  	[tilespmem:s18], [sflag:$0x1] =	stream.indirect_vreg.gather [hbm4b:s1+s4], $0x80, v5, vm0, $0xb8;
	[tilespmem:$0x1AE00] =	vst v63  }
0x6c: {  	s19 =	simm.s32 $0x6600  }
0x6d: {  	[tilespmem:s19], [sflag:$0x1] =	stream.indirect_vreg.gather [hbm4b:s1+s4], $0x80, v4, vm0, $0xb8;
	[tilespmem:$0x1AE00] =	vst v63  }
0x6e: {  	v4 =	vld [tilespmem:$0x2690];
	_ =	sdelay $0x4  }
0x6f: {  	v5 =	vshll.u32 v4, $0x1  }
0x70: {  	v4 =	vand.u32 $0x7, v4;
	v5 =	vand.u32 $0xFFFFFFF0, v5  }
0x71: {  	v4 =	vor.u32 v4, v5  }
0x72: {  	v5 =	vperm.xlane v4, v1;
	_ =	sdelay $0x1  }
0x73: {  	v4 =	vperm.xlane v4, v3;
	v5 =	vadd.s32 v2, v5;
	_ =	sdelay $0x1  }
0x74: {  	v4 =	vadd.s32 v2, v4;
	_ =	sdelay $0x1  }
0x75: {  	s20 =	simm.s32 $0x6E00  }
0x76: {  	[tilespmem:s20], [sflag:$0x1] =	stream.indirect_vreg.gather [hbm4b:s1+s4], $0x80, v5, vm0, $0xb8;
	[tilespmem:$0x1AE00] =	vst v63  }
0x77: {  	s21 =	simm.s32 $0x7600  }
0x78: {  	[tilespmem:s21], [sflag:$0x1] =	stream.indirect_vreg.gather [hbm4b:s1+s4], $0x80, v4, vm0, $0xb8;
	[tilespmem:$0x1AE00] =	vst v63  }
0x79: {  	v4 =	vld [tilespmem:$0x26A0];
	_ =	sdelay $0x4  }
0x7a: {  	v5 =	vshll.u32 v4, $0x1  }
0x7b: {  	v4 =	vand.u32 $0x7, v4;
	v5 =	vand.u32 $0xFFFFFFF0, v5  }
0x7c: {  	v4 =	vor.u32 v4, v5  }
0x7d: {  	v5 =	vperm.xlane v4, v1;
	_ =	sdelay $0x1  }
0x7e: {  	v4 =	vperm.xlane v4, v3;
	v5 =	vadd.s32 v2, v5;
	_ =	sdelay $0x1  }
0x7f: {  	v4 =	vadd.s32 v2, v4;
	_ =	sdelay $0x1  }
0x80: {  	s22 =	simm.s32 $0x7E00  }
0x81: {  	[tilespmem:s22], [sflag:$0x1] =	stream.indirect_vreg.gather [hbm4b:s1+s4], $0x80, v5, vm0, $0xb8;
	[tilespmem:$0x1AE00] =	vst v63  }
0x82: {  	s23 =	simm.s32 $0x8600  }
0x83: {  	[tilespmem:s23], [sflag:$0x1] =	stream.indirect_vreg.gather [hbm4b:s1+s4], $0x80, v4, vm0, $0xb8;
	[tilespmem:$0x1AE00] =	vst v63  }
0x84: {  	v4 =	vld [tilespmem:$0x2700];
	_ =	sdelay $0x4  }
0x85: {  	v5 =	vshll.u32 v4, $0x1  }
0x86: {  	v4 =	vand.u32 $0x7, v4;
	v5 =	vand.u32 $0xFFFFFFF0, v5  }
0x87: {  	v4 =	vor.u32 v4, v5  }
0x88: {  	v5 =	vperm.xlane v4, v1;
	_ =	sdelay $0x1  }
0x89: {  	v4 =	vperm.xlane v4, v3;
	v5 =	vadd.s32 v2, v5;
	_ =	sdelay $0x1  }
0x8a: {  	v4 =	vadd.s32 v2, v4;
	_ =	sdelay $0x1  }
0x8b: {  	s12 =	simm.s32 $0x8E00  }
0x8c: {  	[tilespmem:s12], [sflag:$0x1] =	stream.indirect_vreg.gather [hbm4b:s1+s4], $0x80, v5, vm0, $0xb8;
	[tilespmem:$0x1AE00] =	vst v63  }
0x8d: {  	s13 =	simm.s32 $0x9600  }
0x8e: {  	[tilespmem:s13], [sflag:$0x1] =	stream.indirect_vreg.gather [hbm4b:s1+s4], $0x80, v4, vm0, $0xb8;
	[tilespmem:$0x1AE00] =	vst v63  }
0x8f: {  	v4 =	vld [tilespmem:$0x2710];
	_ =	sdelay $0x4  }
0x90: {  	v5 =	vshll.u32 v4, $0x1  }
0x91: {  	v4 =	vand.u32 $0x7, v4;
	v5 =	vand.u32 $0xFFFFFFF0, v5  }
0x92: {  	v4 =	vor.u32 v4, v5  }
0x93: {  	v5 =	vperm.xlane v4, v1;
	_ =	sdelay $0x1  }
0x94: {  	v4 =	vperm.xlane v4, v3;
	v5 =	vadd.s32 v2, v5;
	_ =	sdelay $0x1  }
0x95: {  	v4 =	vadd.s32 v2, v4;
	_ =	sdelay $0x1  }
0x96: {  	s14 =	simm.s32 $0x9E00  }
0x97: {  	[tilespmem:s14], [sflag:$0x1] =	stream.indirect_vreg.gather [hbm4b:s1+s4], $0x80, v5, vm0, $0xb8;
	[tilespmem:$0x1AE00] =	vst v63  }
0x98: {  	s15 =	simm.s32 $0xA600  }
0x99: {  	[tilespmem:s15], [sflag:$0x1] =	stream.indirect_vreg.gather [hbm4b:s1+s4], $0x80, v4, vm0, $0xb8;
	[tilespmem:$0x1AE00] =	vst v63  }
0x9a: {  	v4 =	vld [tilespmem:$0x2720];
	_ =	sdelay $0x4  }
0x9b: {  	v5 =	vshll.u32 v4, $0x1  }
0x9c: {  	v4 =	vand.u32 $0x7, v4;
	v5 =	vand.u32 $0xFFFFFFF0, v5  }
0x9d: {  	v4 =	vor.u32 v4, v5  }
0x9e: {  	v5 =	vperm.xlane v4, v1;
	_ =	sdelay $0x1  }
0x9f: {  	v4 =	vperm.xlane v4, v3;
	v5 =	vadd.s32 v2, v5;
	_ =	sdelay $0x1  }
0xa0: {  	v4 =	vadd.s32 v2, v4;
	_ =	sdelay $0x1  }
0xa1: {  	s16 =	simm.s32 $0xAE00  }
0xa2: {  	[tilespmem:s16], [sflag:$0x1] =	stream.indirect_vreg.gather [hbm4b:s1+s4], $0x80, v5, vm0, $0xb8;
	[tilespmem:$0x1AE00] =	vst v63  }
0xa3: {  	s17 =	simm.s32 $0xB600  }
0xa4: {  	[tilespmem:s17], [sflag:$0x1] =	stream.indirect_vreg.gather [hbm4b:s1+s4], $0x80, v4, vm0, $0xb8;
	[tilespmem:$0x1AE00] =	vst v63  }
0xa5: {  	v4 =	vld [tilespmem:$0x2780];
	_ =	sdelay $0x4  }
0xa6: {  	v5 =	vshll.u32 v4, $0x1  }
0xa7: {  	v4 =	vand.u32 $0x7, v4;
	v5 =	vand.u32 $0xFFFFFFF0, v5  }
0xa8: {  	v4 =	vor.u32 v4, v5  }
0xa9: {  	v5 =	vperm.xlane v4, v1;
	_ =	sdelay $0x1  }
0xaa: {  	v4 =	vperm.xlane v4, v3;
	v5 =	vadd.s32 v2, v5;
	_ =	sdelay $0x1  }
0xab: {  	v4 =	vadd.s32 v2, v4;
	_ =	sdelay $0x1  }
0xac: {  	s18 =	simm.s32 $0xBE00  }
0xad: {  	[tilespmem:s18], [sflag:$0x1] =	stream.indirect_vreg.gather [hbm4b:s1+s4], $0x80, v5, vm0, $0xb8;
	[tilespmem:$0x1AE00] =	vst v63  }
0xae: {  	s19 =	simm.s32 $0xC600  }
0xaf: {  	[tilespmem:s19], [sflag:$0x1] =	stream.indirect_vreg.gather [hbm4b:s1+s4], $0x80, v4, vm0, $0xb8;
	[tilespmem:$0x1AE00] =	vst v63  }
0xb0: {  	v4 =	vld [tilespmem:$0x2790];
	_ =	sdelay $0x4  }
0xb1: {  	v5 =	vshll.u32 v4, $0x1  }
0xb2: {  	v4 =	vand.u32 $0x7, v4;
	v5 =	vand.u32 $0xFFFFFFF0, v5  }
0xb3: {  	v4 =	vor.u32 v4, v5  }
0xb4: {  	v5 =	vperm.xlane v4, v1;
	_ =	sdelay $0x1  }
0xb5: {  	v4 =	vperm.xlane v4, v3;
	v5 =	vadd.s32 v2, v5;
	_ =	sdelay $0x1  }
0xb6: {  	v4 =	vadd.s32 v2, v4;
	_ =	sdelay $0x1  }
0xb7: {  	s20 =	simm.s32 $0xCE00  }
0xb8: {  	[tilespmem:s20], [sflag:$0x1] =	stream.indirect_vreg.gather [hbm4b:s1+s4], $0x80, v5, vm0, $0xb8;
	[tilespmem:$0x1AE00] =	vst v63  }
0xb9: {  	s21 =	simm.s32 $0xD600  }
0xba: {  	[tilespmem:s21], [sflag:$0x1] =	stream.indirect_vreg.gather [hbm4b:s1+s4], $0x80, v4, vm0, $0xb8;
	[tilespmem:$0x1AE00] =	vst v63  }
0xbb: {  	v4 =	vld [tilespmem:$0x27A0];
	_ =	sdelay $0x4  }
0xbc: {  	v5 =	vshll.u32 v4, $0x1  }
0xbd: {  	v4 =	vand.u32 $0x7, v4;
	v5 =	vand.u32 $0xFFFFFFF0, v5  }
0xbe: {  	v4 =	vor.u32 v4, v5  }
0xbf: {  	v5 =	vperm.xlane v4, v1;
	_ =	sdelay $0x1  }
0xc0: {  	v4 =	vperm.xlane v4, v3;
	v5 =	vadd.s32 v2, v5;
	_ =	sdelay $0x1  }
0xc1: {  	v4 =	vadd.s32 v2, v4;
	_ =	sdelay $0x1  }
0xc2: {  	s22 =	simm.s32 $0xDE00  }
0xc3: {  	[tilespmem:s22], [sflag:$0x1] =	stream.indirect_vreg.gather [hbm4b:s1+s4], $0x80, v5, vm0, $0xb8;
	[tilespmem:$0x1AE00] =	vst v63  }
0xc4: {  	s9 =	simm.s32 $0x0;
	s23 =	simm.s32 $0xE600  }
0xc5: {  	[tilespmem:s23], [sflag:$0x1] =	stream.indirect_vreg.gather [hbm4b:s1+s4], $0x80, v4, vm0, $0xb8;
	[tilespmem:$0x1AE00] =	vst v63  }
.LBB2_2:
0xc6: {  	s13 =	smul.u32 $0x60, s9;
	_ =	sdelay $0x1  }
0xc7: {  	v4 =	vld [tilespmem:s13+$0x1330]  }
0xc8: {  	v5 =	vld [tilespmem:s13+$0x30];
	_ =	sdelay $0x3  }
0xc9: {  	v4 =	vmul.f32 $1.190000000e+02, v4  }
0xca: {  	v5 =	vmul.f32 $1.590000000e+02, v5  }
0xcb: {  	v4 =	vmax.f32 v4, $0.0e+00  }
0xcc: {  	v5 =	vmax.f32 v5, $0.0e+00;
	v4 =	vmin.f32 v4, $1.190000000e+02  }
0xcd: {  	v5 =	vmin.f32 v5, $1.590000000e+02;
	v6 =	vtrunc.f32 v4  }
0xce: {  	v7 =	vtrunc.f32 v5;
	v6 =	vcvt.f32.s32 v6  }
0xcf: {  	v7 =	vcvt.f32.s32 v7  }
0xd0: {  	v8 =	vadd.s32 $0x1, v6  }
0xd1: {  	v9 =	vadd.s32 $0x1, v7;
	vm1 =	vlt.s32 v8, $0x77  }
0xd2: {  	v10 =	vmul.u32 $0xA0, v6;
	v8 =	vnsel vm1, $0x77, v8;
	vm1 =	vlt.s32 v9, $0x9F  }
0xd3: {  	v11 =	vcvt.s32.f32 v7;
	v9 =	vnsel vm1, $0x9F, v9;
	v12 =	vmul.u32 $0xA0, v8  }
0xd4: {  	v10 =	vadd.s32 v0, v10;
	v8 =	vcvt.s32.f32 v8;
	v13 =	vcvt.s32.f32 v9  }
0xd5: {  	v6 =	vcvt.s32.f32 v6;
	v14 =	vadd.s32 v7, v10;
	v12 =	vadd.s32 v0, v12  }
0xd6: {  	[tilespmem:$0x2800] =	vst v14;
	v8 =	vsub.f32 v8, v4;
	v7 =	vadd.s32 v7, v12;
	v13 =	vsub.f32 v13, v5  }
0xd7: {  	v4 =	vsub.f32 v4, v6;
	[tilespmem:$0x2880] =	vst v7;
	v7 =	vadd.s32 v9, v10  }
0xd8: {  	v6 =	vadd.s32 v9, v12;
	v5 =	vsub.f32 v5, v11;
	[tilespmem:$0x2900] =	vst v7;
	v7 =	vmul.f32 v8, v13  }
0xd9: {  	[tilespmem:$0x2980] =	vst v6;
	v6 =	vmul.f32 v13, v4  }
0xda: {  	v4 =	vmul.f32 v4, v5;
	[tilespmem:$0x2C00] =	vst v7  }
0xdb: {  	v7 =	vmul.f32 v8, v5;
	[tilespmem:$0x2C80] =	vst v6  }
0xdc: {  	[tilespmem:$0x2D80] =	vst v4  }
0xdd: {  	[tilespmem:$0x2D00] =	vst v7  }
0xde: {  	v4 =	vld [tilespmem:s13+$0x1340]  }
0xdf: {  	v5 =	vld [tilespmem:s13+$0x40];
	_ =	sdelay $0x3  }
0xe0: {  	v4 =	vmul.f32 $1.190000000e+02, v4  }
0xe1: {  	v5 =	vmul.f32 $1.590000000e+02, v5  }
0xe2: {  	v4 =	vmax.f32 v4, $0.0e+00  }
0xe3: {  	v5 =	vmax.f32 v5, $0.0e+00;
	v4 =	vmin.f32 v4, $1.190000000e+02  }
0xe4: {  	v5 =	vmin.f32 v5, $1.590000000e+02;
	v6 =	vtrunc.f32 v4  }
0xe5: {  	v7 =	vtrunc.f32 v5;
	v6 =	vcvt.f32.s32 v6  }
0xe6: {  	v7 =	vcvt.f32.s32 v7  }
0xe7: {  	v8 =	vadd.s32 $0x1, v6  }
0xe8: {  	v9 =	vadd.s32 $0x1, v7;
	vm1 =	vlt.s32 v8, $0x77  }
0xe9: {  	v10 =	vmul.u32 $0xA0, v6;
	v8 =	vnsel vm1, $0x77, v8;
	vm1 =	vlt.s32 v9, $0x9F  }
0xea: {  	v11 =	vcvt.s32.f32 v7;
	v9 =	vnsel vm1, $0x9F, v9;
	v12 =	vmul.u32 $0xA0, v8  }
0xeb: {  	v10 =	vadd.s32 v0, v10;
	v8 =	vcvt.s32.f32 v8;
	v13 =	vcvt.s32.f32 v9  }
0xec: {  	v6 =	vcvt.s32.f32 v6;
	v14 =	vadd.s32 v7, v10;
	v12 =	vadd.s32 v0, v12  }
0xed: {  	[tilespmem:$0x2810] =	vst v14;
	v8 =	vsub.f32 v8, v4;
	v7 =	vadd.s32 v7, v12;
	v13 =	vsub.f32 v13, v5  }
0xee: {  	v4 =	vsub.f32 v4, v6;
	[tilespmem:$0x2890] =	vst v7;
	v7 =	vadd.s32 v9, v10  }
0xef: {  	v6 =	vadd.s32 v9, v12;
	v5 =	vsub.f32 v5, v11;
	[tilespmem:$0x2910] =	vst v7;
	v7 =	vmul.f32 v8, v13  }
0xf0: {  	[tilespmem:$0x2990] =	vst v6;
	v6 =	vmul.f32 v13, v4  }
0xf1: {  	v4 =	vmul.f32 v4, v5;
	[tilespmem:$0x2C10] =	vst v7  }
0xf2: {  	v7 =	vmul.f32 v8, v5;
	[tilespmem:$0x2C90] =	vst v6  }
0xf3: {  	[tilespmem:$0x2D90] =	vst v4  }
0xf4: {  	[tilespmem:$0x2D10] =	vst v7  }
0xf5: {  	v4 =	vld [tilespmem:s13+$0x1350]  }
0xf6: {  	v5 =	vld [tilespmem:s13+$0x50];
	_ =	sdelay $0x3  }
0xf7: {  	v4 =	vmul.f32 $1.190000000e+02, v4  }
0xf8: {  	v5 =	vmul.f32 $1.590000000e+02, v5  }
0xf9: {  	v4 =	vmax.f32 v4, $0.0e+00  }
0xfa: {  	v5 =	vmax.f32 v5, $0.0e+00;
	v4 =	vmin.f32 v4, $1.190000000e+02  }
0xfb: {  	v5 =	vmin.f32 v5, $1.590000000e+02;
	v6 =	vtrunc.f32 v4  }
0xfc: {  	v7 =	vtrunc.f32 v5;
	v6 =	vcvt.f32.s32 v6  }
0xfd: {  	v7 =	vcvt.f32.s32 v7  }
0xfe: {  	v8 =	vadd.s32 $0x1, v6  }
0xff: {  	v9 =	vadd.s32 $0x1, v7;
	vm1 =	vlt.s32 v8, $0x77  }
0x100: {  	v10 =	vmul.u32 $0xA0, v6;
	v8 =	vnsel vm1, $0x77, v8;
	vm1 =	vlt.s32 v9, $0x9F  }
0x101: {  	v11 =	vcvt.s32.f32 v7;
	v9 =	vnsel vm1, $0x9F, v9;
	v12 =	vmul.u32 $0xA0, v8  }
0x102: {  	v10 =	vadd.s32 v0, v10;
	v8 =	vcvt.s32.f32 v8;
	v13 =	vcvt.s32.f32 v9  }
0x103: {  	v6 =	vcvt.s32.f32 v6;
	v14 =	vadd.s32 v7, v10;
	v12 =	vadd.s32 v0, v12  }
0x104: {  	[tilespmem:$0x2820] =	vst v14;
	v8 =	vsub.f32 v8, v4;
	v7 =	vadd.s32 v7, v12;
	v13 =	vsub.f32 v13, v5  }
0x105: {  	v4 =	vsub.f32 v4, v6;
	[tilespmem:$0x28A0] =	vst v7;
	v7 =	vadd.s32 v9, v10  }
0x106: {  	v6 =	vadd.s32 v9, v12;
	v5 =	vsub.f32 v5, v11;
	[tilespmem:$0x2920] =	vst v7;
	v7 =	vmul.f32 v8, v13  }
0x107: {  	[tilespmem:$0x29A0] =	vst v6;
	v6 =	vmul.f32 v13, v4  }
0x108: {  	v4 =	vmul.f32 v4, v5;
	[tilespmem:$0x2C20] =	vst v7  }
0x109: {  	v7 =	vmul.f32 v8, v5;
	[tilespmem:$0x2CA0] =	vst v6  }
0x10a: {  	p0 =	seq.s32 s9, $0x0;
	[tilespmem:$0x2DA0] =	vst v4  }
0x10b: {  	s12 =	simm.s32 @!p0 $0x4;
	[tilespmem:$0x2D20] =	vst v7  }
0x10c: {  	_ =	swait.ge @!p0 [sflag:s12], $0x3000  }
0x10d: {  	[sflag:s12] =	ssyncset.done @!p0 $0x0  }
0x10e: {  	[sflag:s12] =	ssyncadd.s32 @!p0 $0xFFFFD000  }
0x10f: {  	v4 =	vld [tilespmem:$0x2800];
	_ =	sdelay $0x4  }
0x110: {  	v5 =	vshll.u32 v4, $0x1  }
0x111: {  	v4 =	vand.u32 $0x7, v4;
	v5 =	vand.u32 $0xFFFFFFF0, v5  }
0x112: {  	v4 =	vor.u32 v4, v5  }
0x113: {  	v5 =	vperm.xlane v4, v1;
	_ =	sdelay $0x1  }
0x114: {  	v4 =	vperm.xlane v4, v3;
	v5 =	vadd.s32 v2, v5;
	_ =	sdelay $0x1  }
0x115: {  	v4 =	vadd.s32 v2, v4;
	_ =	sdelay $0x1  }
0x116: {  	s12 =	simm.s32 $0x0  }
0x117: {  	[tilespmem:s7], [sflag:$0x2] =	stream.indirect_vreg.gather [hbm4b:s1+s12], $0x80, v5, vm0, $0xb8;
	[tilespmem:$0x1AE00] =	vst v63  }
0x118: {  	s14 =	simm.s32 $0xF600  }
0x119: {  	[tilespmem:s14], [sflag:$0x2] =	stream.indirect_vreg.gather [hbm4b:s1+s12], $0x80, v4, vm0, $0xb8;
	[tilespmem:$0x1AE00] =	vst v63  }
0x11a: {  	v4 =	vld [tilespmem:$0x2810];
	_ =	sdelay $0x4  }
0x11b: {  	v5 =	vshll.u32 v4, $0x1  }
0x11c: {  	v4 =	vand.u32 $0x7, v4;
	v5 =	vand.u32 $0xFFFFFFF0, v5  }
0x11d: {  	v4 =	vor.u32 v4, v5  }
0x11e: {  	v5 =	vperm.xlane v4, v1;
	_ =	sdelay $0x1  }
0x11f: {  	v4 =	vperm.xlane v4, v3;
	v5 =	vadd.s32 v2, v5;
	_ =	sdelay $0x1  }
0x120: {  	v4 =	vadd.s32 v2, v4;
	_ =	sdelay $0x1  }
0x121: {  	s16 =	simm.s32 $0xFE00  }
0x122: {  	[tilespmem:s16], [sflag:$0x2] =	stream.indirect_vreg.gather [hbm4b:s1+s12], $0x80, v5, vm0, $0xb8;
	[tilespmem:$0x1AE00] =	vst v63  }
0x123: {  	s17 =	simm.s32 $0x10600  }
0x124: {  	[tilespmem:s17], [sflag:$0x2] =	stream.indirect_vreg.gather [hbm4b:s1+s12], $0x80, v4, vm0, $0xb8;
	[tilespmem:$0x1AE00] =	vst v63  }
0x125: {  	v4 =	vld [tilespmem:$0x2820];
	_ =	sdelay $0x4  }
0x126: {  	v5 =	vshll.u32 v4, $0x1  }
0x127: {  	v4 =	vand.u32 $0x7, v4;
	v5 =	vand.u32 $0xFFFFFFF0, v5  }
0x128: {  	v4 =	vor.u32 v4, v5  }
0x129: {  	v5 =	vperm.xlane v4, v1;
	_ =	sdelay $0x1  }
0x12a: {  	v4 =	vperm.xlane v4, v3;
	v5 =	vadd.s32 v2, v5;
	_ =	sdelay $0x1  }
0x12b: {  	v4 =	vadd.s32 v2, v4;
	_ =	sdelay $0x1  }
0x12c: {  	s18 =	simm.s32 $0x10E00  }
0x12d: {  	[tilespmem:s18], [sflag:$0x2] =	stream.indirect_vreg.gather [hbm4b:s1+s12], $0x80, v5, vm0, $0xb8;
	[tilespmem:$0x1AE00] =	vst v63  }
0x12e: {  	s19 =	simm.s32 $0x11600  }
0x12f: {  	[tilespmem:s19], [sflag:$0x2] =	stream.indirect_vreg.gather [hbm4b:s1+s12], $0x80, v4, vm0, $0xb8;
	[tilespmem:$0x1AE00] =	vst v63  }
0x130: {  	v4 =	vld [tilespmem:$0x2880];
	_ =	sdelay $0x4  }
0x131: {  	v5 =	vshll.u32 v4, $0x1  }
0x132: {  	v4 =	vand.u32 $0x7, v4;
	v5 =	vand.u32 $0xFFFFFFF0, v5  }
0x133: {  	v4 =	vor.u32 v4, v5  }
0x134: {  	v5 =	vperm.xlane v4, v1;
	_ =	sdelay $0x1  }
0x135: {  	v4 =	vperm.xlane v4, v3;
	v5 =	vadd.s32 v2, v5;
	_ =	sdelay $0x1  }
0x136: {  	v4 =	vadd.s32 v2, v4;
	_ =	sdelay $0x1  }
0x137: {  	s20 =	simm.s32 $0x11E00  }
0x138: {  	[tilespmem:s20], [sflag:$0x2] =	stream.indirect_vreg.gather [hbm4b:s1+s12], $0x80, v5, vm0, $0xb8;
	[tilespmem:$0x1AE00] =	vst v63  }
0x139: {  	s21 =	simm.s32 $0x12600  }
0x13a: {  	[tilespmem:s21], [sflag:$0x2] =	stream.indirect_vreg.gather [hbm4b:s1+s12], $0x80, v4, vm0, $0xb8;
	[tilespmem:$0x1AE00] =	vst v63  }
0x13b: {  	v4 =	vld [tilespmem:$0x2890];
	_ =	sdelay $0x4  }
0x13c: {  	v5 =	vshll.u32 v4, $0x1  }
0x13d: {  	v4 =	vand.u32 $0x7, v4;
	v5 =	vand.u32 $0xFFFFFFF0, v5  }
0x13e: {  	v4 =	vor.u32 v4, v5  }
0x13f: {  	v5 =	vperm.xlane v4, v1;
	_ =	sdelay $0x1  }
0x140: {  	v4 =	vperm.xlane v4, v3;
	v5 =	vadd.s32 v2, v5;
	_ =	sdelay $0x1  }
0x141: {  	v4 =	vadd.s32 v2, v4;
	_ =	sdelay $0x1  }
0x142: {  	s22 =	simm.s32 $0x12E00  }
0x143: {  	[tilespmem:s22], [sflag:$0x2] =	stream.indirect_vreg.gather [hbm4b:s1+s12], $0x80, v5, vm0, $0xb8;
	[tilespmem:$0x1AE00] =	vst v63  }
0x144: {  	s23 =	simm.s32 $0x13600  }
0x145: {  	[tilespmem:s23], [sflag:$0x2] =	stream.indirect_vreg.gather [hbm4b:s1+s12], $0x80, v4, vm0, $0xb8;
	[tilespmem:$0x1AE00] =	vst v63  }
0x146: {  	v4 =	vld [tilespmem:$0x28A0];
	_ =	sdelay $0x4  }
0x147: {  	v5 =	vshll.u32 v4, $0x1  }
0x148: {  	v4 =	vand.u32 $0x7, v4;
	v5 =	vand.u32 $0xFFFFFFF0, v5  }
0x149: {  	v4 =	vor.u32 v4, v5  }
0x14a: {  	v5 =	vperm.xlane v4, v1;
	_ =	sdelay $0x1  }
0x14b: {  	v4 =	vperm.xlane v4, v3;
	v5 =	vadd.s32 v2, v5;
	_ =	sdelay $0x1  }
0x14c: {  	v4 =	vadd.s32 v2, v4;
	_ =	sdelay $0x1  }
0x14d: {  	s15 =	simm.s32 $0x13E00  }
0x14e: {  	[tilespmem:s15], [sflag:$0x2] =	stream.indirect_vreg.gather [hbm4b:s1+s12], $0x80, v5, vm0, $0xb8;
	[tilespmem:$0x1AE00] =	vst v63  }
0x14f: {  	s16 =	simm.s32 $0x14600  }
0x150: {  	[tilespmem:s16], [sflag:$0x2] =	stream.indirect_vreg.gather [hbm4b:s1+s12], $0x80, v4, vm0, $0xb8;
	[tilespmem:$0x1AE00] =	vst v63  }
0x151: {  	v4 =	vld [tilespmem:$0x2900];
	_ =	sdelay $0x4  }
0x152: {  	v5 =	vshll.u32 v4, $0x1  }
0x153: {  	v4 =	vand.u32 $0x7, v4;
	v5 =	vand.u32 $0xFFFFFFF0, v5  }
0x154: {  	v4 =	vor.u32 v4, v5  }
0x155: {  	v5 =	vperm.xlane v4, v1;
	_ =	sdelay $0x1  }
0x156: {  	v4 =	vperm.xlane v4, v3;
	v5 =	vadd.s32 v2, v5;
	_ =	sdelay $0x1  }
0x157: {  	v4 =	vadd.s32 v2, v4;
	_ =	sdelay $0x1  }
0x158: {  	s17 =	simm.s32 $0x14E00  }
0x159: {  	[tilespmem:s17], [sflag:$0x2] =	stream.indirect_vreg.gather [hbm4b:s1+s12], $0x80, v5, vm0, $0xb8;
	[tilespmem:$0x1AE00] =	vst v63  }
0x15a: {  	s18 =	simm.s32 $0x15600  }
0x15b: {  	[tilespmem:s18], [sflag:$0x2] =	stream.indirect_vreg.gather [hbm4b:s1+s12], $0x80, v4, vm0, $0xb8;
	[tilespmem:$0x1AE00] =	vst v63  }
0x15c: {  	v4 =	vld [tilespmem:$0x2910];
	_ =	sdelay $0x4  }
0x15d: {  	v5 =	vshll.u32 v4, $0x1  }
0x15e: {  	v4 =	vand.u32 $0x7, v4;
	v5 =	vand.u32 $0xFFFFFFF0, v5  }
0x15f: {  	v4 =	vor.u32 v4, v5  }
0x160: {  	v5 =	vperm.xlane v4, v1;
	_ =	sdelay $0x1  }
0x161: {  	v4 =	vperm.xlane v4, v3;
	v5 =	vadd.s32 v2, v5;
	_ =	sdelay $0x1  }
0x162: {  	v4 =	vadd.s32 v2, v4;
	_ =	sdelay $0x1  }
0x163: {  	s19 =	simm.s32 $0x15E00  }
0x164: {  	[tilespmem:s19], [sflag:$0x2] =	stream.indirect_vreg.gather [hbm4b:s1+s12], $0x80, v5, vm0, $0xb8;
	[tilespmem:$0x1AE00] =	vst v63  }
0x165: {  	_ = 	snop  }
0x166: {  	[tilespmem:s24], [sflag:$0x2] =	stream.indirect_vreg.gather [hbm4b:s1+s12], $0x80, v4, vm0, $0xb8;
	[tilespmem:$0x1AE00] =	vst v63  }
0x167: {  	v4 =	vld [tilespmem:$0x2920];
	_ =	sdelay $0x4  }
0x168: {  	v5 =	vshll.u32 v4, $0x1  }
0x169: {  	v4 =	vand.u32 $0x7, v4;
	v5 =	vand.u32 $0xFFFFFFF0, v5  }
0x16a: {  	v4 =	vor.u32 v4, v5  }
0x16b: {  	v5 =	vperm.xlane v4, v1;
	_ =	sdelay $0x1  }
0x16c: {  	v4 =	vperm.xlane v4, v3;
	v5 =	vadd.s32 v2, v5;
	_ =	sdelay $0x1  }
0x16d: {  	v4 =	vadd.s32 v2, v4;
	_ =	sdelay $0x2  }
0x16e: {  	[tilespmem:s25], [sflag:$0x2] =	stream.indirect_vreg.gather [hbm4b:s1+s12], $0x80, v5, vm0, $0xb8;
	[tilespmem:$0x1AE00] =	vst v63  }
0x16f: {  	_ = 	snop  }
0x170: {  	[tilespmem:s26], [sflag:$0x2] =	stream.indirect_vreg.gather [hbm4b:s1+s12], $0x80, v4, vm0, $0xb8;
	[tilespmem:$0x1AE00] =	vst v63  }
0x171: {  	v4 =	vld [tilespmem:$0x2980];
	_ =	sdelay $0x4  }
0x172: {  	v5 =	vshll.u32 v4, $0x1  }
0x173: {  	v4 =	vand.u32 $0x7, v4;
	v5 =	vand.u32 $0xFFFFFFF0, v5  }
0x174: {  	v4 =	vor.u32 v4, v5  }
0x175: {  	v5 =	vperm.xlane v4, v1;
	_ =	sdelay $0x1  }
0x176: {  	v4 =	vperm.xlane v4, v3;
	v5 =	vadd.s32 v2, v5;
	_ =	sdelay $0x1  }
0x177: {  	v4 =	vadd.s32 v2, v4;
	_ =	sdelay $0x2  }
0x178: {  	[tilespmem:s28], [sflag:$0x2] =	stream.indirect_vreg.gather [hbm4b:s1+s12], $0x80, v5, vm0, $0xb8;
	[tilespmem:$0x1AE00] =	vst v63  }
0x179: {  	_ = 	snop  }
0x17a: {  	[tilespmem:s29], [sflag:$0x2] =	stream.indirect_vreg.gather [hbm4b:s1+s12], $0x80, v4, vm0, $0xb8;
	[tilespmem:$0x1AE00] =	vst v63  }
0x17b: {  	v4 =	vld [tilespmem:$0x2990];
	_ =	sdelay $0x4  }
0x17c: {  	v5 =	vshll.u32 v4, $0x1  }
0x17d: {  	v4 =	vand.u32 $0x7, v4;
	v5 =	vand.u32 $0xFFFFFFF0, v5  }
0x17e: {  	v4 =	vor.u32 v4, v5  }
0x17f: {  	v5 =	vperm.xlane v4, v1;
	_ =	sdelay $0x1  }
0x180: {  	v4 =	vperm.xlane v4, v3;
	v5 =	vadd.s32 v2, v5;
	_ =	sdelay $0x1  }
0x181: {  	v4 =	vadd.s32 v2, v4;
	_ =	sdelay $0x2  }
0x182: {  	[tilespmem:s30], [sflag:$0x2] =	stream.indirect_vreg.gather [hbm4b:s1+s12], $0x80, v5, vm0, $0xb8;
	[tilespmem:$0x1AE00] =	vst v63  }
0x183: {  	_ = 	snop  }
0x184: {  	[tilespmem:s31], [sflag:$0x2] =	stream.indirect_vreg.gather [hbm4b:s1+s12], $0x80, v4, vm0, $0xb8;
	[tilespmem:$0x1AE00] =	vst v63  }
0x185: {  	v4 =	vld [tilespmem:$0x29A0];
	_ =	sdelay $0x4  }
0x186: {  	v5 =	vshll.u32 v4, $0x1  }
0x187: {  	v4 =	vand.u32 $0x7, v4;
	v5 =	vand.u32 $0xFFFFFFF0, v5  }
0x188: {  	v4 =	vor.u32 v4, v5  }
0x189: {  	v5 =	vperm.xlane v4, v1;
	_ =	sdelay $0x1  }
0x18a: {  	v4 =	vperm.xlane v4, v3;
	v5 =	vadd.s32 v2, v5;
	_ =	sdelay $0x1  }
0x18b: {  	v4 =	vadd.s32 v2, v4;
	_ =	sdelay $0x2  }
0x18c: {  	[tilespmem:s2], [sflag:$0x2] =	stream.indirect_vreg.gather [hbm4b:s1+s12], $0x80, v5, vm0, $0xb8;
	[tilespmem:$0x1AE00] =	vst v63  }
0x18d: {  	_ = 	snop  }
0x18e: {  	[tilespmem:s0], [sflag:$0x2] =	stream.indirect_vreg.gather [hbm4b:s1+s12], $0x80, v4, vm0, $0xb8;
	[tilespmem:$0x1AE00] =	vst v63  }
0x18f: {  	_ =	swait.ge [sflag:s10], $0x3000  }
0x190: {  	[sflag:s10] =	ssyncset.done $0x0  }
0x191: {  	[sflag:s10] =	ssyncadd.s32 $0xFFFFD000  }
0x192: {  	_ =	swait.ge [sflag:s10], $0x3000  }
0x193: {  	[sflag:s10] =	ssyncset.done $0x0  }
0x194: {  	[sflag:s10] =	ssyncadd.s32 $0xFFFFD000  }
0x195: {  	_ =	swait.ge [sflag:s10], $0x3000  }
0x196: {  	[sflag:s10] =	ssyncset.done $0x0  }
0x197: {  	[sflag:s10] =	ssyncadd.s32 $0xFFFFD000  }
0x198: {  	_ =	swait.ge [sflag:s10], $0x3000  }
0x199: {  	s20 =	sand.u32 $0x3800, s12;
	s12 =	sand.u32 $0x380, s12;
	[sflag:s10] =	ssyncset.done $0x0  }
0x19a: {  	s14 =	sor.u32 s12, s20;
	[sflag:s10] =	ssyncadd.s32 $0xFFFFD000  }
0x19b: {  	v9 =	vld [tilespmem:s14+$0xBE30]  }
0x19c: {  	v7 =	vld [tilespmem:s14+$0x5E00]  }
0x19d: {  	v13 =	vld [tilespmem:s14+$0x5E60]  }
0x19e: {  	v18 =	vld [tilespmem:s14+$0x5E10]  }
0x19f: {  	v23 =	vld [tilespmem:s14+$0x5E20]  }
0x1a0: {  	v6 =	vld [tilespmem:s14+$0x5E30]  }
0x1a1: {  	v5 =	vld [tilespmem:s14+$0x5E40]  }
0x1a2: {  	v10 =	vld [tilespmem:s14+$0x5E70]  }
0x1a3: {  	v4 =	vld [tilespmem:s14+$0xBE40]  }
0x1a4: {  	v14 =	vld [tilespmem:s14+$0x6240]  }
0x1a5: {  	v16 =	vld [tilespmem:s14+$0x6210]  }
0x1a6: {  	v8 =	vld [tilespmem:s14+$0xBE60]  }
0x1a7: {  	v17 =	vld [tilespmem:s14+$0x9230]  }
0x1a8: {  	v22 =	vld [tilespmem:s14+$0x6260]  }
0x1a9: {  	v26 =	vld [tilespmem:s14+$0xBE20]  }
0x1aa: {  	v25 =	vld [tilespmem:s14+$0x9200]  }
0x1ab: {  	v15 =	vld [tilespmem:s14+$0xBE00]  }
0x1ac: {  	v21 =	vld [tilespmem:s14+$0x9260]  }
0x1ad: {  	v29 =	vld [tilespmem:s14+$0x8E20]  }
0x1ae: {  	v20 =	vld [tilespmem:s14+$0xBE50]  }
0x1af: {  	v33 =	vld [tilespmem:s14+$0x6250]  }
0x1b0: {  	v40 =	vld [tilespmem:s14+$0x8E10]  }
0x1b1: {  	v36 =	vld [tilespmem:s14+$0x9250]  }
0x1b2: {  	v42 =	vld [tilespmem:s14+$0x9210]  }
0x1b3: {  	v43 =	vld [tilespmem:s14+$0xC270]  }
0x1b4: {  	v32 =	vld [tilespmem:s14+$0xC250]  }
0x1b5: {  	v31 =	vld [tilespmem:s14+$0x9270]  }
0x1b6: {  	v30 =	vld [tilespmem:s14+$0xC230]  }
0x1b7: {  	v34 =	vld [tilespmem:s14+$0x6270]  }
0x1b8: {  	v35 =	vld [tilespmem:s14+$0x6230]  }
0x1b9: {  	v19 =	vld [tilespmem:s14+$0x6220]  }
0x1ba: {  	v37 =	vld [tilespmem:s14+$0x6200]  }
0x1bb: {  	v46 =	vld [tilespmem:s14+$0x3270]  }
0x1bc: {  	v38 =	vld [tilespmem:s14+$0x2E10]  }
0x1bd: {  	v39 =	vld [tilespmem:s14+$0x2E50]  }
0x1be: {  	v48 =	vld [tilespmem:s14+$0x2E30]  }
0x1bf: {  	s21 =	simm.s32 $0x2A80;
	v49 =	vld [tilespmem:s14+$0x2E70]  }
0x1c0: {  	s15 =	simm.s32 $0x2A00;
	v24 =	vld.msk [tilespmem:s21+$0x0 ss:$0x0], $0xffff  }
0x1c1: {  	v27 =	vld.msk [tilespmem:s15+$0x0 ss:$0x0], $0xffff  }
0x1c2: {  	s22 =	simm.s32 $0x2B00;
	v45 =	vld [tilespmem:s14+$0x3250]  }
0x1c3: {  	v11 =	vld.msk [tilespmem:s22+$0x0 ss:$0x0], $0xffff  }
0x1c4: {  	s23 =	simm.s32 $0x2B80;
	v44 =	vld [tilespmem:s14+$0x2E00]  }
0x1c5: {  	v12 =	vld.msk [tilespmem:s23+$0x0 ss:$0x0], $0xffff  }
0x1c6: {  	v55 =	vld [tilespmem:s14+$0x3260];
	v54 =	vmul.f32 v18, v24;
	v28 =	vmul.f32 v19, v24  }
0x1c7: {  	v56 =	vld [tilespmem:s14+$0x3220];
	v19 =	vmul.f32 v39, v27;
	v37 =	vmul.f32 v37, v24  }
0x1c8: {  	v41 =	vld [tilespmem:s14+$0x3210];
	v38 =	vmul.f32 v38, v27;
	v34 =	vmul.f32 v34, v24  }
0x1c9: {  	v57 =	vld [tilespmem:s14+$0x2E20];
	v18 =	vmul.f32 v44, v27;
	v44 =	vmul.f32 v35, v24  }
0x1ca: {  	v53 =	vld [tilespmem:s14+$0x2E60];
	v47 =	vmul.f32 v23, v24;
	v45 =	vmul.f32 v45, v27  }
0x1cb: {  	v52 =	vld [tilespmem:s14+$0x3200];
	v35 =	vmul.f32 v49, v27;
	v39 =	vmul.f32 v30, v12  }
0x1cc: {  	s16 =	simm.s32 $0x2A01;
	v51 =	vld [tilespmem:s14+$0x3230];
	v30 =	vmul.f32 v48, v27;
	v31 =	vmul.f32 v31, v11  }
0x1cd: {  	s17 =	simm.s32 $0x80;
	s18 =	simm.s32 $0x2B81;
	s19 =	simm.s32 $0x2B01;
	v50 =	vld [tilespmem:s14+$0x2E40];
	v23 =	vmul.f32 v32, v12;
	v32 =	vmul.f32 v55, v27  }
0x1ce: {  	s12 =	sadd.s32 $0x30, s13;
	s20 =	simm.s32 $0x100;
	s15 =	simm.s32 $0x2A81;
	v49 =	vmul.f32 v57, v27;
	v48 =	vadd.f32 v54, v38;
	v38 =	vmul.f32 v56, v27;
	v54 =	vld [tilespmem:s14+$0xC240]  }
.LBB2_3:
0x1cf: {  	s22 =	smov.u32 s20  }
0x1d0: {  	s21 =	sand.u32 $0x3800, s20;
	s23 =	sand.u32 $0x380, s17;
	v53 =	vmul.f32 v53, v27;
	v55 =	vld [tilespmem:s14+$0xBE70];
	v46 =	vmul.f32 v46, v27;
	s22 =	sadd.s32 $0x100, s20  }
0x1d1: {  	p0 =	sne.s32 s20, $0x2F00;
	v43 =	vmul.f32 v43, v12;
	s21 =	sor.u32 s23, s21;
	v52 =	vmul.f32 v52, v27;
	v56 =	vld [tilespmem:s14+$0x3240]  }
0x1d2: {  	v42 =	vmul.f32 v42, v11;
	v51 =	vmul.f32 v51, v27;
	v34 =	vadd.f32 v34, v46;
	v57 =	vld [tilespmem:s21+$0xBE30]  }
0x1d3: {  	v40 =	vmul.f32 v40, v11;
	v50 =	vmul.f32 v50, v27;
	v46 =	vld [tilespmem:s21+$0x5E00]  }
0x1d4: {  	v59 =	vmul.f32 v36, v11;
	v54 =	vmul.f32 v54, v12;
	v31 =	vadd.f32 v31, v34;
	v58 =	vld [tilespmem:s21+$0x5E60]  }
0x1d5: {  	v60 =	vmul.f32 v13, v24;
	v36 =	vadd.f32 v40, v48;
	v40 =	vmul.f32 v9, v12;
	v34 =	vld [tilespmem:s21+$0x5E10]  }
0x1d6: {  	v13 =	vmul.f32 v33, v24;
	v55 =	vmul.f32 v55, v12;
	v33 =	vadd.f32 v43, v31;
	v48 =	vld [tilespmem:s14+$0x5E50]  }
0x1d7: {  	v20 =	vmul.f32 v20, v12;
	v53 =	vadd.f32 v60, v53;
	v43 =	vmul.f32 v7, v24;
	v31 =	vld [tilespmem:s21+$0x5E20];
	v9 =	vmovc v57  }
0x1d8: {  	v29 =	vmul.f32 v29, v11;
	v21 =	vmul.f32 v21, v11;
	v47 =	vadd.f32 v47, v49;
	v49 =	vld [tilespmem:s14+$0x8E60];
	[tilespmem:s14+$0x3270] =	vst v33  }
0x1d9: {  	v15 =	vmul.f32 v15, v12;
	v25 =	vmul.f32 v25, v11;
	v45 =	vadd.f32 v13, v45;
	v7 =	vmovc v46;
	v33 =	vld [tilespmem:s21+$0x5E30]  }
0x1da: {  	v26 =	vmul.f32 v26, v12;
	v22 =	vmul.f32 v22, v24;
	v29 =	vadd.f32 v29, v47;
	v13 =	vmovc v58;
	v46 =	vld [tilespmem:s14+$0xC200]  }
0x1db: {  	v41 =	vmul.f32 v41, v27;
	v44 =	vadd.f32 v44, v51;
	v45 =	vadd.f32 v59, v45;
	v47 =	vld [tilespmem:s21+$0x5E40]  }
0x1dc: {  	v17 =	vmul.f32 v17, v11;
	v26 =	vadd.f32 v26, v29;
	v29 =	vmul.f32 v48, v24;
	v48 =	vld [tilespmem:s14+$0xC210]  }
0x1dd: {  	v52 =	vadd.f32 v37, v52;
	v51 =	vmul.f32 v6, v24;
	v49 =	vmul.f32 v49, v11  }
0x1de: {  	v37 =	vmul.f32 v8, v12;
	v8 =	vmul.f32 v16, v24;
	v16 =	vadd.f32 v17, v44;
	[tilespmem:s14+$0x2E20] =	vst v26;
	v17 =	vld [tilespmem:s14+$0x9240]  }
0x1df: {  	v14 =	vmul.f32 v14, v24;
	v25 =	vadd.f32 v25, v52;
	v6 =	vmovc v33;
	v26 =	vmul.f32 v46, v12;
	v44 =	vld [tilespmem:s14+$0x9220]  }
0x1e0: {  	v46 =	vmul.f32 v4, v12;
	v4 =	vmul.f32 v10, v24;
	v10 =	vadd.f32 v39, v16;
	v33 =	vld [tilespmem:s14+$0x8E30]  }
0x1e1: {  	v41 =	vadd.f32 v8, v41;
	v39 =	vadd.f32 v49, v53;
	v48 =	vmul.f32 v48, v12;
	v8 =	vld [tilespmem:s14+$0xC220]  }
0x1e2: {  	v16 =	vmul.f32 v5, v24;
	v5 =	vmovc v47;
	v24 =	vadd.f32 v26, v25;
	v25 =	vmul.f32 v56, v27;
	v26 =	vld [tilespmem:s14+$0xC260]  }
0x1e3: {  	v28 =	vadd.f32 v28, v38;
	v27 =	vadd.f32 v4, v35;
	v4 =	vld [tilespmem:s14+$0x8E70];
	[tilespmem:s14+$0x3230] =	vst v10;
	v10 =	vmul.f32 v17, v11  }
0x1e4: {  	v35 =	vadd.f32 v16, v50;
	v14 =	vadd.f32 v14, v25;
	v16 =	vld [tilespmem:s14+$0x8E50];
	[tilespmem:s14+$0x3200] =	vst v24;
	v17 =	vmul.f32 v44, v11  }
0x1e5: {  	v22 =	vadd.f32 v22, v32;
	v25 =	vadd.f32 v51, v30;
	v24 =	vld [tilespmem:s14+$0x8E00];
	v30 =	vmul.f32 v33, v11  }
0x1e6: {  	v14 =	vadd.f32 v10, v14;
	v32 =	vld [tilespmem:s14+$0x8E40];
	v17 =	vadd.f32 v17, v28;
	v8 =	vmul.f32 v8, v12  }
0x1e7: {  	v21 =	vadd.f32 v21, v22;
	v28 =	vld [tilespmem:s14+$0xBE10];
	v25 =	vadd.f32 v30, v25;
	v22 =	vmul.f32 v26, v12  }
0x1e8: {  	v10 =	vld [tilespmem:s21+$0x5E70];
	v26 =	vmul.f32 v4, v11;
	v8 =	vadd.f32 v8, v17;
	v17 =	vadd.f32 v54, v14  }
0x1e9: {  	v19 =	vadd.f32 v29, v19;
	v4 =	vld [tilespmem:s21+$0xBE40];
	v29 =	vmul.f32 v16, v11;
	v21 =	vadd.f32 v22, v21  }
0x1ea: {  	v18 =	vadd.f32 v43, v18;
	v14 =	vld [tilespmem:s21+$0x6240];
	v22 =	vmul.f32 v24, v11;
	v24 =	vadd.f32 v40, v25;
	[tilespmem:s14+$0x3240] =	vst v17  }
0x1eb: {  	v25 =	vadd.f32 v26, v27;
	v16 =	vld [tilespmem:s21+$0x6210];
	v19 =	vadd.f32 v29, v19;
	[tilespmem:s14+$0x3220] =	vst v8  }
0x1ec: {  	v23 =	vadd.f32 v23, v45;
	v8 =	vld [tilespmem:s21+$0xBE60];
	v18 =	vadd.f32 v22, v18;
	[tilespmem:s14+$0x2E30] =	vst v24  }
0x1ed: {  	v12 =	vmul.f32 v28, v12;
	v17 =	vld [tilespmem:s21+$0x9230];
	v19 =	vadd.f32 v20, v19;
	v20 =	vadd.f32 v55, v25;
	[tilespmem:s14+$0x3260] =	vst v21  }
0x1ee: {  	v11 =	vmul.f32 v32, v11;
	v22 =	vld [tilespmem:s21+$0x6260];
	v18 =	vadd.f32 v15, v18;
	v15 =	vadd.f32 v42, v41;
	[tilespmem:s14+$0x3250] =	vst v23  }
0x1ef: {  	v21 =	vadd.f32 v37, v39;
	v12 =	vadd.f32 v12, v36;
	v26 =	vld [tilespmem:s21+$0xBE20];
	[tilespmem:s14+$0x2E70] =	vst v20  }
0x1f0: {  	v11 =	vadd.f32 v11, v35;
	v25 =	vld [tilespmem:s21+$0x9200];
	[tilespmem:s14+$0x2E50] =	vst v19;
	v19 =	vadd.f32 v48, v15  }
0x1f1: {  	v15 =	vld [tilespmem:s21+$0xBE00];
	[tilespmem:s14+$0x2E60] =	vst v21  }
0x1f2: {  	v11 =	vadd.f32 v46, v11;
	v21 =	vld [tilespmem:s21+$0x9260];
	[tilespmem:s14+$0x3210] =	vst v19  }
0x1f3: {  	v29 =	vld [tilespmem:s21+$0x8E20];
	[tilespmem:s14+$0x2E10] =	vst v12  }
0x1f4: {  	v20 =	vld [tilespmem:s21+$0xBE50];
	[tilespmem:s14+$0x2E00] =	vst v18  }
0x1f5: {  	v33 =	vld [tilespmem:s21+$0x6250];
	[tilespmem:s14+$0x2E40] =	vst v11;
	s14 =	smov.u32 s21  }
0x1f6: {  	v40 =	vld [tilespmem:s14+$0x8E10]  }
0x1f7: {  	v36 =	vld [tilespmem:s14+$0x9250]  }
0x1f8: {  	v42 =	vld [tilespmem:s14+$0x9210]  }
0x1f9: {  	v43 =	vld [tilespmem:s14+$0xC270]  }
0x1fa: {  	v23 =	vld [tilespmem:s14+$0xC250]  }
0x1fb: {  	v32 =	vld [tilespmem:s14+$0x9270]  }
0x1fc: {  	v30 =	vld [tilespmem:s14+$0xC230]  }
0x1fd: {  	v18 =	vld [tilespmem:s14+$0x6270]  }
0x1fe: {  	v35 =	vld [tilespmem:s14+$0x6230]  }
0x1ff: {  	v19 =	vld [tilespmem:s14+$0x6220]  }
0x200: {  	v37 =	vld [tilespmem:s14+$0x6200]  }
0x201: {  	v46 =	vld [tilespmem:s14+$0x3270]  }
0x202: {  	v38 =	vld [tilespmem:s14+$0x2E10]  }
0x203: {  	v39 =	vld [tilespmem:s14+$0x2E50]  }
0x204: {  	v49 =	vld [tilespmem:s14+$0x2E30]  }
0x205: {  	v50 =	vld [tilespmem:s14+$0x2E70]  }
0x206: {  	v24 =	vld.msk [tilespmem:s15+$0x0 ss:$0x0], $0xffff  }
0x207: {  	v27 =	vld.msk [tilespmem:s16+$0x0 ss:$0x0], $0xffff  }
0x208: {  	v45 =	vld [tilespmem:s14+$0x3250]  }
0x209: {  	v11 =	vld.msk [tilespmem:s19+$0x0 ss:$0x0], $0xffff  }
0x20a: {  	v44 =	vld [tilespmem:s14+$0x2E00]  }
0x20b: {  	v12 =	vld.msk [tilespmem:s18+$0x0 ss:$0x0], $0xffff  }
0x20c: {  	v47 =	vmul.f32 v34, v24;
	v28 =	vmul.f32 v19, v24;
	v54 =	vld [tilespmem:s14+$0x3260]  }
0x20d: {  	v37 =	vmul.f32 v37, v24;
	v19 =	vmul.f32 v39, v27;
	v55 =	vld [tilespmem:s14+$0x3220]  }
0x20e: {  	v34 =	vmul.f32 v18, v24;
	v38 =	vmul.f32 v38, v27;
	v41 =	vld [tilespmem:s14+$0x3210]  }
0x20f: {  	v18 =	vmul.f32 v44, v27;
	v56 =	vld [tilespmem:s14+$0x2E20];
	v44 =	vmul.f32 v35, v24  }
.Ltmp0:
0x210: {  	v45 =	vmul.f32 v45, v27;
	v48 =	vadd.f32 v47, v38;
	v47 =	vmul.f32 v31, v24;
	v53 =	vld [tilespmem:s14+$0x2E60];
	(pc) =	sbr.rel @p0 .LBB2_3-.Ltmp0, $4  }
0x211: {  	v35 =	vmul.f32 v50, v27;
	v39 =	vmul.f32 v30, v12;
	v52 =	vld [tilespmem:s14+$0x3200]  }
0x212: {  	v31 =	vmul.f32 v32, v11;
	v30 =	vmul.f32 v49, v27;
	v51 =	vld [tilespmem:s14+$0x3230]  }
0x213: {  	s17 =	sadd.s32 $0x80, s17;
	s15 =	sadd.s32 $0x1, s15;
	s16 =	sadd.s32 $0x1, s16;
	v23 =	vmul.f32 v23, v12;
	v32 =	vmul.f32 v54, v27;
	v50 =	vld [tilespmem:s14+$0x2E40]  }
0x214: {  	s20 =	smov.u32 s22;
	s19 =	sadd.s32 $0x1, s19;
	s18 =	sadd.s32 $0x1, s18;
	v38 =	vmul.f32 v55, v27;
	v49 =	vmul.f32 v56, v27;
	v54 =	vld [tilespmem:s14+$0xC240]  }
0x215: {  	v46 =	vmul.f32 v46, v27  }
0x216: {  	v53 =	vmul.f32 v53, v27;
	v43 =	vmul.f32 v43, v12  }
0x217: {  	v42 =	vmul.f32 v42, v11;
	v40 =	vmul.f32 v40, v11  }
0x218: {  	v29 =	vmul.f32 v29, v11;
	v36 =	vmul.f32 v36, v11  }
0x219: {  	v9 =	vmul.f32 v9, v12;
	v13 =	vmul.f32 v13, v24  }
0x21a: {  	v26 =	vmul.f32 v26, v12;
	v33 =	vmul.f32 v33, v24  }
0x21b: {  	v7 =	vmul.f32 v7, v24;
	v17 =	vmul.f32 v17, v11  }
0x21c: {  	v25 =	vmul.f32 v25, v11;
	v22 =	vmul.f32 v22, v24  }
0x21d: {  	v56 =	vmul.f32 v41, v27;
	v16 =	vmul.f32 v16, v24  }
0x21e: {  	v14 =	vmul.f32 v14, v24;
	v10 =	vmul.f32 v10, v24  }
0x21f: {  	v5 =	vmul.f32 v5, v24;
	v47 =	vadd.f32 v47, v49;
	v28 =	vadd.f32 v28, v38  }
0x220: {  	v61 =	vld [tilespmem:s14+$0xBE70];
	v6 =	vmul.f32 v6, v24;
	v34 =	vadd.f32 v34, v46;
	v40 =	vadd.f32 v40, v48  }
0x221: {  	v62 =	vld [tilespmem:s14+$0x3240];
	v21 =	vmul.f32 v21, v11;
	v13 =	vadd.f32 v13, v53;
	v53 =	vadd.f32 v33, v45  }
0x222: {  	v63 =	vld [tilespmem:s14+$0x8E60];
	v8 =	vmul.f32 v8, v12;
	v16 =	vadd.f32 v16, v56;
	v10 =	vadd.f32 v10, v35  }
0x223: {  	v57 =	vld [tilespmem:s14+$0x9240];
	v52 =	vmul.f32 v52, v27;
	v6 =	vadd.f32 v6, v30;
	v22 =	vadd.f32 v22, v32  }
0x224: {  	v60 =	vld [tilespmem:s14+$0x8E30];
	v51 =	vmul.f32 v51, v27;
	v7 =	vadd.f32 v7, v18;
	v29 =	vadd.f32 v29, v47  }
0x225: {  	v59 =	vld [tilespmem:s14+$0x9220];
	v50 =	vmul.f32 v50, v27;
	v37 =	vadd.f32 v37, v52;
	v31 =	vadd.f32 v31, v34  }
0x226: {  	v49 =	vld [tilespmem:s14+$0x5E50];
	v54 =	vmul.f32 v54, v12;
	v55 =	vadd.f32 v44, v51;
	v21 =	vadd.f32 v21, v22  }
0x227: {  	v48 =	vld [tilespmem:s14+$0xC200];
	v16 =	vadd.f32 v42, v16;
	v46 =	vmul.f32 v61, v12;
	v26 =	vadd.f32 v26, v29  }
0x228: {  	v47 =	vld [tilespmem:s14+$0x8E00];
	v29 =	vadd.f32 v36, v53;
	v58 =	vmul.f32 v63, v11;
	v25 =	vadd.f32 v25, v37  }
0x229: {  	v44 =	vld [tilespmem:s14+$0xC210];
	v5 =	vadd.f32 v5, v50;
	v45 =	vmul.f32 v60, v11;
	v31 =	vadd.f32 v43, v31  }
0x22a: {  	v51 =	vld [tilespmem:s14+$0xBE10];
	v62 =	vmul.f32 v62, v27;
	v17 =	vadd.f32 v17, v55;
	v13 =	vadd.f32 v58, v13  }
0x22b: {  	v61 =	vld [tilespmem:s14+$0xC220];
	v38 =	vmul.f32 v57, v11;
	[tilespmem:s14+$0x2E20] =	vst v26;
	v6 =	vadd.f32 v45, v6;
	v57 =	vadd.f32 v23, v29  }
0x22c: {  	v63 =	vld [tilespmem:s14+$0xC260];
	v43 =	vmul.f32 v59, v11;
	v14 =	vadd.f32 v14, v62;
	[tilespmem:s14+$0x3270] =	vst v31;
	v17 =	vadd.f32 v39, v17  }
0x22d: {  	v36 =	vld [tilespmem:s14+$0x8E70];
	v49 =	vmul.f32 v49, v24;
	v31 =	vmul.f32 v48, v12;
	v6 =	vadd.f32 v9, v6;
	[tilespmem:s14+$0x3250] =	vst v57  }
0x22e: {  	v50 =	vld [tilespmem:s14+$0x8E40];
	v62 =	vmul.f32 v15, v12;
	v14 =	vadd.f32 v38, v14;
	v8 =	vadd.f32 v8, v13;
	[tilespmem:s14+$0x3230] =	vst v17  }
0x22f: {  	v39 =	vld [tilespmem:s14+$0x8E50];
	v48 =	vadd.f32 v43, v28;
	v58 =	vmul.f32 v44, v12;
	v25 =	vadd.f32 v31, v25;
	[tilespmem:s14+$0x2E30] =	vst v6  }
0x230: {  	v59 =	vmul.f32 v47, v11;
	v60 =	vmul.f32 v51, v12;
	v14 =	vadd.f32 v54, v14;
	[tilespmem:s14+$0x2E60] =	vst v8  }
0x231: {  	v26 =	vmul.f32 v61, v12;
	v52 =	vmul.f32 v63, v12;
	v63 =	vadd.f32 v58, v16;
	[tilespmem:s14+$0x3200] =	vst v25  }
0x232: {  	v19 =	vadd.f32 v49, v19;
	v53 =	vmul.f32 v36, v11;
	v6 =	vadd.f32 v60, v40;
	[tilespmem:s14+$0x3240] =	vst v14  }
0x233: {  	v61 =	vmul.f32 v50, v11;
	v7 =	vadd.f32 v59, v7;
	v25 =	vadd.f32 v26, v48;
	[tilespmem:s14+$0x3210] =	vst v63  }
0x234: {  	v56 =	vadd.f32 v52, v21;
	v10 =	vadd.f32 v53, v10;
	v54 =	vmul.f32 v39, v11;
	[tilespmem:s14+$0x2E10] =	vst v6  }
0x235: {  	v4 =	vmul.f32 v4, v12;
	v5 =	vadd.f32 v61, v5;
	v7 =	vadd.f32 v62, v7;
	[tilespmem:s14+$0x3220] =	vst v25  }
0x236: {  	p0 =	seq.s32 s9, $0x31;
	v55 =	vmul.f32 v20, v12;
	v10 =	vadd.f32 v46, v10;
	[tilespmem:s14+$0x3260] =	vst v56;
	v19 =	vadd.f32 v54, v19  }
.Ltmp1:
0x237: {  	v4 =	vadd.f32 v4, v5;
	[tilespmem:s14+$0x2E00] =	vst v7;
	(pc) =	sbr.rel @p0 .LBB2_6-.Ltmp1, $4  }
0x238: {  	s15 =	sadd.s32 s5, s13;
	[tilespmem:s14+$0x2E70] =	vst v10;
	v9 =	vadd.f32 v55, v19  }
0x239: {  	s15 =	sshll.u32 s15, $0x5;
	[tilespmem:s14+$0x2E40] =	vst v4  }
0x23a: {  	s23 =	sadd.s32 s3, s15;
	[tilespmem:s14+$0x2E50] =	vst v9  }
0x23b: {  	[hbm4b:s23+s4] =	stream.linear.scatter [tilespmem:s11], [sflag:$0x3], $0x3000, $0x38;
	[tilespmem:$0x1AE00] =	vst v63  }
0x23c: {  	v4 =	vld [tilespmem:s13+$0x1360]  }
0x23d: {  	v5 =	vld [tilespmem:s13+$0x60];
	_ =	sdelay $0x3  }
0x23e: {  	v4 =	vmul.f32 $1.190000000e+02, v4  }
0x23f: {  	v5 =	vmul.f32 $1.590000000e+02, v5  }
0x240: {  	v4 =	vmax.f32 v4, $0.0e+00  }
0x241: {  	v5 =	vmax.f32 v5, $0.0e+00;
	v4 =	vmin.f32 v4, $1.190000000e+02  }
0x242: {  	v5 =	vmin.f32 v5, $1.590000000e+02;
	v6 =	vtrunc.f32 v4  }
0x243: {  	v7 =	vtrunc.f32 v5;
	v6 =	vcvt.f32.s32 v6  }
0x244: {  	v7 =	vcvt.f32.s32 v7  }
0x245: {  	v8 =	vadd.s32 $0x1, v6  }
0x246: {  	v9 =	vadd.s32 $0x1, v7;
	v10 =	vmul.u32 $0xA0, v6;
	vm1 =	vlt.s32 v8, $0x77  }
0x247: {  	v8 =	vnsel vm1, $0x77, v8;
	vm1 =	vlt.s32 v9, $0x9F  }
0x248: {  	v11 =	vcvt.s32.f32 v7;
	v10 =	vadd.s32 v0, v10;
	v9 =	vnsel vm1, $0x9F, v9  }
0x249: {  	v12 =	vmul.u32 $0xA0, v8;
	v8 =	vcvt.s32.f32 v8;
	v13 =	vcvt.s32.f32 v9  }
0x24a: {  	v6 =	vcvt.s32.f32 v6;
	v14 =	vadd.s32 v7, v10;
	v31 =	vadd.s32 v9, v10  }
0x24b: {  	[tilespmem:$0x2600] =	vst v14;
	v12 =	vadd.s32 v0, v12;
	v8 =	vsub.f32 v8, v4;
	v13 =	vsub.f32 v13, v5  }
0x24c: {  	v4 =	vsub.f32 v4, v6;
	[tilespmem:$0x2700] =	vst v31;
	v7 =	vadd.s32 v7, v12  }
0x24d: {  	v32 =	vadd.s32 v9, v12;
	v5 =	vsub.f32 v5, v11;
	[tilespmem:$0x2680] =	vst v7;
	v33 =	vmul.f32 v8, v13  }
0x24e: {  	[tilespmem:$0x2780] =	vst v32;
	v34 =	vmul.f32 v13, v4  }
0x24f: {  	v35 =	vmul.f32 v8, v5;
	[tilespmem:$0x2A00] =	vst v33  }
0x250: {  	v4 =	vmul.f32 v4, v5;
	[tilespmem:$0x2A80] =	vst v34  }
0x251: {  	[tilespmem:$0x2B00] =	vst v35  }
0x252: {  	[tilespmem:$0x2B80] =	vst v4  }
0x253: {  	v4 =	vld [tilespmem:s13+$0x1370]  }
0x254: {  	v5 =	vld [tilespmem:s13+$0x70];
	_ =	sdelay $0x3  }
0x255: {  	v4 =	vmul.f32 $1.190000000e+02, v4  }
0x256: {  	v5 =	vmul.f32 $1.590000000e+02, v5  }
0x257: {  	v4 =	vmax.f32 v4, $0.0e+00  }
0x258: {  	v5 =	vmax.f32 v5, $0.0e+00;
	v4 =	vmin.f32 v4, $1.190000000e+02  }
0x259: {  	v5 =	vmin.f32 v5, $1.590000000e+02;
	v36 =	vtrunc.f32 v4  }
0x25a: {  	v37 =	vtrunc.f32 v5;
	v6 =	vcvt.f32.s32 v36  }
0x25b: {  	v7 =	vcvt.f32.s32 v37  }
0x25c: {  	v38 =	vadd.s32 $0x1, v6  }
0x25d: {  	v39 =	vadd.s32 $0x1, v7;
	v40 =	vmul.u32 $0xA0, v6;
	vm1 =	vlt.s32 v38, $0x77  }
0x25e: {  	v8 =	vnsel vm1, $0x77, v38;
	vm1 =	vlt.s32 v39, $0x9F  }
0x25f: {  	v41 =	vcvt.s32.f32 v7;
	v10 =	vadd.s32 v0, v40;
	v9 =	vnsel vm1, $0x9F, v39  }
0x260: {  	v42 =	vmul.u32 $0xA0, v8;
	v8 =	vcvt.s32.f32 v8;
	v43 =	vcvt.s32.f32 v9  }
0x261: {  	v6 =	vcvt.s32.f32 v6;
	v44 =	vadd.s32 v7, v10;
	v45 =	vadd.s32 v9, v10  }
0x262: {  	[tilespmem:$0x2610] =	vst v44;
	v12 =	vadd.s32 v0, v42;
	v8 =	vsub.f32 v8, v4;
	v13 =	vsub.f32 v43, v5  }
0x263: {  	v4 =	vsub.f32 v4, v6;
	[tilespmem:$0x2710] =	vst v45;
	v7 =	vadd.s32 v7, v12  }
0x264: {  	v46 =	vadd.s32 v9, v12;
	v5 =	vsub.f32 v5, v41;
	[tilespmem:$0x2690] =	vst v7;
	v47 =	vmul.f32 v8, v13  }
0x265: {  	[tilespmem:$0x2790] =	vst v46;
	v48 =	vmul.f32 v13, v4  }
0x266: {  	v49 =	vmul.f32 v8, v5;
	[tilespmem:$0x2A10] =	vst v47  }
0x267: {  	v4 =	vmul.f32 v4, v5;
	[tilespmem:$0x2A90] =	vst v48  }
0x268: {  	[tilespmem:$0x2B10] =	vst v49  }
0x269: {  	[tilespmem:$0x2B90] =	vst v4  }
0x26a: {  	v4 =	vld [tilespmem:s13+$0x1380]  }
0x26b: {  	v5 =	vld [tilespmem:s13+$0x80];
	_ =	sdelay $0x3  }
0x26c: {  	v4 =	vmul.f32 $1.190000000e+02, v4  }
0x26d: {  	v5 =	vmul.f32 $1.590000000e+02, v5  }
0x26e: {  	v4 =	vmax.f32 v4, $0.0e+00  }
0x26f: {  	v5 =	vmax.f32 v5, $0.0e+00;
	v4 =	vmin.f32 v4, $1.190000000e+02  }
0x270: {  	v5 =	vmin.f32 v5, $1.590000000e+02;
	v50 =	vtrunc.f32 v4  }
0x271: {  	v51 =	vtrunc.f32 v5;
	v6 =	vcvt.f32.s32 v50  }
0x272: {  	v7 =	vcvt.f32.s32 v51  }
0x273: {  	v52 =	vadd.s32 $0x1, v6  }
0x274: {  	v53 =	vadd.s32 $0x1, v7;
	v54 =	vmul.u32 $0xA0, v6;
	vm1 =	vlt.s32 v52, $0x77  }
0x275: {  	v8 =	vnsel vm1, $0x77, v52;
	vm1 =	vlt.s32 v53, $0x9F  }
0x276: {  	v55 =	vcvt.s32.f32 v7;
	v10 =	vadd.s32 v0, v54;
	v9 =	vnsel vm1, $0x9F, v53  }
0x277: {  	v56 =	vmul.u32 $0xA0, v8;
	v8 =	vcvt.s32.f32 v8;
	v57 =	vcvt.s32.f32 v9  }
0x278: {  	v6 =	vcvt.s32.f32 v6;
	v58 =	vadd.s32 v7, v10;
	v59 =	vadd.s32 v9, v10  }
0x279: {  	[tilespmem:$0x2620] =	vst v58;
	v12 =	vadd.s32 v0, v56;
	v8 =	vsub.f32 v8, v4;
	v13 =	vsub.f32 v57, v5  }
0x27a: {  	v4 =	vsub.f32 v4, v6;
	[tilespmem:$0x2720] =	vst v59;
	v7 =	vadd.s32 v7, v12  }
0x27b: {  	v60 =	vadd.s32 v9, v12;
	v5 =	vsub.f32 v5, v55;
	[tilespmem:$0x26A0] =	vst v7;
	v61 =	vmul.f32 v8, v13  }
0x27c: {  	[tilespmem:$0x27A0] =	vst v60;
	v62 =	vmul.f32 v13, v4  }
0x27d: {  	v63 =	vmul.f32 v8, v5;
	[tilespmem:$0x2A20] =	vst v61  }
0x27e: {  	v4 =	vmul.f32 v4, v5;
	[tilespmem:$0x2AA0] =	vst v62  }
0x27f: {  	[tilespmem:$0x2B20] =	vst v63  }
0x280: {  	[tilespmem:$0x2BA0] =	vst v4  }
0x281: {  	_ =	swait.ge [sflag:s8], $0x3000  }
0x282: {  	[sflag:s8] =	ssyncset.done $0x0  }
0x283: {  	[sflag:s8] =	ssyncadd.s32 $0xFFFFD000  }
0x284: {  	v4 =	vld [tilespmem:$0x2600];
	_ =	sdelay $0x4  }
0x285: {  	v5 =	vshll.u32 v4, $0x1  }
0x286: {  	v4 =	vand.u32 $0x7, v4;
	v5 =	vand.u32 $0xFFFFFFF0, v5  }
0x287: {  	v4 =	vor.u32 v4, v5  }
0x288: {  	v5 =	vperm.xlane v4, v1;
	_ =	sdelay $0x1  }
0x289: {  	v4 =	vperm.xlane v4, v3;
	v5 =	vadd.s32 v2, v5;
	_ =	sdelay $0x1  }
0x28a: {  	v4 =	vadd.s32 v2, v4;
	_ =	sdelay $0x2  }
0x28b: {  	[tilespmem:s11], [sflag:$0x1] =	stream.indirect_vreg.gather [hbm4b:s1+s4], $0x80, v5, vm0, $0xb8;
	[tilespmem:$0x1AE00] =	vst v63  }
0x28c: {  	s21 =	simm.s32 $0x3600  }
0x28d: {  	[tilespmem:s21], [sflag:$0x1] =	stream.indirect_vreg.gather [hbm4b:s1+s4], $0x80, v4, vm0, $0xb8;
	[tilespmem:$0x1AE00] =	vst v63  }
0x28e: {  	v4 =	vld [tilespmem:$0x2610];
	_ =	sdelay $0x4  }
0x28f: {  	v5 =	vshll.u32 v4, $0x1  }
0x290: {  	v4 =	vand.u32 $0x7, v4;
	v5 =	vand.u32 $0xFFFFFFF0, v5  }
0x291: {  	v4 =	vor.u32 v4, v5  }
0x292: {  	v5 =	vperm.xlane v4, v1;
	_ =	sdelay $0x1  }
0x293: {  	v4 =	vperm.xlane v4, v3;
	v5 =	vadd.s32 v2, v5;
	_ =	sdelay $0x1  }
0x294: {  	v4 =	vadd.s32 v2, v4;
	_ =	sdelay $0x1  }
0x295: {  	s22 =	simm.s32 $0x3E00  }
0x296: {  	[tilespmem:s22], [sflag:$0x1] =	stream.indirect_vreg.gather [hbm4b:s1+s4], $0x80, v5, vm0, $0xb8;
	[tilespmem:$0x1AE00] =	vst v63  }
0x297: {  	s23 =	simm.s32 $0x4600  }
0x298: {  	[tilespmem:s23], [sflag:$0x1] =	stream.indirect_vreg.gather [hbm4b:s1+s4], $0x80, v4, vm0, $0xb8;
	[tilespmem:$0x1AE00] =	vst v63  }
0x299: {  	v4 =	vld [tilespmem:$0x2620];
	_ =	sdelay $0x4  }
0x29a: {  	v5 =	vshll.u32 v4, $0x1  }
0x29b: {  	v4 =	vand.u32 $0x7, v4;
	v5 =	vand.u32 $0xFFFFFFF0, v5  }
0x29c: {  	v4 =	vor.u32 v4, v5  }
0x29d: {  	v5 =	vperm.xlane v4, v1;
	_ =	sdelay $0x1  }
0x29e: {  	v4 =	vperm.xlane v4, v3;
	v5 =	vadd.s32 v2, v5;
	_ =	sdelay $0x1  }
0x29f: {  	v4 =	vadd.s32 v2, v4;
	_ =	sdelay $0x1  }
0x2a0: {  	s14 =	simm.s32 $0x4E00  }
0x2a1: {  	[tilespmem:s14], [sflag:$0x1] =	stream.indirect_vreg.gather [hbm4b:s1+s4], $0x80, v5, vm0, $0xb8;
	[tilespmem:$0x1AE00] =	vst v63  }
0x2a2: {  	s15 =	simm.s32 $0x5600  }
0x2a3: {  	[tilespmem:s15], [sflag:$0x1] =	stream.indirect_vreg.gather [hbm4b:s1+s4], $0x80, v4, vm0, $0xb8;
	[tilespmem:$0x1AE00] =	vst v63  }
0x2a4: {  	v4 =	vld [tilespmem:$0x2680];
	_ =	sdelay $0x4  }
0x2a5: {  	v5 =	vshll.u32 v4, $0x1  }
0x2a6: {  	v4 =	vand.u32 $0x7, v4;
	v5 =	vand.u32 $0xFFFFFFF0, v5  }
0x2a7: {  	v4 =	vor.u32 v4, v5  }
0x2a8: {  	v5 =	vperm.xlane v4, v1;
	_ =	sdelay $0x1  }
0x2a9: {  	v4 =	vperm.xlane v4, v3;
	v5 =	vadd.s32 v2, v5;
	_ =	sdelay $0x1  }
0x2aa: {  	v4 =	vadd.s32 v2, v4;
	_ =	sdelay $0x1  }
0x2ab: {  	s16 =	simm.s32 $0x5E00  }
0x2ac: {  	[tilespmem:s16], [sflag:$0x1] =	stream.indirect_vreg.gather [hbm4b:s1+s4], $0x80, v5, vm0, $0xb8;
	[tilespmem:$0x1AE00] =	vst v63  }
0x2ad: {  	s17 =	simm.s32 $0x6600  }
0x2ae: {  	[tilespmem:s17], [sflag:$0x1] =	stream.indirect_vreg.gather [hbm4b:s1+s4], $0x80, v4, vm0, $0xb8;
	[tilespmem:$0x1AE00] =	vst v63  }
0x2af: {  	v4 =	vld [tilespmem:$0x2690];
	_ =	sdelay $0x4  }
0x2b0: {  	v5 =	vshll.u32 v4, $0x1  }
0x2b1: {  	v4 =	vand.u32 $0x7, v4;
	v5 =	vand.u32 $0xFFFFFFF0, v5  }
0x2b2: {  	v4 =	vor.u32 v4, v5  }
0x2b3: {  	v5 =	vperm.xlane v4, v1;
	_ =	sdelay $0x1  }
0x2b4: {  	v4 =	vperm.xlane v4, v3;
	v5 =	vadd.s32 v2, v5;
	_ =	sdelay $0x1  }
0x2b5: {  	v4 =	vadd.s32 v2, v4;
	_ =	sdelay $0x1  }
0x2b6: {  	s18 =	simm.s32 $0x6E00  }
0x2b7: {  	[tilespmem:s18], [sflag:$0x1] =	stream.indirect_vreg.gather [hbm4b:s1+s4], $0x80, v5, vm0, $0xb8;
	[tilespmem:$0x1AE00] =	vst v63  }
0x2b8: {  	s19 =	simm.s32 $0x7600  }
0x2b9: {  	[tilespmem:s19], [sflag:$0x1] =	stream.indirect_vreg.gather [hbm4b:s1+s4], $0x80, v4, vm0, $0xb8;
	[tilespmem:$0x1AE00] =	vst v63  }
0x2ba: {  	v4 =	vld [tilespmem:$0x26A0];
	_ =	sdelay $0x4  }
0x2bb: {  	v5 =	vshll.u32 v4, $0x1  }
0x2bc: {  	v4 =	vand.u32 $0x7, v4;
	v5 =	vand.u32 $0xFFFFFFF0, v5  }
0x2bd: {  	v4 =	vor.u32 v4, v5  }
0x2be: {  	v5 =	vperm.xlane v4, v1;
	_ =	sdelay $0x1  }
0x2bf: {  	v4 =	vperm.xlane v4, v3;
	v5 =	vadd.s32 v2, v5;
	_ =	sdelay $0x1  }
0x2c0: {  	v4 =	vadd.s32 v2, v4;
	_ =	sdelay $0x1  }
0x2c1: {  	s20 =	simm.s32 $0x7E00  }
0x2c2: {  	[tilespmem:s20], [sflag:$0x1] =	stream.indirect_vreg.gather [hbm4b:s1+s4], $0x80, v5, vm0, $0xb8;
	[tilespmem:$0x1AE00] =	vst v63  }
0x2c3: {  	s21 =	simm.s32 $0x8600  }
0x2c4: {  	[tilespmem:s21], [sflag:$0x1] =	stream.indirect_vreg.gather [hbm4b:s1+s4], $0x80, v4, vm0, $0xb8;
	[tilespmem:$0x1AE00] =	vst v63  }
0x2c5: {  	v4 =	vld [tilespmem:$0x2700];
	_ =	sdelay $0x4  }
0x2c6: {  	v5 =	vshll.u32 v4, $0x1  }
0x2c7: {  	v4 =	vand.u32 $0x7, v4;
	v5 =	vand.u32 $0xFFFFFFF0, v5  }
0x2c8: {  	v4 =	vor.u32 v4, v5  }
0x2c9: {  	v5 =	vperm.xlane v4, v1;
	_ =	sdelay $0x1  }
0x2ca: {  	v4 =	vperm.xlane v4, v3;
	v5 =	vadd.s32 v2, v5;
	_ =	sdelay $0x1  }
0x2cb: {  	v4 =	vadd.s32 v2, v4;
	_ =	sdelay $0x1  }
0x2cc: {  	s22 =	simm.s32 $0x8E00  }
0x2cd: {  	[tilespmem:s22], [sflag:$0x1] =	stream.indirect_vreg.gather [hbm4b:s1+s4], $0x80, v5, vm0, $0xb8;
	[tilespmem:$0x1AE00] =	vst v63  }
0x2ce: {  	s23 =	simm.s32 $0x9600  }
0x2cf: {  	[tilespmem:s23], [sflag:$0x1] =	stream.indirect_vreg.gather [hbm4b:s1+s4], $0x80, v4, vm0, $0xb8;
	[tilespmem:$0x1AE00] =	vst v63  }
0x2d0: {  	v4 =	vld [tilespmem:$0x2710];
	_ =	sdelay $0x4  }
0x2d1: {  	v5 =	vshll.u32 v4, $0x1  }
0x2d2: {  	v4 =	vand.u32 $0x7, v4;
	v5 =	vand.u32 $0xFFFFFFF0, v5  }
0x2d3: {  	v4 =	vor.u32 v4, v5  }
0x2d4: {  	v5 =	vperm.xlane v4, v1;
	_ =	sdelay $0x1  }
0x2d5: {  	v4 =	vperm.xlane v4, v3;
	v5 =	vadd.s32 v2, v5;
	_ =	sdelay $0x1  }
0x2d6: {  	v4 =	vadd.s32 v2, v4;
	_ =	sdelay $0x1  }
0x2d7: {  	s14 =	simm.s32 $0x9E00  }
0x2d8: {  	[tilespmem:s14], [sflag:$0x1] =	stream.indirect_vreg.gather [hbm4b:s1+s4], $0x80, v5, vm0, $0xb8;
	[tilespmem:$0x1AE00] =	vst v63  }
0x2d9: {  	s15 =	simm.s32 $0xA600  }
0x2da: {  	[tilespmem:s15], [sflag:$0x1] =	stream.indirect_vreg.gather [hbm4b:s1+s4], $0x80, v4, vm0, $0xb8;
	[tilespmem:$0x1AE00] =	vst v63  }
0x2db: {  	v4 =	vld [tilespmem:$0x2720];
	_ =	sdelay $0x4  }
0x2dc: {  	v5 =	vshll.u32 v4, $0x1  }
0x2dd: {  	v4 =	vand.u32 $0x7, v4;
	v5 =	vand.u32 $0xFFFFFFF0, v5  }
0x2de: {  	v4 =	vor.u32 v4, v5  }
0x2df: {  	v5 =	vperm.xlane v4, v1;
	_ =	sdelay $0x1  }
0x2e0: {  	v4 =	vperm.xlane v4, v3;
	v5 =	vadd.s32 v2, v5;
	_ =	sdelay $0x1  }
0x2e1: {  	v4 =	vadd.s32 v2, v4;
	_ =	sdelay $0x1  }
0x2e2: {  	s16 =	simm.s32 $0xAE00  }
0x2e3: {  	[tilespmem:s16], [sflag:$0x1] =	stream.indirect_vreg.gather [hbm4b:s1+s4], $0x80, v5, vm0, $0xb8;
	[tilespmem:$0x1AE00] =	vst v63  }
0x2e4: {  	s17 =	simm.s32 $0xB600  }
0x2e5: {  	[tilespmem:s17], [sflag:$0x1] =	stream.indirect_vreg.gather [hbm4b:s1+s4], $0x80, v4, vm0, $0xb8;
	[tilespmem:$0x1AE00] =	vst v63  }
0x2e6: {  	v4 =	vld [tilespmem:$0x2780];
	_ =	sdelay $0x4  }
0x2e7: {  	v5 =	vshll.u32 v4, $0x1  }
0x2e8: {  	v4 =	vand.u32 $0x7, v4;
	v5 =	vand.u32 $0xFFFFFFF0, v5  }
0x2e9: {  	v4 =	vor.u32 v4, v5  }
0x2ea: {  	v5 =	vperm.xlane v4, v1;
	_ =	sdelay $0x1  }
0x2eb: {  	v4 =	vperm.xlane v4, v3;
	v5 =	vadd.s32 v2, v5;
	_ =	sdelay $0x1  }
0x2ec: {  	v4 =	vadd.s32 v2, v4;
	_ =	sdelay $0x1  }
0x2ed: {  	s18 =	simm.s32 $0xBE00  }
0x2ee: {  	[tilespmem:s18], [sflag:$0x1] =	stream.indirect_vreg.gather [hbm4b:s1+s4], $0x80, v5, vm0, $0xb8;
	[tilespmem:$0x1AE00] =	vst v63  }
0x2ef: {  	s19 =	simm.s32 $0xC600  }
0x2f0: {  	[tilespmem:s19], [sflag:$0x1] =	stream.indirect_vreg.gather [hbm4b:s1+s4], $0x80, v4, vm0, $0xb8;
	[tilespmem:$0x1AE00] =	vst v63  }
0x2f1: {  	v4 =	vld [tilespmem:$0x2790];
	_ =	sdelay $0x4  }
0x2f2: {  	v5 =	vshll.u32 v4, $0x1  }
0x2f3: {  	v4 =	vand.u32 $0x7, v4;
	v5 =	vand.u32 $0xFFFFFFF0, v5  }
0x2f4: {  	v4 =	vor.u32 v4, v5  }
0x2f5: {  	v5 =	vperm.xlane v4, v1;
	_ =	sdelay $0x1  }
0x2f6: {  	v4 =	vperm.xlane v4, v3;
	v5 =	vadd.s32 v2, v5;
	_ =	sdelay $0x1  }
0x2f7: {  	v4 =	vadd.s32 v2, v4;
	_ =	sdelay $0x1  }
0x2f8: {  	s20 =	simm.s32 $0xCE00  }
0x2f9: {  	[tilespmem:s20], [sflag:$0x1] =	stream.indirect_vreg.gather [hbm4b:s1+s4], $0x80, v5, vm0, $0xb8;
	[tilespmem:$0x1AE00] =	vst v63  }
0x2fa: {  	s21 =	simm.s32 $0xD600  }
0x2fb: {  	[tilespmem:s21], [sflag:$0x1] =	stream.indirect_vreg.gather [hbm4b:s1+s4], $0x80, v4, vm0, $0xb8;
	[tilespmem:$0x1AE00] =	vst v63  }
0x2fc: {  	v4 =	vld [tilespmem:$0x27A0];
	_ =	sdelay $0x4  }
0x2fd: {  	v5 =	vshll.u32 v4, $0x1  }
0x2fe: {  	v4 =	vand.u32 $0x7, v4;
	v5 =	vand.u32 $0xFFFFFFF0, v5  }
0x2ff: {  	v4 =	vor.u32 v4, v5  }
0x300: {  	v5 =	vperm.xlane v4, v1;
	_ =	sdelay $0x1  }
0x301: {  	v4 =	vperm.xlane v4, v3;
	v5 =	vadd.s32 v2, v5;
	_ =	sdelay $0x1  }
0x302: {  	v4 =	vadd.s32 v2, v4;
	_ =	sdelay $0x1  }
0x303: {  	s22 =	simm.s32 $0xDE00  }
0x304: {  	[tilespmem:s22], [sflag:$0x1] =	stream.indirect_vreg.gather [hbm4b:s1+s4], $0x80, v5, vm0, $0xb8;
	[tilespmem:$0x1AE00] =	vst v63  }
0x305: {  	s23 =	simm.s32 $0xE600  }
0x306: {  	[tilespmem:s23], [sflag:$0x1] =	stream.indirect_vreg.gather [hbm4b:s1+s4], $0x80, v4, vm0, $0xb8;
	[tilespmem:$0x1AE00] =	vst v63  }
.LBB2_6:
0x307: {  	_ =	swait.ge [sflag:s6], $0x3000  }
0x308: {  	[sflag:s6] =	ssyncset.done $0x0  }
0x309: {  	[sflag:s6] =	ssyncadd.s32 $0xFFFFD000  }
0x30a: {  	_ =	swait.ge [sflag:s6], $0x3000  }
0x30b: {  	[sflag:s6] =	ssyncset.done $0x0  }
0x30c: {  	[sflag:s6] =	ssyncadd.s32 $0xFFFFD000  }
0x30d: {  	_ =	swait.ge [sflag:s6], $0x3000  }
0x30e: {  	[sflag:s6] =	ssyncset.done $0x0  }
0x30f: {  	[sflag:s6] =	ssyncadd.s32 $0xFFFFD000  }
0x310: {  	s13 =	simm.s32 $0x0;
	_ =	swait.ge [sflag:s6], $0x3000  }
0x311: {  	s14 =	sand.u32 $0x3800, s13;
	s13 =	sand.u32 $0x380, s13;
	[sflag:s6] =	ssyncset.done $0x0  }
0x312: {  	s13 =	sor.u32 s13, s14;
	[sflag:s6] =	ssyncadd.s32 $0xFFFFD000  }
0x313: {  	v9 =	vld [tilespmem:s13+$0x17E30]  }
0x314: {  	v7 =	vld [tilespmem:s13+$0x11E00]  }
0x315: {  	v13 =	vld [tilespmem:s13+$0x11E60]  }
0x316: {  	v18 =	vld [tilespmem:s13+$0x11E10]  }
0x317: {  	v23 =	vld [tilespmem:s13+$0x11E20]  }
0x318: {  	v6 =	vld [tilespmem:s13+$0x11E30]  }
0x319: {  	v5 =	vld [tilespmem:s13+$0x11E40]  }
0x31a: {  	v10 =	vld [tilespmem:s13+$0x11E70]  }
0x31b: {  	v4 =	vld [tilespmem:s13+$0x17E40]  }
0x31c: {  	v14 =	vld [tilespmem:s13+$0x12240]  }
0x31d: {  	v16 =	vld [tilespmem:s13+$0x12210]  }
0x31e: {  	v8 =	vld [tilespmem:s13+$0x17E60]  }
0x31f: {  	v17 =	vld [tilespmem:s13+$0x15230]  }
0x320: {  	v22 =	vld [tilespmem:s13+$0x12260]  }
0x321: {  	v26 =	vld [tilespmem:s13+$0x17E20]  }
0x322: {  	v25 =	vld [tilespmem:s13+$0x15200]  }
0x323: {  	v15 =	vld [tilespmem:s13+$0x17E00]  }
0x324: {  	v21 =	vld [tilespmem:s13+$0x15260]  }
0x325: {  	v30 =	vld [tilespmem:s13+$0x14E20]  }
0x326: {  	v20 =	vld [tilespmem:s13+$0x17E50]  }
0x327: {  	v33 =	vld [tilespmem:s13+$0x12250]  }
0x328: {  	v40 =	vld [tilespmem:s13+$0x14E10]  }
0x329: {  	v36 =	vld [tilespmem:s13+$0x15250]  }
0x32a: {  	v42 =	vld [tilespmem:s13+$0x15210]  }
0x32b: {  	v43 =	vld [tilespmem:s13+$0x18270]  }
0x32c: {  	v32 =	vld [tilespmem:s13+$0x18250]  }
0x32d: {  	v31 =	vld [tilespmem:s13+$0x15270]  }
0x32e: {  	v29 =	vld [tilespmem:s13+$0x18230]  }
0x32f: {  	v34 =	vld [tilespmem:s13+$0x12270]  }
0x330: {  	v35 =	vld [tilespmem:s13+$0x12230]  }
0x331: {  	v19 =	vld [tilespmem:s13+$0x12220]  }
0x332: {  	v37 =	vld [tilespmem:s13+$0x12200]  }
0x333: {  	v46 =	vld [tilespmem:s13+$0xF270]  }
0x334: {  	v39 =	vld [tilespmem:s13+$0xEE10]  }
0x335: {  	v38 =	vld [tilespmem:s13+$0xEE50]  }
0x336: {  	v48 =	vld [tilespmem:s13+$0xEE30]  }
0x337: {  	s21 =	simm.s32 $0x2C80;
	v49 =	vld [tilespmem:s13+$0xEE70]  }
0x338: {  	s15 =	simm.s32 $0x2C00;
	v24 =	vld.msk [tilespmem:s21+$0x0 ss:$0x0], $0xffff  }
0x339: {  	v27 =	vld.msk [tilespmem:s15+$0x0 ss:$0x0], $0xffff  }
0x33a: {  	s22 =	simm.s32 $0x2D00;
	v45 =	vld [tilespmem:s13+$0xF250]  }
0x33b: {  	v11 =	vld.msk [tilespmem:s22+$0x0 ss:$0x0], $0xffff  }
0x33c: {  	s23 =	simm.s32 $0x2D80;
	v44 =	vld [tilespmem:s13+$0xEE00]  }
0x33d: {  	v12 =	vld.msk [tilespmem:s23+$0x0 ss:$0x0], $0xffff  }
0x33e: {  	v55 =	vld [tilespmem:s13+$0xF260];
	v54 =	vmul.f32 v18, v24;
	v28 =	vmul.f32 v19, v24  }
0x33f: {  	v63 =	vld [tilespmem:s13+$0xF220];
	v19 =	vmul.f32 v38, v27;
	v38 =	vmul.f32 v37, v24  }
0x340: {  	v41 =	vld [tilespmem:s13+$0xF210];
	v56 =	vmul.f32 v39, v27;
	v34 =	vmul.f32 v34, v24  }
0x341: {  	v57 =	vld [tilespmem:s13+$0xEE20];
	v18 =	vmul.f32 v44, v27;
	v44 =	vmul.f32 v35, v24  }
0x342: {  	v53 =	vld [tilespmem:s13+$0xEE60];
	v47 =	vmul.f32 v23, v24;
	v45 =	vmul.f32 v45, v27  }
0x343: {  	v52 =	vld [tilespmem:s13+$0xF200];
	v35 =	vmul.f32 v49, v27;
	v39 =	vmul.f32 v29, v12  }
0x344: {  	v51 =	vld [tilespmem:s13+$0xF230];
	v29 =	vmul.f32 v48, v27;
	v31 =	vmul.f32 v31, v11  }
0x345: {  	s16 =	simm.s32 $0x80;
	s17 =	simm.s32 $0x2D81;
	s18 =	simm.s32 $0x2D01;
	v50 =	vld [tilespmem:s13+$0xEE40];
	v23 =	vmul.f32 v32, v12;
	v32 =	vmul.f32 v55, v27  }
0x346: {  	s14 =	simm.s32 $0x2C81;
	s21 =	simm.s32 $0x100;
	s15 =	simm.s32 $0x2C01;
	v49 =	vmul.f32 v57, v27;
	v37 =	vmul.f32 v63, v27;
	v48 =	vadd.f32 v54, v56;
	v54 =	vld [tilespmem:s13+$0x18240]  }
.LBB2_7:
0x347: {  	s19 =	smov.u32 s21  }
0x348: {  	s20 =	sand.u32 $0x3800, s21;
	s22 =	sand.u32 $0x380, s16;
	v53 =	vmul.f32 v53, v27;
	v55 =	vld [tilespmem:s13+$0x17E70];
	v46 =	vmul.f32 v46, v27;
	s19 =	sadd.s32 $0x100, s21  }
0x349: {  	p0 =	sne.s32 s21, $0x2F00;
	v43 =	vmul.f32 v43, v12;
	s20 =	sor.u32 s22, s20;
	v52 =	vmul.f32 v52, v27;
	v56 =	vld [tilespmem:s13+$0xF240]  }
0x34a: {  	v42 =	vmul.f32 v42, v11;
	v51 =	vmul.f32 v51, v27;
	v34 =	vadd.f32 v34, v46;
	v57 =	vld [tilespmem:s20+$0x17E30]  }
0x34b: {  	v40 =	vmul.f32 v40, v11;
	v50 =	vmul.f32 v50, v27;
	v46 =	vld [tilespmem:s20+$0x11E00]  }
0x34c: {  	v59 =	vmul.f32 v36, v11;
	v54 =	vmul.f32 v54, v12;
	v31 =	vadd.f32 v31, v34;
	v58 =	vld [tilespmem:s20+$0x11E60]  }
0x34d: {  	v60 =	vmul.f32 v13, v24;
	v36 =	vadd.f32 v40, v48;
	v40 =	vmul.f32 v9, v12;
	v34 =	vld [tilespmem:s20+$0x11E10]  }
0x34e: {  	v13 =	vmul.f32 v33, v24;
	v55 =	vmul.f32 v55, v12;
	v33 =	vadd.f32 v43, v31;
	v48 =	vld [tilespmem:s13+$0x11E50]  }
0x34f: {  	v20 =	vmul.f32 v20, v12;
	v53 =	vadd.f32 v60, v53;
	v43 =	vmul.f32 v7, v24;
	v31 =	vld [tilespmem:s20+$0x11E20];
	v9 =	vmovc v57  }
0x350: {  	v30 =	vmul.f32 v30, v11;
	v21 =	vmul.f32 v21, v11;
	v47 =	vadd.f32 v47, v49;
	v49 =	vld [tilespmem:s13+$0x14E60];
	[tilespmem:s13+$0xF270] =	vst v33  }
0x351: {  	v15 =	vmul.f32 v15, v12;
	v25 =	vmul.f32 v25, v11;
	v45 =	vadd.f32 v13, v45;
	v7 =	vmovc v46;
	v33 =	vld [tilespmem:s20+$0x11E30]  }
0x352: {  	v26 =	vmul.f32 v26, v12;
	v22 =	vmul.f32 v22, v24;
	v30 =	vadd.f32 v30, v47;
	v13 =	vmovc v58;
	v46 =	vld [tilespmem:s13+$0x18200]  }
0x353: {  	v41 =	vmul.f32 v41, v27;
	v44 =	vadd.f32 v44, v51;
	v45 =	vadd.f32 v59, v45;
	v47 =	vld [tilespmem:s20+$0x11E40]  }
0x354: {  	v17 =	vmul.f32 v17, v11;
	v26 =	vadd.f32 v26, v30;
	v30 =	vmul.f32 v48, v24;
	v48 =	vld [tilespmem:s13+$0x18210]  }
0x355: {  	v52 =	vadd.f32 v38, v52;
	v51 =	vmul.f32 v6, v24;
	v49 =	vmul.f32 v49, v11  }
0x356: {  	v38 =	vmul.f32 v8, v12;
	v8 =	vmul.f32 v16, v24;
	v16 =	vadd.f32 v17, v44;
	[tilespmem:s13+$0xEE20] =	vst v26;
	v17 =	vld [tilespmem:s13+$0x15240]  }
0x357: {  	v14 =	vmul.f32 v14, v24;
	v25 =	vadd.f32 v25, v52;
	v6 =	vmovc v33;
	v26 =	vmul.f32 v46, v12;
	v44 =	vld [tilespmem:s13+$0x15220]  }
0x358: {  	v46 =	vmul.f32 v4, v12;
	v4 =	vmul.f32 v10, v24;
	v10 =	vadd.f32 v39, v16;
	v33 =	vld [tilespmem:s13+$0x14E30]  }
0x359: {  	v41 =	vadd.f32 v8, v41;
	v39 =	vadd.f32 v49, v53;
	v48 =	vmul.f32 v48, v12;
	v8 =	vld [tilespmem:s13+$0x18220]  }
0x35a: {  	v16 =	vmul.f32 v5, v24;
	v5 =	vmovc v47;
	v24 =	vadd.f32 v26, v25;
	v25 =	vmul.f32 v56, v27;
	v26 =	vld [tilespmem:s13+$0x18260]  }
0x35b: {  	v28 =	vadd.f32 v28, v37;
	v27 =	vadd.f32 v4, v35;
	v4 =	vld [tilespmem:s13+$0x14E70];
	[tilespmem:s13+$0xF230] =	vst v10;
	v10 =	vmul.f32 v17, v11  }
0x35c: {  	v35 =	vadd.f32 v16, v50;
	v14 =	vadd.f32 v14, v25;
	v16 =	vld [tilespmem:s13+$0x14E50];
	[tilespmem:s13+$0xF200] =	vst v24;
	v17 =	vmul.f32 v44, v11  }
0x35d: {  	v22 =	vadd.f32 v22, v32;
	v25 =	vadd.f32 v51, v29;
	v24 =	vld [tilespmem:s13+$0x14E00];
	v29 =	vmul.f32 v33, v11  }
0x35e: {  	v14 =	vadd.f32 v10, v14;
	v32 =	vld [tilespmem:s13+$0x14E40];
	v17 =	vadd.f32 v17, v28;
	v8 =	vmul.f32 v8, v12  }
0x35f: {  	v21 =	vadd.f32 v21, v22;
	v28 =	vld [tilespmem:s13+$0x17E10];
	v25 =	vadd.f32 v29, v25;
	v22 =	vmul.f32 v26, v12  }
0x360: {  	v10 =	vld [tilespmem:s20+$0x11E70];
	v26 =	vmul.f32 v4, v11;
	v8 =	vadd.f32 v8, v17;
	v17 =	vadd.f32 v54, v14  }
0x361: {  	v19 =	vadd.f32 v30, v19;
	v4 =	vld [tilespmem:s20+$0x17E40];
	v29 =	vmul.f32 v16, v11;
	v21 =	vadd.f32 v22, v21  }
0x362: {  	v18 =	vadd.f32 v43, v18;
	v14 =	vld [tilespmem:s20+$0x12240];
	v22 =	vmul.f32 v24, v11;
	v24 =	vadd.f32 v40, v25;
	[tilespmem:s13+$0xF240] =	vst v17  }
0x363: {  	v25 =	vadd.f32 v26, v27;
	v16 =	vld [tilespmem:s20+$0x12210];
	v19 =	vadd.f32 v29, v19;
	[tilespmem:s13+$0xF220] =	vst v8  }
0x364: {  	v23 =	vadd.f32 v23, v45;
	v8 =	vld [tilespmem:s20+$0x17E60];
	v18 =	vadd.f32 v22, v18;
	[tilespmem:s13+$0xEE30] =	vst v24  }
0x365: {  	v12 =	vmul.f32 v28, v12;
	v17 =	vld [tilespmem:s20+$0x15230];
	v19 =	vadd.f32 v20, v19;
	v20 =	vadd.f32 v55, v25;
	[tilespmem:s13+$0xF260] =	vst v21  }
0x366: {  	v11 =	vmul.f32 v32, v11;
	v22 =	vld [tilespmem:s20+$0x12260];
	v18 =	vadd.f32 v15, v18;
	v15 =	vadd.f32 v42, v41;
	[tilespmem:s13+$0xF250] =	vst v23  }
0x367: {  	v21 =	vadd.f32 v38, v39;
	v12 =	vadd.f32 v12, v36;
	v26 =	vld [tilespmem:s20+$0x17E20];
	[tilespmem:s13+$0xEE70] =	vst v20  }
0x368: {  	v11 =	vadd.f32 v11, v35;
	v25 =	vld [tilespmem:s20+$0x15200];
	[tilespmem:s13+$0xEE50] =	vst v19;
	v19 =	vadd.f32 v48, v15  }
0x369: {  	v15 =	vld [tilespmem:s20+$0x17E00];
	[tilespmem:s13+$0xEE60] =	vst v21  }
0x36a: {  	v11 =	vadd.f32 v46, v11;
	v21 =	vld [tilespmem:s20+$0x15260];
	[tilespmem:s13+$0xF210] =	vst v19  }
0x36b: {  	v30 =	vld [tilespmem:s20+$0x14E20];
	[tilespmem:s13+$0xEE10] =	vst v12  }
0x36c: {  	v20 =	vld [tilespmem:s20+$0x17E50];
	[tilespmem:s13+$0xEE00] =	vst v18  }
0x36d: {  	v33 =	vld [tilespmem:s20+$0x12250];
	[tilespmem:s13+$0xEE40] =	vst v11;
	s13 =	smov.u32 s20  }
0x36e: {  	v40 =	vld [tilespmem:s13+$0x14E10]  }
0x36f: {  	v36 =	vld [tilespmem:s13+$0x15250]  }
0x370: {  	v42 =	vld [tilespmem:s13+$0x15210]  }
0x371: {  	v43 =	vld [tilespmem:s13+$0x18270]  }
0x372: {  	v23 =	vld [tilespmem:s13+$0x18250]  }
0x373: {  	v32 =	vld [tilespmem:s13+$0x15270]  }
0x374: {  	v29 =	vld [tilespmem:s13+$0x18230]  }
0x375: {  	v18 =	vld [tilespmem:s13+$0x12270]  }
0x376: {  	v35 =	vld [tilespmem:s13+$0x12230]  }
0x377: {  	v19 =	vld [tilespmem:s13+$0x12220]  }
0x378: {  	v37 =	vld [tilespmem:s13+$0x12200]  }
0x379: {  	v46 =	vld [tilespmem:s13+$0xF270]  }
0x37a: {  	v39 =	vld [tilespmem:s13+$0xEE10]  }
0x37b: {  	v38 =	vld [tilespmem:s13+$0xEE50]  }
0x37c: {  	v49 =	vld [tilespmem:s13+$0xEE30]  }
0x37d: {  	v50 =	vld [tilespmem:s13+$0xEE70]  }
0x37e: {  	v24 =	vld.msk [tilespmem:s14+$0x0 ss:$0x0], $0xffff  }
0x37f: {  	v27 =	vld.msk [tilespmem:s15+$0x0 ss:$0x0], $0xffff  }
0x380: {  	v45 =	vld [tilespmem:s13+$0xF250]  }
0x381: {  	v11 =	vld.msk [tilespmem:s18+$0x0 ss:$0x0], $0xffff  }
0x382: {  	v44 =	vld [tilespmem:s13+$0xEE00]  }
0x383: {  	v12 =	vld.msk [tilespmem:s17+$0x0 ss:$0x0], $0xffff  }
0x384: {  	v47 =	vmul.f32 v34, v24;
	v28 =	vmul.f32 v19, v24;
	v54 =	vld [tilespmem:s13+$0xF260]  }
0x385: {  	v19 =	vmul.f32 v38, v27;
	v38 =	vmul.f32 v37, v24;
	v37 =	vld [tilespmem:s13+$0xF220]  }
0x386: {  	v34 =	vmul.f32 v18, v24;
	v39 =	vmul.f32 v39, v27;
	v41 =	vld [tilespmem:s13+$0xF210]  }
0x387: {  	v18 =	vmul.f32 v44, v27;
	v55 =	vld [tilespmem:s13+$0xEE20];
	v44 =	vmul.f32 v35, v24  }
.Ltmp2:
0x388: {  	v45 =	vmul.f32 v45, v27;
	v48 =	vadd.f32 v47, v39;
	v47 =	vmul.f32 v31, v24;
	v53 =	vld [tilespmem:s13+$0xEE60];
	(pc) =	sbr.rel @p0 .LBB2_7-.Ltmp2, $4  }
0x389: {  	v35 =	vmul.f32 v50, v27;
	v39 =	vmul.f32 v29, v12;
	v52 =	vld [tilespmem:s13+$0xF200]  }
0x38a: {  	v31 =	vmul.f32 v32, v11;
	v29 =	vmul.f32 v49, v27;
	v51 =	vld [tilespmem:s13+$0xF230]  }
0x38b: {  	s16 =	sadd.s32 $0x80, s16;
	s14 =	sadd.s32 $0x1, s14;
	s15 =	sadd.s32 $0x1, s15;
	v23 =	vmul.f32 v23, v12;
	v32 =	vmul.f32 v54, v27;
	v50 =	vld [tilespmem:s13+$0xEE40]  }
0x38c: {  	s21 =	smov.u32 s19;
	s18 =	sadd.s32 $0x1, s18;
	s17 =	sadd.s32 $0x1, s17;
	v37 =	vmul.f32 v37, v27;
	v49 =	vmul.f32 v55, v27;
	v54 =	vld [tilespmem:s13+$0x18240]  }
0x38d: {  	v46 =	vmul.f32 v46, v27  }
0x38e: {  	v53 =	vmul.f32 v53, v27;
	v43 =	vmul.f32 v43, v12  }
0x38f: {  	v42 =	vmul.f32 v42, v11;
	v40 =	vmul.f32 v40, v11  }
0x390: {  	v30 =	vmul.f32 v30, v11;
	v36 =	vmul.f32 v36, v11  }
0x391: {  	v9 =	vmul.f32 v9, v12;
	v13 =	vmul.f32 v13, v24  }
0x392: {  	v26 =	vmul.f32 v26, v12;
	v33 =	vmul.f32 v33, v24  }
0x393: {  	v7 =	vmul.f32 v7, v24;
	v17 =	vmul.f32 v17, v11  }
0x394: {  	v25 =	vmul.f32 v25, v11;
	v22 =	vmul.f32 v22, v24  }
0x395: {  	v56 =	vmul.f32 v41, v27;
	v16 =	vmul.f32 v16, v24  }
0x396: {  	v14 =	vmul.f32 v14, v24;
	v10 =	vmul.f32 v10, v24  }
0x397: {  	v5 =	vmul.f32 v5, v24;
	v47 =	vadd.f32 v47, v49;
	v28 =	vadd.f32 v28, v37  }
0x398: {  	v61 =	vld [tilespmem:s13+$0x17E70];
	v6 =	vmul.f32 v6, v24;
	v34 =	vadd.f32 v34, v46;
	v40 =	vadd.f32 v40, v48  }
0x399: {  	v62 =	vld [tilespmem:s13+$0xF240];
	v21 =	vmul.f32 v21, v11;
	v13 =	vadd.f32 v13, v53;
	v53 =	vadd.f32 v33, v45  }
0x39a: {  	v63 =	vld [tilespmem:s13+$0x14E60];
	v8 =	vmul.f32 v8, v12;
	v16 =	vadd.f32 v16, v56;
	v10 =	vadd.f32 v10, v35  }
0x39b: {  	v57 =	vld [tilespmem:s13+$0x15240];
	v52 =	vmul.f32 v52, v27;
	v6 =	vadd.f32 v6, v29;
	v22 =	vadd.f32 v22, v32  }
0x39c: {  	v60 =	vld [tilespmem:s13+$0x14E30];
	v51 =	vmul.f32 v51, v27;
	v7 =	vadd.f32 v7, v18;
	v30 =	vadd.f32 v30, v47  }
0x39d: {  	v59 =	vld [tilespmem:s13+$0x15220];
	v50 =	vmul.f32 v50, v27;
	v38 =	vadd.f32 v38, v52;
	v31 =	vadd.f32 v31, v34  }
0x39e: {  	v49 =	vld [tilespmem:s13+$0x11E50];
	v54 =	vmul.f32 v54, v12;
	v55 =	vadd.f32 v44, v51;
	v21 =	vadd.f32 v21, v22  }
0x39f: {  	v48 =	vld [tilespmem:s13+$0x18200];
	v16 =	vadd.f32 v42, v16;
	v46 =	vmul.f32 v61, v12;
	v26 =	vadd.f32 v26, v30  }
0x3a0: {  	v47 =	vld [tilespmem:s13+$0x14E00];
	v30 =	vadd.f32 v36, v53;
	v58 =	vmul.f32 v63, v11;
	v25 =	vadd.f32 v25, v38  }
0x3a1: {  	v44 =	vld [tilespmem:s13+$0x18210];
	v5 =	vadd.f32 v5, v50;
	v45 =	vmul.f32 v60, v11;
	v31 =	vadd.f32 v43, v31  }
0x3a2: {  	v51 =	vld [tilespmem:s13+$0x17E10];
	v62 =	vmul.f32 v62, v27;
	v17 =	vadd.f32 v17, v55;
	v13 =	vadd.f32 v58, v13  }
0x3a3: {  	v61 =	vld [tilespmem:s13+$0x18220];
	v37 =	vmul.f32 v57, v11;
	[tilespmem:s13+$0xEE20] =	vst v26;
	v6 =	vadd.f32 v45, v6;
	v57 =	vadd.f32 v23, v30  }
0x3a4: {  	v63 =	vld [tilespmem:s13+$0x18260];
	v43 =	vmul.f32 v59, v11;
	v14 =	vadd.f32 v14, v62;
	[tilespmem:s13+$0xF270] =	vst v31;
	v17 =	vadd.f32 v39, v17  }
0x3a5: {  	v36 =	vld [tilespmem:s13+$0x14E70];
	v49 =	vmul.f32 v49, v24;
	v31 =	vmul.f32 v48, v12;
	v6 =	vadd.f32 v9, v6;
	[tilespmem:s13+$0xF250] =	vst v57  }
0x3a6: {  	v50 =	vld [tilespmem:s13+$0x14E40];
	v62 =	vmul.f32 v15, v12;
	v14 =	vadd.f32 v37, v14;
	v8 =	vadd.f32 v8, v13;
	[tilespmem:s13+$0xF230] =	vst v17  }
0x3a7: {  	v39 =	vld [tilespmem:s13+$0x14E50];
	v48 =	vadd.f32 v43, v28;
	v58 =	vmul.f32 v44, v12;
	v25 =	vadd.f32 v31, v25;
	[tilespmem:s13+$0xEE30] =	vst v6  }
0x3a8: {  	v59 =	vmul.f32 v47, v11;
	v60 =	vmul.f32 v51, v12;
	v14 =	vadd.f32 v54, v14;
	[tilespmem:s13+$0xEE60] =	vst v8  }
0x3a9: {  	v26 =	vmul.f32 v61, v12;
	v52 =	vmul.f32 v63, v12;
	v63 =	vadd.f32 v58, v16;
	[tilespmem:s13+$0xF200] =	vst v25  }
0x3aa: {  	v19 =	vadd.f32 v49, v19;
	v53 =	vmul.f32 v36, v11;
	v6 =	vadd.f32 v60, v40;
	[tilespmem:s13+$0xF240] =	vst v14  }
0x3ab: {  	v61 =	vmul.f32 v50, v11;
	v7 =	vadd.f32 v59, v7;
	v25 =	vadd.f32 v26, v48;
	[tilespmem:s13+$0xF210] =	vst v63  }
0x3ac: {  	v56 =	vadd.f32 v52, v21;
	v10 =	vadd.f32 v53, v10;
	v54 =	vmul.f32 v39, v11;
	[tilespmem:s13+$0xEE10] =	vst v6  }
0x3ad: {  	v4 =	vmul.f32 v4, v12;
	s9 =	sadd.s32 $0x1, s9;
	v5 =	vadd.f32 v61, v5;
	v7 =	vadd.f32 v62, v7;
	[tilespmem:s13+$0xF220] =	vst v25  }
0x3ae: {  	p0 =	sne.s32 s9, $0x32;
	v55 =	vmul.f32 v20, v12;
	v10 =	vadd.f32 v46, v10;
	[tilespmem:s13+$0xF260] =	vst v56;
	v19 =	vadd.f32 v54, v19  }
.Ltmp3:
0x3af: {  	v4 =	vadd.f32 v4, v5;
	[tilespmem:s13+$0xEE00] =	vst v7;
	(pc) =	sbr.rel @p0 .LBB2_2-.Ltmp3, $4  }
0x3b0: {  	s12 =	sadd.s32 s5, s12;
	[tilespmem:s13+$0xEE70] =	vst v10;
	v9 =	vadd.f32 v55, v19  }
0x3b1: {  	s12 =	sshll.u32 s12, $0x5;
	[tilespmem:s13+$0xEE40] =	vst v4  }
0x3b2: {  	s12 =	sadd.s32 s3, s12;
	[tilespmem:s13+$0xEE50] =	vst v9  }
0x3b3: {  	[hbm4b:s12+s4] =	stream.linear.scatter [tilespmem:s7], [sflag:$0x4], $0x3000, $0x38;
	[tilespmem:$0x1AE00] =	vst v63  }
0x3b4: {  	_ =	swait.ge [sflag:s8], $0x3000  }
0x3b5: {  	[sflag:s8] =	ssyncset.done $0x0  }
0x3b6: {  	s12 =	simm.s32 $0x4;
	[sflag:s8] =	ssyncadd.s32 $0xFFFFD000  }
0x3b7: {  	_ =	swait.ge [sflag:s12], $0x3000  }
0x3b8: {  	s13 =	rddreg [dreg:$0x7]  }
0x3b9: {  	s9 =	rddreg [dreg:$0x6];
	s13 =	sadd.s32 $0x1, s13  }
0x3ba: {  	p0 =	sne.s32 s13, s9  }
.Ltmp4:
0x3bb: {  	_ = 	snop;
	(pc) =	sbr.rel @p0 .LBB2_1-.Ltmp4, $3  }
0x3bc: {  	_ =	sdelay $0x1  }
0x3bd: {  	[sflag:s12] =	ssyncset.done $0x0  }
0x3be: {  	[sflag:s12] =	ssyncadd.s32 $0xFFFFD000  }
0x3bf: {  	_ =	sfence.sel $0x180000  }
0x3c0: {  	[bflag:$0x0] =	sbarrier.arrive $0xFFFF  }
0x3c1: {  	_ =	strace $0x90000047  }
0x3c2: {  	s0 =	stileid.u32;
	[bflag:$0x2] =	sbarrier.arrive $0xFFFF  }
0x3c3: {  	p0 =	sne.s32 s0, $0x0;
	s0 =	rddreg [dreg:$0x3]  }
0x3c4: {  	s0 =	sadd.s32 @!p0 $0x100000, s0  }
0x3c5: {  	[sflag:s0] =	ssyncadd.tile.s32 @!p0 $0x1;
	_ =	shalt  }
.Lfunc_end2:
_tile_overlayer_lowered:
.L_overlay_start_2:
0x3c6: {  	(tag) =	ssettag $0x2  }
0x3c7: {  	s0 =	rddreg [dreg:$0x0];
	s2 =	stileid.u32  }
0x3c8: {  	s1 =	rddreg [dreg:$0x1];
	p0 =	sne.s32 s2, $0x0  }
0x3c9: {  	s3 =	rddreg [dreg:$0x2];
	[bflag:$0x3] =	sbarrier.arrive $0xFFFF;
	s2 =	simm.s32 @!p0 $0x1C05  }
0x3ca: {  	[timem:s3], [sflag:s2] =	dma.local @!p0 [hbm:s0], s1  }
0x3cb: {  	s0 =	simm.s32 @!p0 $0x5  }
0x3cc: {  	_ =	swait.ge @!p0 [sflag:s0], s1  }
0x3cd: {  	s1 =	ssub.s32 @!p0 $0x0, s1;
	[sflag:s0] =	ssyncset.done @!p0 $0x0  }
0x3ce: {  	[sflag:s0] =	ssyncadd.s32 @!p0 s1  }
0x3cf: {  	[bflag:$0x3] =	sbarrier.arrive $0xFFFF  }
0x3d0: {  	_ =	shalt  }

</sc_bundles>
